<compile_context>
chip_gen: v7x
topology: tpu7x:2x2x1
jax: 0.10.2.dev20260603
libtpu: 0.0.44.dev20260713+nightly
codegen_flags: <defaults>
</compile_context>

<pallas_src>
import functools

import jax
import jax.numpy as jnp
from jax import lax
from jax.experimental import pallas as pl
from jax.experimental.pallas import tpu as pltpu
from jax.experimental.pallas import tpu_sc as plsc

N = 10000
NP = 10240
E = 320000
NC = 2
NS = 16
NW = NC * NS
EW = E // NW
CH = 80
NCH = EW // CH
PT = NP // NS
W16 = 16

_f32 = jnp.float32


def _mesh():
    return plsc.VectorSubcoreMesh(core_axis_name="c", subcore_axis_name="s")


_SC_PARAMS = pltpu.CompilerParams(use_tc_tiling_on_sc=False)


def _sc_degrees(src_r, dst_r, ones16, zeros16):
    @functools.partial(
        pl.kernel,
        out_type=(
            jax.ShapeDtypeStruct((NC, NP, W16), _f32),
            jax.ShapeDtypeStruct((NC, NP, W16), _f32),
        ),
        mesh=_mesh(),
        compiler_params=_SC_PARAMS,
        scratch_types=[
            pltpu.VMEM((NCH, CH), jnp.int32),
            pltpu.VMEM((NCH, CH), jnp.int32),
            pltpu.VMEM((CH, W16), _f32),
            pltpu.VMEM((CH, W16), _f32),
            pltpu.VMEM_SHARED((NP, W16), _f32),
            pltpu.VMEM_SHARED((NP, W16), _f32),
            pltpu.SemaphoreType.DMA,
        ],
    )
    def deg_kernel(src_hbm, dst_hbm, ones_hbm, z16_hbm, dego_hbm, degi_hbm,
                   src_v, dst_v, ones_v, obuf, dsh_o, dsh_i, sem):
        cid = lax.axis_index("c")
        sid = lax.axis_index("s")
        wid = sid * NC + cid
        pltpu.sync_copy(src_hbm.at[wid], src_v)
        pltpu.sync_copy(dst_hbm.at[wid], dst_v)
        pltpu.sync_copy(ones_hbm, ones_v)
        pltpu.sync_copy(z16_hbm, dsh_o.at[pl.ds(sid * PT, PT)])
        pltpu.sync_copy(z16_hbm, dsh_i.at[pl.ds(sid * PT, PT)])
        plsc.subcore_barrier()

        def group(i, carry):
            ds = []
            for b in range(5):
                j = i * 5 + b
                ds.append(pltpu.async_copy(
                    ones_v, dsh_o.at[src_v.at[j]], sem, add=True))
                ds.append(pltpu.async_copy(
                    ones_v, dsh_i.at[dst_v.at[j]], sem, add=True))
            for dsc in ds:
                dsc.wait()
            return carry

        lax.fori_loop(0, NCH // 5, group, 0)
        plsc.subcore_barrier()

        def out_body(k, carry):
            row = sid * PT + k * CH
            pltpu.sync_copy(dsh_o.at[pl.ds(row, CH)], obuf)
            pltpu.sync_copy(obuf, dego_hbm.at[cid].at[pl.ds(row, CH)])
            pltpu.sync_copy(dsh_i.at[pl.ds(row, CH)], obuf)
            pltpu.sync_copy(obuf, degi_hbm.at[cid].at[pl.ds(row, CH)])
            return carry

        lax.fori_loop(0, PT // CH, out_body, 0)

    return deg_kernel(src_r, dst_r, ones16, zeros16)


PH = 63


def _sc_propagate(src_r, dst_r, u, din16, zeros_tile, zeros16):
    @functools.partial(
        pl.kernel,
        out_type=(
            jax.ShapeDtypeStruct((NC, NP, 128), _f32),
            jax.ShapeDtypeStruct((NC, NP, W16), _f32),
        ),
        mesh=_mesh(),
        compiler_params=_SC_PARAMS,
        scratch_types=[
            pltpu.VMEM((PH, CH), jnp.int32),
            pltpu.VMEM((PH, CH), jnp.int32),
            pltpu.VMEM((CH, 128), _f32),
            pltpu.VMEM((CH, 128), _f32),
            pltpu.VMEM((CH, W16), _f32),
            pltpu.VMEM((CH, W16), _f32),
            pltpu.VMEM_SHARED((NP, 128), _f32),
            pltpu.VMEM_SHARED((NP, W16), _f32),
            pltpu.SemaphoreType.DMA,
            pltpu.SemaphoreType.DMA,
            pltpu.SemaphoreType.DMA,
            pltpu.SemaphoreType.DMA,
        ],
    )
    def prop_kernel(src_hbm, dst_hbm, u_hbm, din_hbm, zt_hbm, z16_hbm,
                    agg_out, c_out,
                    src_v, dst_v, gbuf0, gbuf1, dbuf0, dbuf1, agg_sh, c_sh,
                    gsem0, gsem1, dsem0, dsem1):
        cid = lax.axis_index("c")
        sid = lax.axis_index("s")
        wid = sid * NC + cid
        pltpu.sync_copy(zt_hbm, agg_sh.at[pl.ds(sid * PT, PT)])
        pltpu.sync_copy(z16_hbm, c_sh.at[pl.ds(sid * PT, PT)])
        plsc.subcore_barrier()

        def g_start(j, buf, sem):
            pltpu.async_copy(u_hbm.at[src_v.at[j]], buf, sem)

        def d_start(j, buf, sem):
            pltpu.async_copy(din_hbm.at[dst_v.at[j]], buf, sem)

        def g_wait(buf, sem):
            pltpu.make_async_copy(u_hbm.at[pl.ds(0, CH)], buf, sem).wait()

        def d_wait(buf, sem):
            pltpu.make_async_copy(din_hbm.at[pl.ds(0, CH)], buf, sem).wait()

        def s_add(j, buf):
            pltpu.sync_copy(buf, agg_sh.at[dst_v.at[j]], add=True)

        def c_add(j, buf):
            pltpu.sync_copy(buf, c_sh.at[src_v.at[j]], add=True)

        for p, n_chunks in enumerate((PH, NCH - PH)):
            base = p * PH
            pltpu.sync_copy(src_hbm.at[wid].at[pl.ds(base, n_chunks)],
                            src_v.at[pl.ds(0, n_chunks)])
            pltpu.sync_copy(dst_hbm.at[wid].at[pl.ds(base, n_chunks)],
                            dst_v.at[pl.ds(0, n_chunks)])
            n_pipe = n_chunks if n_chunks % 2 == 1 else n_chunks - 1
            g_start(0, gbuf0, gsem0)
            d_start(0, dbuf0, dsem0)

            def pair(i, carry):
                j0 = 2 * i
                g_start(j0 + 1, gbuf1, gsem1)
                d_start(j0 + 1, dbuf1, dsem1)
                g_wait(gbuf0, gsem0)
                d_wait(dbuf0, dsem0)
                s_add(j0, gbuf0)
                c_add(j0, dbuf0)
                g_start(j0 + 2, gbuf0, gsem0)
                d_start(j0 + 2, dbuf0, dsem0)
                g_wait(gbuf1, gsem1)
                d_wait(dbuf1, dsem1)
                s_add(j0 + 1, gbuf1)
                c_add(j0 + 1, dbuf1)
                return carry

            lax.fori_loop(0, (n_pipe - 1) // 2, pair, 0)
            g_wait(gbuf0, gsem0)
            d_wait(dbuf0, dsem0)
            s_add(n_pipe - 1, gbuf0)
            c_add(n_pipe - 1, dbuf0)
            if n_chunks % 2 == 0:
                pltpu.sync_copy(u_hbm.at[src_v.at[n_chunks - 1]], gbuf1)
                pltpu.sync_copy(din_hbm.at[dst_v.at[n_chunks - 1]], dbuf1)
                s_add(n_chunks - 1, gbuf1)
                c_add(n_chunks - 1, dbuf1)
        plsc.subcore_barrier()

        def w_start(k, buf):
            return pltpu.async_copy(
                buf, agg_out.at[cid].at[pl.ds(sid * PT + k * CH, CH)], gsem0)

        def w_wait(buf):
            pltpu.make_async_copy(
                buf, agg_out.at[cid].at[pl.ds(sid * PT, CH)], gsem0).wait()

        pltpu.sync_copy(agg_sh.at[pl.ds(sid * PT, CH)], gbuf0)
        w_start(0, gbuf0)

        def out_pair(i, carry):
            k0 = 2 * i
            pltpu.sync_copy(agg_sh.at[pl.ds(sid * PT + (k0 + 1) * CH, CH)],
                            gbuf1)
            w_start(k0 + 1, gbuf1)
            pltpu.sync_copy(c_sh.at[pl.ds(sid * PT + k0 * CH, CH)], dbuf0)
            pltpu.sync_copy(dbuf0, c_out.at[cid].at[pl.ds(sid * PT + k0 * CH,
                                                          CH)])
            w_wait(gbuf0)
            @pl.when(k0 + 2 < PT // CH)
            def _():
                pltpu.sync_copy(
                    agg_sh.at[pl.ds(sid * PT + (k0 + 2) * CH, CH)], gbuf0)
                w_start(k0 + 2, gbuf0)
            pltpu.sync_copy(c_sh.at[pl.ds(sid * PT + (k0 + 1) * CH, CH)],
                            dbuf0)
            pltpu.sync_copy(dbuf0,
                            c_out.at[cid].at[pl.ds(sid * PT + (k0 + 1) * CH,
                                                   CH)])
            w_wait(gbuf1)
            return carry

        lax.fori_loop(0, PT // CH // 2, out_pair, 0)

    return prop_kernel(src_r, dst_r, u, din16, zeros_tile, zeros16)


def _tc_pre_body(x_ref, w_ref, dpo_ref, dpi_ref, u_ref, din_ref, dout_ref):
    do = (dpo_ref[0] + dpo_ref[1])[:, :1]
    di = (dpi_ref[0] + dpi_ref[1])[:, :1]
    dout = lax.rsqrt(jnp.maximum(do, 1.0))
    din = lax.rsqrt(jnp.maximum(di, 1.0))
    dout_ref[...] = dout
    din_ref[...] = jnp.broadcast_to(din, (NP, W16))
    u_ref[...] = jnp.dot(x_ref[...], w_ref[...],
                         preferred_element_type=jnp.float32) * dout[:N]


def _tc_pre(x, W1, degp_out, degp_in):
    return pl.pallas_call(
        _tc_pre_body,
        out_shape=(
            jax.ShapeDtypeStruct((N, 128), _f32),
            jax.ShapeDtypeStruct((NP, W16), _f32),
            jax.ShapeDtypeStruct((NP, 1), _f32),
        ),
    )(x, W1, degp_out, degp_in)


def _tc_post_body(aggp_ref, cp_ref, din_ref, dout_ref, b1_ref, w2_ref,
                  b2_ref, o_ref):
    agg = aggp_ref[0] + aggp_ref[1]
    din = din_ref[...][:, :1]
    h = jnp.maximum(agg * din + b1_ref[...][None, :], 0.0)
    z = h * dout_ref[...]
    c = (cp_ref[0] + cp_ref[1])[:, :1]
    v = jnp.sum(z * c, axis=0, keepdims=True)
    o_ref[...] = (jnp.dot(v * (1.0 / N), w2_ref[...],
                          preferred_element_type=jnp.float32)
                  + b2_ref[...][None, :])


def _tc_post(aggp, cp, din16, dout_col, b1, W2, b2):
    return pl.pallas_call(
        _tc_post_body,
        out_shape=jax.ShapeDtypeStruct((1, 64), _f32),
    )(aggp, cp, din16, dout_col, b1, W2, b2)


def kernel(x, edge_index, e_h, W1, b1, W2, b2, param_mu, param_sigma):
    del e_h, param_mu, param_sigma
    src_s = edge_index[0].reshape(NW, NCH, CH)
    dst_s = edge_index[1].reshape(NW, NCH, CH)
    ones16 = jnp.ones((CH, W16), _f32)
    zeros16 = jnp.zeros((PT, W16), _f32)
    zeros_tile = jnp.zeros((PT, 128), _f32)

    degp_out, degp_in = _sc_degrees(src_s, dst_s, ones16, zeros16)
    u, din16, dout_col = _tc_pre(x, W1, degp_out, degp_in)
    aggp, cp = _sc_propagate(src_s, dst_s, u, din16, zeros_tile, zeros16)
    return _tc_post(aggp, cp, din16, dout_col, b1, W2, b2)

# --- scband reference (transcript-rebuilt; emitter-appended) ---
"""Pipeline reference for scband-gcn-42417097015695 (READ-ONLY COPY).

The authoritative reference and input builder live on the scoring server;
editing this copy changes nothing except your own understanding.
"""

import jax, jax.numpy as jnp
import numpy as np

N = 10000
E = 320000
D_IN = 128
D_HID = 128
D_OUT = 64


def setup_inputs(seed: int = 0) -> dict:
    key = jax.random.key(seed)
    ks = jax.random.split(key, 8)
    x = jax.random.normal(ks[0], (N, D_IN), dtype=jnp.float32)
    edge_index = jax.random.randint(ks[1], (2, E), 0, N, dtype=jnp.int32)
    e_h = jax.random.normal(ks[2], (E,), dtype=jnp.float32)
    # GraphConv weights (glorot-style scaling) and biases
    W1 = jax.random.normal(ks[3], (D_IN, D_HID), dtype=jnp.float32) * (1.0 / np.sqrt(D_IN))
    b1 = jnp.zeros((D_HID,), dtype=jnp.float32)
    W2 = jax.random.normal(ks[4], (D_HID, D_OUT), dtype=jnp.float32) * (1.0 / np.sqrt(D_HID))
    b2 = jnp.zeros((D_OUT,), dtype=jnp.float32)
    param_mu = jnp.array(0.0, dtype=jnp.float32)
    param_sigma = jnp.array(1.0, dtype=jnp.float32)
    return {"x": x, "edge_index": edge_index, "e_h": e_h, "W1": W1, "b1": b1,
            "W2": W2, "b2": b2, "param_mu": param_mu, "param_sigma": param_sigma}


def _graph_conv(h, src, dst, W, b):
    # DGL GraphConv with norm='both', allow_zero_in_degree=True
    ones = jnp.ones((E,), dtype=h.dtype)
    deg_out = jnp.maximum(jax.ops.segment_sum(ones, src, num_segments=N), 1.0)
    deg_in = jnp.maximum(jax.ops.segment_sum(ones, dst, num_segments=N), 1.0)
    h = h * (deg_out ** -0.5)[:, None]
    msg = jnp.take(h, src, axis=0)
    agg = jax.ops.segment_sum(msg, dst, num_segments=N)
    agg = agg * (deg_in ** -0.5)[:, None]
    return agg @ W + b


def reference(x, edge_index, e_h, W1, b1, W2, b2, param_mu, param_sigma):
    src = edge_index[0]
    dst = edge_index[1]
    # edata transform (stored into g.edata['h']; not consumed by GraphConv)
    pow_param = (e_h - param_mu) * (e_h - param_mu) / (-param_sigma)
    efeat = jnp.log(pow_param)
    _ = efeat  # kept faithful to original; GraphConv ignores edge features
    h = _graph_conv(x, src, dst, W1, b1)
    h = jax.nn.relu(h)
    h = _graph_conv(h, src, dst, W2, b2)
    # dgl.mean_nodes over a single graph -> [1, num_classes]
    out = jnp.mean(h, axis=0, keepdims=True)
    return out

if __name__ == "__main__":
    import jax
    _d = setup_inputs()
    print(jax.jit(kernel)(*tuple(_d.values())))

</pallas_src>

<mosaic_0001>
#map = affine_map<(d0, d1) -> (0, 0, 0)>
#map1 = affine_map<(d0, d1) -> (0, 0)>
module attributes {stable_mosaic.version = 14 : i64} {
  func.func @deg_kernel(%arg0: i32, %arg1: i32, %arg2: memref<32x125x80xi32, #tpu.memory_space<hbm>>, %arg3: memref<32x125x80xi32, #tpu.memory_space<hbm>>, %arg4: memref<80x16xf32, #tpu.memory_space<hbm>>, %arg5: memref<640x16xf32, #tpu.memory_space<hbm>>, %arg6: memref<2x10240x16xf32, #tpu.memory_space<hbm>>, %arg7: memref<2x10240x16xf32, #tpu.memory_space<hbm>>, %arg8: memref<125x80xi32, #tpu.memory_space<vmem>>, %arg9: memref<125x80xi32, #tpu.memory_space<vmem>>, %arg10: memref<80x16xf32, #tpu.memory_space<vmem>>, %arg11: memref<80x16xf32, #tpu.memory_space<vmem>>, %arg12: memref<10240x16xf32, #tpu.memory_space<vmem_shared>>, %arg13: memref<10240x16xf32, #tpu.memory_space<vmem_shared>>, %arg14: memref<!tpu.dma_semaphore, #tpu.memory_space<semaphore_mem>>) attributes {dimension_semantics = [#tpu.dimension_semantics<core_parallel>, #tpu.dimension_semantics<subcore_parallel>], iteration_bounds = array<i64: 2, 16>, scalar_prefetch = 0 : i64, scratch_operands = 7 : i64, tpu.core_type = #tpu.core_type<sc_vector_subcore>, window_params = [{transform_indices = #map}, {transform_indices = #map}, {transform_indices = #map1}, {transform_indices = #map1}, {transform_indices = #map}, {transform_indices = #map}]} {
    %mul3A = arith.constant 2 : i32
    %mul3A_0 = arith.muli %arg1, %mul3A : i32
    %add3A = arith.addi %mul3A_0, %arg0 : i32
    "tpu.region"() ({
      %run_scoped3A = tpu.sem_alloc : memref<!tpu.dma_semaphore, #tpu.memory_space<semaphore_mem>>
      %dma_start3A = arith.constant 0 : i32
      %dma_start3A_17 = arith.constant 0 : i32
      %dma_start3A_18 = tpu.memref_slice %arg2[%add3A, %dma_start3A, %dma_start3A_17] : memref<32x125x80xi32, #tpu.memory_space<hbm>> -> memref<1x125x80xi32, #tpu.memory_space<hbm>>
      %dma_start3A_19 = tpu.memref_squeeze %dma_start3A_18 : memref<1x125x80xi32, #tpu.memory_space<hbm>> -> memref<125x80xi32, #tpu.memory_space<hbm>>
      %dma_start3A_20 = arith.constant 0 : i32
      %dma_start3A_21 = arith.constant 0 : i32
      %dma_start3A_22 = tpu.memref_slice %arg2[%add3A, %dma_start3A_20, %dma_start3A_21] : memref<32x125x80xi32, #tpu.memory_space<hbm>> -> memref<1x125x80xi32, #tpu.memory_space<hbm>>
      %dma_start3A_23 = tpu.memref_squeeze %dma_start3A_22 : memref<1x125x80xi32, #tpu.memory_space<hbm>> -> memref<125x80xi32, #tpu.memory_space<hbm>>
      tpu.enqueue_dma source(%dma_start3A_23 : memref<125x80xi32, #tpu.memory_space<hbm>>) target(%arg8 : memref<125x80xi32, #tpu.memory_space<vmem>>) target_semaphore(%run_scoped3A : memref<!tpu.dma_semaphore, #tpu.memory_space<semaphore_mem>>)
      %dma_wait3A = arith.constant 0 : i32
      %dma_wait3A_24 = arith.constant 0 : i32
      %dma_wait3A_25 = tpu.memref_slice %arg2[%add3A, %dma_wait3A, %dma_wait3A_24] : memref<32x125x80xi32, #tpu.memory_space<hbm>> -> memref<1x125x80xi32, #tpu.memory_space<hbm>>
      %dma_wait3A_26 = tpu.memref_squeeze %dma_wait3A_25 : memref<1x125x80xi32, #tpu.memory_space<hbm>> -> memref<125x80xi32, #tpu.memory_space<hbm>>
      %dma_wait3A_27 = arith.constant 0 : i32
      %dma_wait3A_28 = arith.constant 0 : i32
      %dma_wait3A_29 = tpu.memref_slice %arg2[%add3A, %dma_wait3A_27, %dma_wait3A_28] : memref<32x125x80xi32, #tpu.memory_space<hbm>> -> memref<1x125x80xi32, #tpu.memory_space<hbm>>
      %dma_wait3A_30 = tpu.memref_squeeze %dma_wait3A_29 : memref<1x125x80xi32, #tpu.memory_space<hbm>> -> memref<125x80xi32, #tpu.memory_space<hbm>>
      tpu.wait_dma2 semaphore(%run_scoped3A : memref<!tpu.dma_semaphore, #tpu.memory_space<semaphore_mem>>) src(%dma_wait3A_30 : memref<125x80xi32, #tpu.memory_space<hbm>>) dst(%arg8 : memref<125x80xi32, #tpu.memory_space<vmem>>)
      tpu.yield
    }) : () -> ()
    "tpu.region"() ({
      %run_scoped3A = tpu.sem_alloc : memref<!tpu.dma_semaphore, #tpu.memory_space<semaphore_mem>>
      %dma_start3A = arith.constant 0 : i32
      %dma_start3A_17 = arith.constant 0 : i32
      %dma_start3A_18 = tpu.memref_slice %arg3[%add3A, %dma_start3A, %dma_start3A_17] : memref<32x125x80xi32, #tpu.memory_space<hbm>> -> memref<1x125x80xi32, #tpu.memory_space<hbm>>
      %dma_start3A_19 = tpu.memref_squeeze %dma_start3A_18 : memref<1x125x80xi32, #tpu.memory_space<hbm>> -> memref<125x80xi32, #tpu.memory_space<hbm>>
      %dma_start3A_20 = arith.constant 0 : i32
      %dma_start3A_21 = arith.constant 0 : i32
      %dma_start3A_22 = tpu.memref_slice %arg3[%add3A, %dma_start3A_20, %dma_start3A_21] : memref<32x125x80xi32, #tpu.memory_space<hbm>> -> memref<1x125x80xi32, #tpu.memory_space<hbm>>
      %dma_start3A_23 = tpu.memref_squeeze %dma_start3A_22 : memref<1x125x80xi32, #tpu.memory_space<hbm>> -> memref<125x80xi32, #tpu.memory_space<hbm>>
      tpu.enqueue_dma source(%dma_start3A_23 : memref<125x80xi32, #tpu.memory_space<hbm>>) target(%arg9 : memref<125x80xi32, #tpu.memory_space<vmem>>) target_semaphore(%run_scoped3A : memref<!tpu.dma_semaphore, #tpu.memory_space<semaphore_mem>>)
      %dma_wait3A = arith.constant 0 : i32
      %dma_wait3A_24 = arith.constant 0 : i32
      %dma_wait3A_25 = tpu.memref_slice %arg3[%add3A, %dma_wait3A, %dma_wait3A_24] : memref<32x125x80xi32, #tpu.memory_space<hbm>> -> memref<1x125x80xi32, #tpu.memory_space<hbm>>
      %dma_wait3A_26 = tpu.memref_squeeze %dma_wait3A_25 : memref<1x125x80xi32, #tpu.memory_space<hbm>> -> memref<125x80xi32, #tpu.memory_space<hbm>>
      %dma_wait3A_27 = arith.constant 0 : i32
      %dma_wait3A_28 = arith.constant 0 : i32
      %dma_wait3A_29 = tpu.memref_slice %arg3[%add3A, %dma_wait3A_27, %dma_wait3A_28] : memref<32x125x80xi32, #tpu.memory_space<hbm>> -> memref<1x125x80xi32, #tpu.memory_space<hbm>>
      %dma_wait3A_30 = tpu.memref_squeeze %dma_wait3A_29 : memref<1x125x80xi32, #tpu.memory_space<hbm>> -> memref<125x80xi32, #tpu.memory_space<hbm>>
      tpu.wait_dma2 semaphore(%run_scoped3A : memref<!tpu.dma_semaphore, #tpu.memory_space<semaphore_mem>>) src(%dma_wait3A_30 : memref<125x80xi32, #tpu.memory_space<hbm>>) dst(%arg9 : memref<125x80xi32, #tpu.memory_space<vmem>>)
      tpu.yield
    }) : () -> ()
    "tpu.region"() ({
      %run_scoped3A = tpu.sem_alloc : memref<!tpu.dma_semaphore, #tpu.memory_space<semaphore_mem>>
      tpu.enqueue_dma source(%arg4 : memref<80x16xf32, #tpu.memory_space<hbm>>) target(%arg10 : memref<80x16xf32, #tpu.memory_space<vmem>>) target_semaphore(%run_scoped3A : memref<!tpu.dma_semaphore, #tpu.memory_space<semaphore_mem>>)
      tpu.wait_dma2 semaphore(%run_scoped3A : memref<!tpu.dma_semaphore, #tpu.memory_space<semaphore_mem>>) src(%arg4 : memref<80x16xf32, #tpu.memory_space<hbm>>) dst(%arg10 : memref<80x16xf32, #tpu.memory_space<vmem>>)
      tpu.yield
    }) : () -> ()
    %mul3A_1 = arith.constant 640 : i32
    %mul3A_2 = arith.muli %arg1, %mul3A_1 : i32
    "tpu.region"() ({
      %run_scoped3A = tpu.sem_alloc : memref<!tpu.dma_semaphore, #tpu.memory_space<semaphore_mem>>
      %dma_start3A = arith.constant 0 : i32
      %dma_start3A_17 = tpu.memref_slice %arg12[%mul3A_2, %dma_start3A] : memref<10240x16xf32, #tpu.memory_space<vmem_shared>> -> memref<640x16xf32, #tpu.memory_space<vmem_shared>>
      tpu.enqueue_dma source(%arg5 : memref<640x16xf32, #tpu.memory_space<hbm>>) target(%dma_start3A_17 : memref<640x16xf32, #tpu.memory_space<vmem_shared>>) target_semaphore(%run_scoped3A : memref<!tpu.dma_semaphore, #tpu.memory_space<semaphore_mem>>)
      %dma_wait3A = arith.constant 0 : i32
      %dma_wait3A_18 = tpu.memref_slice %arg12[%mul3A_2, %dma_wait3A] : memref<10240x16xf32, #tpu.memory_space<vmem_shared>> -> memref<640x16xf32, #tpu.memory_space<vmem_shared>>
      tpu.wait_dma2 semaphore(%run_scoped3A : memref<!tpu.dma_semaphore, #tpu.memory_space<semaphore_mem>>) src(%arg5 : memref<640x16xf32, #tpu.memory_space<hbm>>) dst(%dma_wait3A_18 : memref<640x16xf32, #tpu.memory_space<vmem_shared>>)
      tpu.yield
    }) : () -> ()
    %mul3A_3 = arith.constant 640 : i32
    %mul3A_4 = arith.muli %arg1, %mul3A_3 : i32
    "tpu.region"() ({
      %run_scoped3A = tpu.sem_alloc : memref<!tpu.dma_semaphore, #tpu.memory_space<semaphore_mem>>
      %dma_start3A = arith.constant 0 : i32
      %dma_start3A_17 = tpu.memref_slice %arg13[%mul3A_4, %dma_start3A] : memref<10240x16xf32, #tpu.memory_space<vmem_shared>> -> memref<640x16xf32, #tpu.memory_space<vmem_shared>>
      tpu.enqueue_dma source(%arg5 : memref<640x16xf32, #tpu.memory_space<hbm>>) target(%dma_start3A_17 : memref<640x16xf32, #tpu.memory_space<vmem_shared>>) target_semaphore(%run_scoped3A : memref<!tpu.dma_semaphore, #tpu.memory_space<semaphore_mem>>)
      %dma_wait3A = arith.constant 0 : i32
      %dma_wait3A_18 = tpu.memref_slice %arg13[%mul3A_4, %dma_wait3A] : memref<10240x16xf32, #tpu.memory_space<vmem_shared>> -> memref<640x16xf32, #tpu.memory_space<vmem_shared>>
      tpu.wait_dma2 semaphore(%run_scoped3A : memref<!tpu.dma_semaphore, #tpu.memory_space<semaphore_mem>>) src(%arg5 : memref<640x16xf32, #tpu.memory_space<hbm>>) dst(%dma_wait3A_18 : memref<640x16xf32, #tpu.memory_space<vmem_shared>>)
      tpu.yield
    }) : () -> ()
    %barrier3A = arith.constant 0 : index
    tpu.barrier barrier_id(%barrier3A)
    %scan3A = arith.constant 0 : i32
    %scan3A_5 = arith.constant 0 : i32
    %scan3A_6 = arith.constant 25 : i32
    %scan3A_7 = arith.addi %scan3A_5, %scan3A_6 : i32
    %scan3A_8 = arith.constant 1 : i32
    scf.for %scan3A_17 = %scan3A_5 to %scan3A_7 step %scan3A_8  : i32 {
      %mul3A_18 = arith.constant 5 : i32
      %mul3A_19 = arith.muli %scan3A_17, %mul3A_18 : i32
      %add3A_20 = arith.constant 0 : i32
      %add3A_21 = arith.addi %mul3A_19, %add3A_20 : i32
      %dma_start3A = arith.constant 0 : i32
      %dma_start3A_22 = tpu.memref_slice %arg8[%add3A_21, %dma_start3A] : memref<125x80xi32, #tpu.memory_space<vmem>> -> memref<1x80xi32, #tpu.memory_space<vmem>>
      %dma_start3A_23 = tpu.memref_squeeze %dma_start3A_22 : memref<1x80xi32, #tpu.memory_space<vmem>> -> memref<80xi32, #tpu.memory_space<vmem>>
      %dma_start3A_24 = arith.constant 0 : i32
      %dma_start3A_25 = arith.constant 0 : i32
      %dma_start3A_26 = tpu.memref_slice %arg12[%dma_start3A_24, %dma_start3A_25] : memref<10240x16xf32, #tpu.memory_space<vmem_shared>> -> memref<10240x16xf32, #tpu.memory_space<vmem_shared>>
      tpu.enqueue_indirect_dma source(%arg10 : memref<80x16xf32, #tpu.memory_space<vmem>>) target(%dma_start3A_26 : memref<10240x16xf32, #tpu.memory_space<vmem_shared>>) offsets(%dma_start3A_23 : memref<80xi32, #tpu.memory_space<vmem>>) semaphore(%arg14 : memref<!tpu.dma_semaphore, #tpu.memory_space<semaphore_mem>>) {add = true}
      %dma_start3A_27 = arith.constant 0 : i32
      %dma_start3A_28 = tpu.memref_slice %arg9[%add3A_21, %dma_start3A_27] : memref<125x80xi32, #tpu.memory_space<vmem>> -> memref<1x80xi32, #tpu.memory_space<vmem>>
      %dma_start3A_29 = tpu.memref_squeeze %dma_start3A_28 : memref<1x80xi32, #tpu.memory_space<vmem>> -> memref<80xi32, #tpu.memory_space<vmem>>
      %dma_start3A_30 = arith.constant 0 : i32
      %dma_start3A_31 = arith.constant 0 : i32
      %dma_start3A_32 = tpu.memref_slice %arg13[%dma_start3A_30, %dma_start3A_31] : memref<10240x16xf32, #tpu.memory_space<vmem_shared>> -> memref<10240x16xf32, #tpu.memory_space<vmem_shared>>
      tpu.enqueue_indirect_dma source(%arg10 : memref<80x16xf32, #tpu.memory_space<vmem>>) target(%dma_start3A_32 : memref<10240x16xf32, #tpu.memory_space<vmem_shared>>) offsets(%dma_start3A_29 : memref<80xi32, #tpu.memory_space<vmem>>) semaphore(%arg14 : memref<!tpu.dma_semaphore, #tpu.memory_space<semaphore_mem>>) {add = true}
      %mul3A_33 = arith.constant 5 : i32
      %mul3A_34 = arith.muli %scan3A_17, %mul3A_33 : i32
      %add3A_35 = arith.constant 1 : i32
      %add3A_36 = arith.addi %mul3A_34, %add3A_35 : i32
      %dma_start3A_37 = arith.constant 0 : i32
      %dma_start3A_38 = tpu.memref_slice %arg8[%add3A_36, %dma_start3A_37] : memref<125x80xi32, #tpu.memory_space<vmem>> -> memref<1x80xi32, #tpu.memory_space<vmem>>
      %dma_start3A_39 = tpu.memref_squeeze %dma_start3A_38 : memref<1x80xi32, #tpu.memory_space<vmem>> -> memref<80xi32, #tpu.memory_space<vmem>>
      %dma_start3A_40 = arith.constant 0 : i32
      %dma_start3A_41 = arith.constant 0 : i32
      %dma_start3A_42 = tpu.memref_slice %arg12[%dma_start3A_40, %dma_start3A_41] : memref<10240x16xf32, #tpu.memory_space<vmem_shared>> -> memref<10240x16xf32, #tpu.memory_space<vmem_shared>>
      tpu.enqueue_indirect_dma source(%arg10 : memref<80x16xf32, #tpu.memory_space<vmem>>) target(%dma_start3A_42 : memref<10240x16xf32, #tpu.memory_space<vmem_shared>>) offsets(%dma_start3A_39 : memref<80xi32, #tpu.memory_space<vmem>>) semaphore(%arg14 : memref<!tpu.dma_semaphore, #tpu.memory_space<semaphore_mem>>) {add = true}
      %dma_start3A_43 = arith.constant 0 : i32
      %dma_start3A_44 = tpu.memref_slice %arg9[%add3A_36, %dma_start3A_43] : memref<125x80xi32, #tpu.memory_space<vmem>> -> memref<1x80xi32, #tpu.memory_space<vmem>>
      %dma_start3A_45 = tpu.memref_squeeze %dma_start3A_44 : memref<1x80xi32, #tpu.memory_space<vmem>> -> memref<80xi32, #tpu.memory_space<vmem>>
      %dma_start3A_46 = arith.constant 0 : i32
      %dma_start3A_47 = arith.constant 0 : i32
      %dma_start3A_48 = tpu.memref_slice %arg13[%dma_start3A_46, %dma_start3A_47] : memref<10240x16xf32, #tpu.memory_space<vmem_shared>> -> memref<10240x16xf32, #tpu.memory_space<vmem_shared>>
      tpu.enqueue_indirect_dma source(%arg10 : memref<80x16xf32, #tpu.memory_space<vmem>>) target(%dma_start3A_48 : memref<10240x16xf32, #tpu.memory_space<vmem_shared>>) offsets(%dma_start3A_45 : memref<80xi32, #tpu.memory_space<vmem>>) semaphore(%arg14 : memref<!tpu.dma_semaphore, #tpu.memory_space<semaphore_mem>>) {add = true}
      %mul3A_49 = arith.constant 5 : i32
      %mul3A_50 = arith.muli %scan3A_17, %mul3A_49 : i32
      %add3A_51 = arith.constant 2 : i32
      %add3A_52 = arith.addi %mul3A_50, %add3A_51 : i32
      %dma_start3A_53 = arith.constant 0 : i32
      %dma_start3A_54 = tpu.memref_slice %arg8[%add3A_52, %dma_start3A_53] : memref<125x80xi32, #tpu.memory_space<vmem>> -> memref<1x80xi32, #tpu.memory_space<vmem>>
      %dma_start3A_55 = tpu.memref_squeeze %dma_start3A_54 : memref<1x80xi32, #tpu.memory_space<vmem>> -> memref<80xi32, #tpu.memory_space<vmem>>
      %dma_start3A_56 = arith.constant 0 : i32
      %dma_start3A_57 = arith.constant 0 : i32
      %dma_start3A_58 = tpu.memref_slice %arg12[%dma_start3A_56, %dma_start3A_57] : memref<10240x16xf32, #tpu.memory_space<vmem_shared>> -> memref<10240x16xf32, #tpu.memory_space<vmem_shared>>
      tpu.enqueue_indirect_dma source(%arg10 : memref<80x16xf32, #tpu.memory_space<vmem>>) target(%dma_start3A_58 : memref<10240x16xf32, #tpu.memory_space<vmem_shared>>) offsets(%dma_start3A_55 : memref<80xi32, #tpu.memory_space<vmem>>) semaphore(%arg14 : memref<!tpu.dma_semaphore, #tpu.memory_space<semaphore_mem>>) {add = true}
      %dma_start3A_59 = arith.constant 0 : i32
      %dma_start3A_60 = tpu.memref_slice %arg9[%add3A_52, %dma_start3A_59] : memref<125x80xi32, #tpu.memory_space<vmem>> -> memref<1x80xi32, #tpu.memory_space<vmem>>
      %dma_start3A_61 = tpu.memref_squeeze %dma_start3A_60 : memref<1x80xi32, #tpu.memory_space<vmem>> -> memref<80xi32, #tpu.memory_space<vmem>>
      %dma_start3A_62 = arith.constant 0 : i32
      %dma_start3A_63 = arith.constant 0 : i32
      %dma_start3A_64 = tpu.memref_slice %arg13[%dma_start3A_62, %dma_start3A_63] : memref<10240x16xf32, #tpu.memory_space<vmem_shared>> -> memref<10240x16xf32, #tpu.memory_space<vmem_shared>>
      tpu.enqueue_indirect_dma source(%arg10 : memref<80x16xf32, #tpu.memory_space<vmem>>) target(%dma_start3A_64 : memref<10240x16xf32, #tpu.memory_space<vmem_shared>>) offsets(%dma_start3A_61 : memref<80xi32, #tpu.memory_space<vmem>>) semaphore(%arg14 : memref<!tpu.dma_semaphore, #tpu.memory_space<semaphore_mem>>) {add = true}
      %mul3A_65 = arith.constant 5 : i32
      %mul3A_66 = arith.muli %scan3A_17, %mul3A_65 : i32
      %add3A_67 = arith.constant 3 : i32
      %add3A_68 = arith.addi %mul3A_66, %add3A_67 : i32
      %dma_start3A_69 = arith.constant 0 : i32
      %dma_start3A_70 = tpu.memref_slice %arg8[%add3A_68, %dma_start3A_69] : memref<125x80xi32, #tpu.memory_space<vmem>> -> memref<1x80xi32, #tpu.memory_space<vmem>>
      %dma_start3A_71 = tpu.memref_squeeze %dma_start3A_70 : memref<1x80xi32, #tpu.memory_space<vmem>> -> memref<80xi32, #tpu.memory_space<vmem>>
      %dma_start3A_72 = arith.constant 0 : i32
      %dma_start3A_73 = arith.constant 0 : i32
      %dma_start3A_74 = tpu.memref_slice %arg12[%dma_start3A_72, %dma_start3A_73] : memref<10240x16xf32, #tpu.memory_space<vmem_shared>> -> memref<10240x16xf32, #tpu.memory_space<vmem_shared>>
      tpu.enqueue_indirect_dma source(%arg10 : memref<80x16xf32, #tpu.memory_space<vmem>>) target(%dma_start3A_74 : memref<10240x16xf32, #tpu.memory_space<vmem_shared>>) offsets(%dma_start3A_71 : memref<80xi32, #tpu.memory_space<vmem>>) semaphore(%arg14 : memref<!tpu.dma_semaphore, #tpu.memory_space<semaphore_mem>>) {add = true}
      %dma_start3A_75 = arith.constant 0 : i32
      %dma_start3A_76 = tpu.memref_slice %arg9[%add3A_68, %dma_start3A_75] : memref<125x80xi32, #tpu.memory_space<vmem>> -> memref<1x80xi32, #tpu.memory_space<vmem>>
      %dma_start3A_77 = tpu.memref_squeeze %dma_start3A_76 : memref<1x80xi32, #tpu.memory_space<vmem>> -> memref<80xi32, #tpu.memory_space<vmem>>
      %dma_start3A_78 = arith.constant 0 : i32
      %dma_start3A_79 = arith.constant 0 : i32
      %dma_start3A_80 = tpu.memref_slice %arg13[%dma_start3A_78, %dma_start3A_79] : memref<10240x16xf32, #tpu.memory_space<vmem_shared>> -> memref<10240x16xf32, #tpu.memory_space<vmem_shared>>
      tpu.enqueue_indirect_dma source(%arg10 : memref<80x16xf32, #tpu.memory_space<vmem>>) target(%dma_start3A_80 : memref<10240x16xf32, #tpu.memory_space<vmem_shared>>) offsets(%dma_start3A_77 : memref<80xi32, #tpu.memory_space<vmem>>) semaphore(%arg14 : memref<!tpu.dma_semaphore, #tpu.memory_space<semaphore_mem>>) {add = true}
      %mul3A_81 = arith.constant 5 : i32
      %mul3A_82 = arith.muli %scan3A_17, %mul3A_81 : i32
      %add3A_83 = arith.constant 4 : i32
      %add3A_84 = arith.addi %mul3A_82, %add3A_83 : i32
      %dma_start3A_85 = arith.constant 0 : i32
      %dma_start3A_86 = tpu.memref_slice %arg8[%add3A_84, %dma_start3A_85] : memref<125x80xi32, #tpu.memory_space<vmem>> -> memref<1x80xi32, #tpu.memory_space<vmem>>
      %dma_start3A_87 = tpu.memref_squeeze %dma_start3A_86 : memref<1x80xi32, #tpu.memory_space<vmem>> -> memref<80xi32, #tpu.memory_space<vmem>>
      %dma_start3A_88 = arith.constant 0 : i32
      %dma_start3A_89 = arith.constant 0 : i32
      %dma_start3A_90 = tpu.memref_slice %arg12[%dma_start3A_88, %dma_start3A_89] : memref<10240x16xf32, #tpu.memory_space<vmem_shared>> -> memref<10240x16xf32, #tpu.memory_space<vmem_shared>>
      tpu.enqueue_indirect_dma source(%arg10 : memref<80x16xf32, #tpu.memory_space<vmem>>) target(%dma_start3A_90 : memref<10240x16xf32, #tpu.memory_space<vmem_shared>>) offsets(%dma_start3A_87 : memref<80xi32, #tpu.memory_space<vmem>>) semaphore(%arg14 : memref<!tpu.dma_semaphore, #tpu.memory_space<semaphore_mem>>) {add = true}
      %dma_start3A_91 = arith.constant 0 : i32
      %dma_start3A_92 = tpu.memref_slice %arg9[%add3A_84, %dma_start3A_91] : memref<125x80xi32, #tpu.memory_space<vmem>> -> memref<1x80xi32, #tpu.memory_space<vmem>>
      %dma_start3A_93 = tpu.memref_squeeze %dma_start3A_92 : memref<1x80xi32, #tpu.memory_space<vmem>> -> memref<80xi32, #tpu.memory_space<vmem>>
      %dma_start3A_94 = arith.constant 0 : i32
      %dma_start3A_95 = arith.constant 0 : i32
      %dma_start3A_96 = tpu.memref_slice %arg13[%dma_start3A_94, %dma_start3A_95] : memref<10240x16xf32, #tpu.memory_space<vmem_shared>> -> memref<10240x16xf32, #tpu.memory_space<vmem_shared>>
      tpu.enqueue_indirect_dma source(%arg10 : memref<80x16xf32, #tpu.memory_space<vmem>>) target(%dma_start3A_96 : memref<10240x16xf32, #tpu.memory_space<vmem_shared>>) offsets(%dma_start3A_93 : memref<80xi32, #tpu.memory_space<vmem>>) semaphore(%arg14 : memref<!tpu.dma_semaphore, #tpu.memory_space<semaphore_mem>>) {add = true}
      %dma_wait3A = arith.constant 0 : i32
      %dma_wait3A_97 = tpu.memref_slice %arg8[%add3A_21, %dma_wait3A] : memref<125x80xi32, #tpu.memory_space<vmem>> -> memref<1x80xi32, #tpu.memory_space<vmem>>
      %dma_wait3A_98 = tpu.memref_squeeze %dma_wait3A_97 : memref<1x80xi32, #tpu.memory_space<vmem>> -> memref<80xi32, #tpu.memory_space<vmem>>
      %dma_wait3A_99 = arith.constant 0 : i32
      %dma_wait3A_100 = arith.constant 0 : i32
      %dma_wait3A_101 = tpu.memref_slice %arg12[%dma_wait3A_99, %dma_wait3A_100] : memref<10240x16xf32, #tpu.memory_space<vmem_shared>> -> memref<10240x16xf32, #tpu.memory_space<vmem_shared>>
      tpu.wait_indirect_dma semaphore(%arg14 : memref<!tpu.dma_semaphore, #tpu.memory_space<semaphore_mem>>) src(%arg10 : memref<80x16xf32, #tpu.memory_space<vmem>>) dst(%dma_wait3A_101 : memref<10240x16xf32, #tpu.memory_space<vmem_shared>>)
      %dma_wait3A_102 = arith.constant 0 : i32
      %dma_wait3A_103 = tpu.memref_slice %arg9[%add3A_21, %dma_wait3A_102] : memref<125x80xi32, #tpu.memory_space<vmem>> -> memref<1x80xi32, #tpu.memory_space<vmem>>
      %dma_wait3A_104 = tpu.memref_squeeze %dma_wait3A_103 : memref<1x80xi32, #tpu.memory_space<vmem>> -> memref<80xi32, #tpu.memory_space<vmem>>
      %dma_wait3A_105 = arith.constant 0 : i32
      %dma_wait3A_106 = arith.constant 0 : i32
      %dma_wait3A_107 = tpu.memref_slice %arg13[%dma_wait3A_105, %dma_wait3A_106] : memref<10240x16xf32, #tpu.memory_space<vmem_shared>> -> memref<10240x16xf32, #tpu.memory_space<vmem_shared>>
      tpu.wait_indirect_dma semaphore(%arg14 : memref<!tpu.dma_semaphore, #tpu.memory_space<semaphore_mem>>) src(%arg10 : memref<80x16xf32, #tpu.memory_space<vmem>>) dst(%dma_wait3A_107 : memref<10240x16xf32, #tpu.memory_space<vmem_shared>>)
      %dma_wait3A_108 = arith.constant 0 : i32
      %dma_wait3A_109 = tpu.memref_slice %arg8[%add3A_36, %dma_wait3A_108] : memref<125x80xi32, #tpu.memory_space<vmem>> -> memref<1x80xi32, #tpu.memory_space<vmem>>
      %dma_wait3A_110 = tpu.memref_squeeze %dma_wait3A_109 : memref<1x80xi32, #tpu.memory_space<vmem>> -> memref<80xi32, #tpu.memory_space<vmem>>
      %dma_wait3A_111 = arith.constant 0 : i32
      %dma_wait3A_112 = arith.constant 0 : i32
      %dma_wait3A_113 = tpu.memref_slice %arg12[%dma_wait3A_111, %dma_wait3A_112] : memref<10240x16xf32, #tpu.memory_space<vmem_shared>> -> memref<10240x16xf32, #tpu.memory_space<vmem_shared>>
      tpu.wait_indirect_dma semaphore(%arg14 : memref<!tpu.dma_semaphore, #tpu.memory_space<semaphore_mem>>) src(%arg10 : memref<80x16xf32, #tpu.memory_space<vmem>>) dst(%dma_wait3A_113 : memref<10240x16xf32, #tpu.memory_space<vmem_shared>>)
      %dma_wait3A_114 = arith.constant 0 : i32
      %dma_wait3A_115 = tpu.memref_slice %arg9[%add3A_36, %dma_wait3A_114] : memref<125x80xi32, #tpu.memory_space<vmem>> -> memref<1x80xi32, #tpu.memory_space<vmem>>
      %dma_wait3A_116 = tpu.memref_squeeze %dma_wait3A_115 : memref<1x80xi32, #tpu.memory_space<vmem>> -> memref<80xi32, #tpu.memory_space<vmem>>
      %dma_wait3A_117 = arith.constant 0 : i32
      %dma_wait3A_118 = arith.constant 0 : i32
      %dma_wait3A_119 = tpu.memref_slice %arg13[%dma_wait3A_117, %dma_wait3A_118] : memref<10240x16xf32, #tpu.memory_space<vmem_shared>> -> memref<10240x16xf32, #tpu.memory_space<vmem_shared>>
      tpu.wait_indirect_dma semaphore(%arg14 : memref<!tpu.dma_semaphore, #tpu.memory_space<semaphore_mem>>) src(%arg10 : memref<80x16xf32, #tpu.memory_space<vmem>>) dst(%dma_wait3A_119 : memref<10240x16xf32, #tpu.memory_space<vmem_shared>>)
      %dma_wait3A_120 = arith.constant 0 : i32
      %dma_wait3A_121 = tpu.memref_slice %arg8[%add3A_52, %dma_wait3A_120] : memref<125x80xi32, #tpu.memory_space<vmem>> -> memref<1x80xi32, #tpu.memory_space<vmem>>
      %dma_wait3A_122 = tpu.memref_squeeze %dma_wait3A_121 : memref<1x80xi32, #tpu.memory_space<vmem>> -> memref<80xi32, #tpu.memory_space<vmem>>
      %dma_wait3A_123 = arith.constant 0 : i32
      %dma_wait3A_124 = arith.constant 0 : i32
      %dma_wait3A_125 = tpu.memref_slice %arg12[%dma_wait3A_123, %dma_wait3A_124] : memref<10240x16xf32, #tpu.memory_space<vmem_shared>> -> memref<10240x16xf32, #tpu.memory_space<vmem_shared>>
      tpu.wait_indirect_dma semaphore(%arg14 : memref<!tpu.dma_semaphore, #tpu.memory_space<semaphore_mem>>) src(%arg10 : memref<80x16xf32, #tpu.memory_space<vmem>>) dst(%dma_wait3A_125 : memref<10240x16xf32, #tpu.memory_space<vmem_shared>>)
      %dma_wait3A_126 = arith.constant 0 : i32
      %dma_wait3A_127 = tpu.memref_slice %arg9[%add3A_52, %dma_wait3A_126] : memref<125x80xi32, #tpu.memory_space<vmem>> -> memref<1x80xi32, #tpu.memory_space<vmem>>
      %dma_wait3A_128 = tpu.memref_squeeze %dma_wait3A_127 : memref<1x80xi32, #tpu.memory_space<vmem>> -> memref<80xi32, #tpu.memory_space<vmem>>
      %dma_wait3A_129 = arith.constant 0 : i32
      %dma_wait3A_130 = arith.constant 0 : i32
      %dma_wait3A_131 = tpu.memref_slice %arg13[%dma_wait3A_129, %dma_wait3A_130] : memref<10240x16xf32, #tpu.memory_space<vmem_shared>> -> memref<10240x16xf32, #tpu.memory_space<vmem_shared>>
      tpu.wait_indirect_dma semaphore(%arg14 : memref<!tpu.dma_semaphore, #tpu.memory_space<semaphore_mem>>) src(%arg10 : memref<80x16xf32, #tpu.memory_space<vmem>>) dst(%dma_wait3A_131 : memref<10240x16xf32, #tpu.memory_space<vmem_shared>>)
      %dma_wait3A_132 = arith.constant 0 : i32
      %dma_wait3A_133 = tpu.memref_slice %arg8[%add3A_68, %dma_wait3A_132] : memref<125x80xi32, #tpu.memory_space<vmem>> -> memref<1x80xi32, #tpu.memory_space<vmem>>
      %dma_wait3A_134 = tpu.memref_squeeze %dma_wait3A_133 : memref<1x80xi32, #tpu.memory_space<vmem>> -> memref<80xi32, #tpu.memory_space<vmem>>
      %dma_wait3A_135 = arith.constant 0 : i32
      %dma_wait3A_136 = arith.constant 0 : i32
      %dma_wait3A_137 = tpu.memref_slice %arg12[%dma_wait3A_135, %dma_wait3A_136] : memref<10240x16xf32, #tpu.memory_space<vmem_shared>> -> memref<10240x16xf32, #tpu.memory_space<vmem_shared>>
      tpu.wait_indirect_dma semaphore(%arg14 : memref<!tpu.dma_semaphore, #tpu.memory_space<semaphore_mem>>) src(%arg10 : memref<80x16xf32, #tpu.memory_space<vmem>>) dst(%dma_wait3A_137 : memref<10240x16xf32, #tpu.memory_space<vmem_shared>>)
      %dma_wait3A_138 = arith.constant 0 : i32
      %dma_wait3A_139 = tpu.memref_slice %arg9[%add3A_68, %dma_wait3A_138] : memref<125x80xi32, #tpu.memory_space<vmem>> -> memref<1x80xi32, #tpu.memory_space<vmem>>
      %dma_wait3A_140 = tpu.memref_squeeze %dma_wait3A_139 : memref<1x80xi32, #tpu.memory_space<vmem>> -> memref<80xi32, #tpu.memory_space<vmem>>
      %dma_wait3A_141 = arith.constant 0 : i32
      %dma_wait3A_142 = arith.constant 0 : i32
      %dma_wait3A_143 = tpu.memref_slice %arg13[%dma_wait3A_141, %dma_wait3A_142] : memref<10240x16xf32, #tpu.memory_space<vmem_shared>> -> memref<10240x16xf32, #tpu.memory_space<vmem_shared>>
      tpu.wait_indirect_dma semaphore(%arg14 : memref<!tpu.dma_semaphore, #tpu.memory_space<semaphore_mem>>) src(%arg10 : memref<80x16xf32, #tpu.memory_space<vmem>>) dst(%dma_wait3A_143 : memref<10240x16xf32, #tpu.memory_space<vmem_shared>>)
      %dma_wait3A_144 = arith.constant 0 : i32
      %dma_wait3A_145 = tpu.memref_slice %arg8[%add3A_84, %dma_wait3A_144] : memref<125x80xi32, #tpu.memory_space<vmem>> -> memref<1x80xi32, #tpu.memory_space<vmem>>
      %dma_wait3A_146 = tpu.memref_squeeze %dma_wait3A_145 : memref<1x80xi32, #tpu.memory_space<vmem>> -> memref<80xi32, #tpu.memory_space<vmem>>
      %dma_wait3A_147 = arith.constant 0 : i32
      %dma_wait3A_148 = arith.constant 0 : i32
      %dma_wait3A_149 = tpu.memref_slice %arg12[%dma_wait3A_147, %dma_wait3A_148] : memref<10240x16xf32, #tpu.memory_space<vmem_shared>> -> memref<10240x16xf32, #tpu.memory_space<vmem_shared>>
      tpu.wait_indirect_dma semaphore(%arg14 : memref<!tpu.dma_semaphore, #tpu.memory_space<semaphore_mem>>) src(%arg10 : memref<80x16xf32, #tpu.memory_space<vmem>>) dst(%dma_wait3A_149 : memref<10240x16xf32, #tpu.memory_space<vmem_shared>>)
      %dma_wait3A_150 = arith.constant 0 : i32
      %dma_wait3A_151 = tpu.memref_slice %arg9[%add3A_84, %dma_wait3A_150] : memref<125x80xi32, #tpu.memory_space<vmem>> -> memref<1x80xi32, #tpu.memory_space<vmem>>
      %dma_wait3A_152 = tpu.memref_squeeze %dma_wait3A_151 : memref<1x80xi32, #tpu.memory_space<vmem>> -> memref<80xi32, #tpu.memory_space<vmem>>
      %dma_wait3A_153 = arith.constant 0 : i32
      %dma_wait3A_154 = arith.constant 0 : i32
      %dma_wait3A_155 = tpu.memref_slice %arg13[%dma_wait3A_153, %dma_wait3A_154] : memref<10240x16xf32, #tpu.memory_space<vmem_shared>> -> memref<10240x16xf32, #tpu.memory_space<vmem_shared>>
      tpu.wait_indirect_dma semaphore(%arg14 : memref<!tpu.dma_semaphore, #tpu.memory_space<semaphore_mem>>) src(%arg10 : memref<80x16xf32, #tpu.memory_space<vmem>>) dst(%dma_wait3A_155 : memref<10240x16xf32, #tpu.memory_space<vmem_shared>>)
    }
    %scan3A_9 = arith.constant 25 : i32
    %barrier3A_10 = arith.constant 0 : index
    tpu.barrier barrier_id(%barrier3A_10)
    %scan3A_11 = arith.constant 0 : i32
    %scan3A_12 = arith.constant 0 : i32
    %scan3A_13 = arith.constant 8 : i32
    %scan3A_14 = arith.addi %scan3A_12, %scan3A_13 : i32
    %scan3A_15 = arith.constant 1 : i32
    scf.for %scan3A_17 = %scan3A_12 to %scan3A_14 step %scan3A_15  : i32 {
      %mul3A_18 = arith.constant 640 : i32
      %mul3A_19 = arith.muli %arg1, %mul3A_18 : i32
      %mul3A_20 = arith.constant 80 : i32
      %mul3A_21 = arith.muli %scan3A_17, %mul3A_20 : i32
      %add3A_22 = arith.addi %mul3A_19, %mul3A_21 : i32
      "tpu.region"() ({
        %run_scoped3A = tpu.sem_alloc : memref<!tpu.dma_semaphore, #tpu.memory_space<semaphore_mem>>
        %dma_start3A = arith.constant 0 : i32
        %dma_start3A_23 = tpu.memref_slice %arg12[%add3A_22, %dma_start3A] : memref<10240x16xf32, #tpu.memory_space<vmem_shared>> -> memref<80x16xf32, #tpu.memory_space<vmem_shared>>
        %dma_start3A_24 = arith.constant 0 : i32
        %dma_start3A_25 = tpu.memref_slice %arg12[%add3A_22, %dma_start3A_24] : memref<10240x16xf32, #tpu.memory_space<vmem_shared>> -> memref<80x16xf32, #tpu.memory_space<vmem_shared>>
        tpu.enqueue_dma source(%dma_start3A_25 : memref<80x16xf32, #tpu.memory_space<vmem_shared>>) target(%arg11 : memref<80x16xf32, #tpu.memory_space<vmem>>) target_semaphore(%run_scoped3A : memref<!tpu.dma_semaphore, #tpu.memory_space<semaphore_mem>>)
        %dma_wait3A = arith.constant 0 : i32
        %dma_wait3A_26 = tpu.memref_slice %arg12[%add3A_22, %dma_wait3A] : memref<10240x16xf32, #tpu.memory_space<vmem_shared>> -> memref<80x16xf32, #tpu.memory_space<vmem_shared>>
        %dma_wait3A_27 = arith.constant 0 : i32
        %dma_wait3A_28 = tpu.memref_slice %arg12[%add3A_22, %dma_wait3A_27] : memref<10240x16xf32, #tpu.memory_space<vmem_shared>> -> memref<80x16xf32, #tpu.memory_space<vmem_shared>>
        tpu.wait_dma2 semaphore(%run_scoped3A : memref<!tpu.dma_semaphore, #tpu.memory_space<semaphore_mem>>) src(%dma_wait3A_28 : memref<80x16xf32, #tpu.memory_space<vmem_shared>>) dst(%arg11 : memref<80x16xf32, #tpu.memory_space<vmem>>)
        tpu.yield
      }) : () -> ()
      "tpu.region"() ({
        %run_scoped3A = tpu.sem_alloc : memref<!tpu.dma_semaphore, #tpu.memory_space<semaphore_mem>>
        %dma_start3A = arith.constant 0 : i32
        %dma_start3A_23 = arith.constant 0 : i32
        %dma_start3A_24 = tpu.memref_slice %arg6[%arg0, %dma_start3A, %dma_start3A_23] : memref<2x10240x16xf32, #tpu.memory_space<hbm>> -> memref<1x10240x16xf32, #tpu.memory_space<hbm>>
        %dma_start3A_25 = tpu.memref_squeeze %dma_start3A_24 : memref<1x10240x16xf32, #tpu.memory_space<hbm>> -> memref<10240x16xf32, #tpu.memory_space<hbm>>
        %dma_start3A_26 = arith.constant 0 : i32
        %dma_start3A_27 = tpu.memref_slice %dma_start3A_25[%add3A_22, %dma_start3A_26] : memref<10240x16xf32, #tpu.memory_space<hbm>> -> memref<80x16xf32, #tpu.memory_space<hbm>>
        %dma_start3A_28 = arith.constant 0 : i32
        %dma_start3A_29 = arith.constant 0 : i32
        %dma_start3A_30 = tpu.memref_slice %arg6[%arg0, %dma_start3A_28, %dma_start3A_29] : memref<2x10240x16xf32, #tpu.memory_space<hbm>> -> memref<1x10240x16xf32, #tpu.memory_space<hbm>>
        %dma_start3A_31 = tpu.memref_squeeze %dma_start3A_30 : memref<1x10240x16xf32, #tpu.memory_space<hbm>> -> memref<10240x16xf32, #tpu.memory_space<hbm>>
        %dma_start3A_32 = arith.constant 0 : i32
        %dma_start3A_33 = tpu.memref_slice %dma_start3A_31[%add3A_22, %dma_start3A_32] : memref<10240x16xf32, #tpu.memory_space<hbm>> -> memref<80x16xf32, #tpu.memory_space<hbm>>
        tpu.enqueue_dma source(%arg11 : memref<80x16xf32, #tpu.memory_space<vmem>>) target(%dma_start3A_33 : memref<80x16xf32, #tpu.memory_space<hbm>>) target_semaphore(%run_scoped3A : memref<!tpu.dma_semaphore, #tpu.memory_space<semaphore_mem>>)
        %dma_wait3A = arith.constant 0 : i32
        %dma_wait3A_34 = arith.constant 0 : i32
        %dma_wait3A_35 = tpu.memref_slice %arg6[%arg0, %dma_wait3A, %dma_wait3A_34] : memref<2x10240x16xf32, #tpu.memory_space<hbm>> -> memref<1x10240x16xf32, #tpu.memory_space<hbm>>
        %dma_wait3A_36 = tpu.memref_squeeze %dma_wait3A_35 : memref<1x10240x16xf32, #tpu.memory_space<hbm>> -> memref<10240x16xf32, #tpu.memory_space<hbm>>
        %dma_wait3A_37 = arith.constant 0 : i32
        %dma_wait3A_38 = tpu.memref_slice %dma_wait3A_36[%add3A_22, %dma_wait3A_37] : memref<10240x16xf32, #tpu.memory_space<hbm>> -> memref<80x16xf32, #tpu.memory_space<hbm>>
        %dma_wait3A_39 = arith.constant 0 : i32
        %dma_wait3A_40 = arith.constant 0 : i32
        %dma_wait3A_41 = tpu.memref_slice %arg6[%arg0, %dma_wait3A_39, %dma_wait3A_40] : memref<2x10240x16xf32, #tpu.memory_space<hbm>> -> memref<1x10240x16xf32, #tpu.memory_space<hbm>>
        %dma_wait3A_42 = tpu.memref_squeeze %dma_wait3A_41 : memref<1x10240x16xf32, #tpu.memory_space<hbm>> -> memref<10240x16xf32, #tpu.memory_space<hbm>>
        %dma_wait3A_43 = arith.constant 0 : i32
        %dma_wait3A_44 = tpu.memref_slice %dma_wait3A_42[%add3A_22, %dma_wait3A_43] : memref<10240x16xf32, #tpu.memory_space<hbm>> -> memref<80x16xf32, #tpu.memory_space<hbm>>
        tpu.wait_dma2 semaphore(%run_scoped3A : memref<!tpu.dma_semaphore, #tpu.memory_space<semaphore_mem>>) src(%arg11 : memref<80x16xf32, #tpu.memory_space<vmem>>) dst(%dma_wait3A_44 : memref<80x16xf32, #tpu.memory_space<hbm>>)
        tpu.yield
      }) : () -> ()
      "tpu.region"() ({
        %run_scoped3A = tpu.sem_alloc : memref<!tpu.dma_semaphore, #tpu.memory_space<semaphore_mem>>
        %dma_start3A = arith.constant 0 : i32
        %dma_start3A_23 = tpu.memref_slice %arg13[%add3A_22, %dma_start3A] : memref<10240x16xf32, #tpu.memory_space<vmem_shared>> -> memref<80x16xf32, #tpu.memory_space<vmem_shared>>
        %dma_start3A_24 = arith.constant 0 : i32
        %dma_start3A_25 = tpu.memref_slice %arg13[%add3A_22, %dma_start3A_24] : memref<10240x16xf32, #tpu.memory_space<vmem_shared>> -> memref<80x16xf32, #tpu.memory_space<vmem_shared>>
        tpu.enqueue_dma source(%dma_start3A_25 : memref<80x16xf32, #tpu.memory_space<vmem_shared>>) target(%arg11 : memref<80x16xf32, #tpu.memory_space<vmem>>) target_semaphore(%run_scoped3A : memref<!tpu.dma_semaphore, #tpu.memory_space<semaphore_mem>>)
        %dma_wait3A = arith.constant 0 : i32
        %dma_wait3A_26 = tpu.memref_slice %arg13[%add3A_22, %dma_wait3A] : memref<10240x16xf32, #tpu.memory_space<vmem_shared>> -> memref<80x16xf32, #tpu.memory_space<vmem_shared>>
        %dma_wait3A_27 = arith.constant 0 : i32
        %dma_wait3A_28 = tpu.memref_slice %arg13[%add3A_22, %dma_wait3A_27] : memref<10240x16xf32, #tpu.memory_space<vmem_shared>> -> memref<80x16xf32, #tpu.memory_space<vmem_shared>>
        tpu.wait_dma2 semaphore(%run_scoped3A : memref<!tpu.dma_semaphore, #tpu.memory_space<semaphore_mem>>) src(%dma_wait3A_28 : memref<80x16xf32, #tpu.memory_space<vmem_shared>>) dst(%arg11 : memref<80x16xf32, #tpu.memory_space<vmem>>)
        tpu.yield
      }) : () -> ()
      "tpu.region"() ({
        %run_scoped3A = tpu.sem_alloc : memref<!tpu.dma_semaphore, #tpu.memory_space<semaphore_mem>>
        %dma_start3A = arith.constant 0 : i32
        %dma_start3A_23 = arith.constant 0 : i32
        %dma_start3A_24 = tpu.memref_slice %arg7[%arg0, %dma_start3A, %dma_start3A_23] : memref<2x10240x16xf32, #tpu.memory_space<hbm>> -> memref<1x10240x16xf32, #tpu.memory_space<hbm>>
        %dma_start3A_25 = tpu.memref_squeeze %dma_start3A_24 : memref<1x10240x16xf32, #tpu.memory_space<hbm>> -> memref<10240x16xf32, #tpu.memory_space<hbm>>
        %dma_start3A_26 = arith.constant 0 : i32
        %dma_start3A_27 = tpu.memref_slice %dma_start3A_25[%add3A_22, %dma_start3A_26] : memref<10240x16xf32, #tpu.memory_space<hbm>> -> memref<80x16xf32, #tpu.memory_space<hbm>>
        %dma_start3A_28 = arith.constant 0 : i32
        %dma_start3A_29 = arith.constant 0 : i32
        %dma_start3A_30 = tpu.memref_slice %arg7[%arg0, %dma_start3A_28, %dma_start3A_29] : memref<2x10240x16xf32, #tpu.memory_space<hbm>> -> memref<1x10240x16xf32, #tpu.memory_space<hbm>>
        %dma_start3A_31 = tpu.memref_squeeze %dma_start3A_30 : memref<1x10240x16xf32, #tpu.memory_space<hbm>> -> memref<10240x16xf32, #tpu.memory_space<hbm>>
        %dma_start3A_32 = arith.constant 0 : i32
        %dma_start3A_33 = tpu.memref_slice %dma_start3A_31[%add3A_22, %dma_start3A_32] : memref<10240x16xf32, #tpu.memory_space<hbm>> -> memref<80x16xf32, #tpu.memory_space<hbm>>
        tpu.enqueue_dma source(%arg11 : memref<80x16xf32, #tpu.memory_space<vmem>>) target(%dma_start3A_33 : memref<80x16xf32, #tpu.memory_space<hbm>>) target_semaphore(%run_scoped3A : memref<!tpu.dma_semaphore, #tpu.memory_space<semaphore_mem>>)
        %dma_wait3A = arith.constant 0 : i32
        %dma_wait3A_34 = arith.constant 0 : i32
        %dma_wait3A_35 = tpu.memref_slice %arg7[%arg0, %dma_wait3A, %dma_wait3A_34] : memref<2x10240x16xf32, #tpu.memory_space<hbm>> -> memref<1x10240x16xf32, #tpu.memory_space<hbm>>
        %dma_wait3A_36 = tpu.memref_squeeze %dma_wait3A_35 : memref<1x10240x16xf32, #tpu.memory_space<hbm>> -> memref<10240x16xf32, #tpu.memory_space<hbm>>
        %dma_wait3A_37 = arith.constant 0 : i32
        %dma_wait3A_38 = tpu.memref_slice %dma_wait3A_36[%add3A_22, %dma_wait3A_37] : memref<10240x16xf32, #tpu.memory_space<hbm>> -> memref<80x16xf32, #tpu.memory_space<hbm>>
        %dma_wait3A_39 = arith.constant 0 : i32
        %dma_wait3A_40 = arith.constant 0 : i32
        %dma_wait3A_41 = tpu.memref_slice %arg7[%arg0, %dma_wait3A_39, %dma_wait3A_40] : memref<2x10240x16xf32, #tpu.memory_space<hbm>> -> memref<1x10240x16xf32, #tpu.memory_space<hbm>>
        %dma_wait3A_42 = tpu.memref_squeeze %dma_wait3A_41 : memref<1x10240x16xf32, #tpu.memory_space<hbm>> -> memref<10240x16xf32, #tpu.memory_space<hbm>>
        %dma_wait3A_43 = arith.constant 0 : i32
        %dma_wait3A_44 = tpu.memref_slice %dma_wait3A_42[%add3A_22, %dma_wait3A_43] : memref<10240x16xf32, #tpu.memory_space<hbm>> -> memref<80x16xf32, #tpu.memory_space<hbm>>
        tpu.wait_dma2 semaphore(%run_scoped3A : memref<!tpu.dma_semaphore, #tpu.memory_space<semaphore_mem>>) src(%arg11 : memref<80x16xf32, #tpu.memory_space<vmem>>) dst(%dma_wait3A_44 : memref<80x16xf32, #tpu.memory_space<hbm>>)
        tpu.yield
      }) : () -> ()
    }
    %scan3A_16 = arith.constant 8 : i32
    return
  }
}

#map = affine_map<(d0, d1) -> (0, 0, 0)>
#map1 = affine_map<(d0, d1) -> (0, 0)>
module attributes {stable_mosaic.version = 14 : i64} {
  func.func @prop_kernel(%arg0: i32, %arg1: i32, %arg2: memref<32x125x80xi32, #tpu.memory_space<hbm>>, %arg3: memref<32x125x80xi32, #tpu.memory_space<hbm>>, %arg4: memref<10000x128xf32, #tpu.memory_space<hbm>>, %arg5: memref<10240x16xf32, #tpu.memory_space<hbm>>, %arg6: memref<640x128xf32, #tpu.memory_space<hbm>>, %arg7: memref<640x16xf32, #tpu.memory_space<hbm>>, %arg8: memref<2x10240x128xf32, #tpu.memory_space<hbm>>, %arg9: memref<2x10240x16xf32, #tpu.memory_space<hbm>>, %arg10: memref<63x80xi32, #tpu.memory_space<vmem>>, %arg11: memref<63x80xi32, #tpu.memory_space<vmem>>, %arg12: memref<80x128xf32, #tpu.memory_space<vmem>>, %arg13: memref<80x128xf32, #tpu.memory_space<vmem>>, %arg14: memref<80x16xf32, #tpu.memory_space<vmem>>, %arg15: memref<80x16xf32, #tpu.memory_space<vmem>>, %arg16: memref<10240x128xf32, #tpu.memory_space<vmem_shared>>, %arg17: memref<10240x16xf32, #tpu.memory_space<vmem_shared>>, %arg18: memref<!tpu.dma_semaphore, #tpu.memory_space<semaphore_mem>>, %arg19: memref<!tpu.dma_semaphore, #tpu.memory_space<semaphore_mem>>, %arg20: memref<!tpu.dma_semaphore, #tpu.memory_space<semaphore_mem>>, %arg21: memref<!tpu.dma_semaphore, #tpu.memory_space<semaphore_mem>>) attributes {dimension_semantics = [#tpu.dimension_semantics<core_parallel>, #tpu.dimension_semantics<subcore_parallel>], iteration_bounds = array<i64: 2, 16>, scalar_prefetch = 0 : i64, scratch_operands = 12 : i64, tpu.core_type = #tpu.core_type<sc_vector_subcore>, window_params = [{transform_indices = #map}, {transform_indices = #map}, {transform_indices = #map1}, {transform_indices = #map1}, {transform_indices = #map1}, {transform_indices = #map1}, {transform_indices = #map}, {transform_indices = #map}]} {
    %mul3A = arith.constant 2 : i32
    %mul3A_0 = arith.muli %arg1, %mul3A : i32
    %add3A = arith.addi %mul3A_0, %arg0 : i32
    %mul3A_1 = arith.constant 640 : i32
    %mul3A_2 = arith.muli %arg1, %mul3A_1 : i32
    "tpu.region"() ({
      %run_scoped3A_98 = tpu.sem_alloc : memref<!tpu.dma_semaphore, #tpu.memory_space<semaphore_mem>>
      %dma_start3A_99 = arith.constant 0 : i32
      %dma_start3A_100 = tpu.memref_slice %arg16[%mul3A_2, %dma_start3A_99] : memref<10240x128xf32, #tpu.memory_space<vmem_shared>> -> memref<640x128xf32, #tpu.memory_space<vmem_shared>>
      tpu.enqueue_dma source(%arg6 : memref<640x128xf32, #tpu.memory_space<hbm>>) target(%dma_start3A_100 : memref<640x128xf32, #tpu.memory_space<vmem_shared>>) target_semaphore(%run_scoped3A_98 : memref<!tpu.dma_semaphore, #tpu.memory_space<semaphore_mem>>)
      %dma_wait3A_101 = arith.constant 0 : i32
      %dma_wait3A_102 = tpu.memref_slice %arg16[%mul3A_2, %dma_wait3A_101] : memref<10240x128xf32, #tpu.memory_space<vmem_shared>> -> memref<640x128xf32, #tpu.memory_space<vmem_shared>>
      tpu.wait_dma2 semaphore(%run_scoped3A_98 : memref<!tpu.dma_semaphore, #tpu.memory_space<semaphore_mem>>) src(%arg6 : memref<640x128xf32, #tpu.memory_space<hbm>>) dst(%dma_wait3A_102 : memref<640x128xf32, #tpu.memory_space<vmem_shared>>)
      tpu.yield
    }) : () -> ()
    %mul3A_3 = arith.constant 640 : i32
    %mul3A_4 = arith.muli %arg1, %mul3A_3 : i32
    "tpu.region"() ({
      %run_scoped3A_98 = tpu.sem_alloc : memref<!tpu.dma_semaphore, #tpu.memory_space<semaphore_mem>>
      %dma_start3A_99 = arith.constant 0 : i32
      %dma_start3A_100 = tpu.memref_slice %arg17[%mul3A_4, %dma_start3A_99] : memref<10240x16xf32, #tpu.memory_space<vmem_shared>> -> memref<640x16xf32, #tpu.memory_space<vmem_shared>>
      tpu.enqueue_dma source(%arg7 : memref<640x16xf32, #tpu.memory_space<hbm>>) target(%dma_start3A_100 : memref<640x16xf32, #tpu.memory_space<vmem_shared>>) target_semaphore(%run_scoped3A_98 : memref<!tpu.dma_semaphore, #tpu.memory_space<semaphore_mem>>)
      %dma_wait3A_101 = arith.constant 0 : i32
      %dma_wait3A_102 = tpu.memref_slice %arg17[%mul3A_4, %dma_wait3A_101] : memref<10240x16xf32, #tpu.memory_space<vmem_shared>> -> memref<640x16xf32, #tpu.memory_space<vmem_shared>>
      tpu.wait_dma2 semaphore(%run_scoped3A_98 : memref<!tpu.dma_semaphore, #tpu.memory_space<semaphore_mem>>) src(%arg7 : memref<640x16xf32, #tpu.memory_space<hbm>>) dst(%dma_wait3A_102 : memref<640x16xf32, #tpu.memory_space<vmem_shared>>)
      tpu.yield
    }) : () -> ()
    %barrier3A = arith.constant 0 : index
    tpu.barrier barrier_id(%barrier3A)
    "tpu.region"() ({
      %run_scoped3A_98 = tpu.sem_alloc : memref<!tpu.dma_semaphore, #tpu.memory_space<semaphore_mem>>
      %dma_start3A_99 = arith.constant 0 : i32
      %dma_start3A_100 = arith.constant 0 : i32
      %dma_start3A_101 = tpu.memref_slice %arg10[%dma_start3A_99, %dma_start3A_100] : memref<63x80xi32, #tpu.memory_space<vmem>> -> memref<63x80xi32, #tpu.memory_space<vmem>>
      %dma_start3A_102 = arith.constant 0 : i32
      %dma_start3A_103 = arith.constant 0 : i32
      %dma_start3A_104 = tpu.memref_slice %arg2[%add3A, %dma_start3A_102, %dma_start3A_103] : memref<32x125x80xi32, #tpu.memory_space<hbm>> -> memref<1x125x80xi32, #tpu.memory_space<hbm>>
      %dma_start3A_105 = tpu.memref_squeeze %dma_start3A_104 : memref<1x125x80xi32, #tpu.memory_space<hbm>> -> memref<125x80xi32, #tpu.memory_space<hbm>>
      %dma_start3A_106 = arith.constant 0 : i32
      %dma_start3A_107 = arith.constant 0 : i32
      %dma_start3A_108 = tpu.memref_slice %dma_start3A_105[%dma_start3A_106, %dma_start3A_107] : memref<125x80xi32, #tpu.memory_space<hbm>> -> memref<63x80xi32, #tpu.memory_space<hbm>>
      %dma_start3A_109 = arith.constant 0 : i32
      %dma_start3A_110 = arith.constant 0 : i32
      %dma_start3A_111 = tpu.memref_slice %arg10[%dma_start3A_109, %dma_start3A_110] : memref<63x80xi32, #tpu.memory_space<vmem>> -> memref<63x80xi32, #tpu.memory_space<vmem>>
      %dma_start3A_112 = arith.constant 0 : i32
      %dma_start3A_113 = arith.constant 0 : i32
      %dma_start3A_114 = tpu.memref_slice %arg2[%add3A, %dma_start3A_112, %dma_start3A_113] : memref<32x125x80xi32, #tpu.memory_space<hbm>> -> memref<1x125x80xi32, #tpu.memory_space<hbm>>
      %dma_start3A_115 = tpu.memref_squeeze %dma_start3A_114 : memref<1x125x80xi32, #tpu.memory_space<hbm>> -> memref<125x80xi32, #tpu.memory_space<hbm>>
      %dma_start3A_116 = arith.constant 0 : i32
      %dma_start3A_117 = arith.constant 0 : i32
      %dma_start3A_118 = tpu.memref_slice %dma_start3A_115[%dma_start3A_116, %dma_start3A_117] : memref<125x80xi32, #tpu.memory_space<hbm>> -> memref<63x80xi32, #tpu.memory_space<hbm>>
      tpu.enqueue_dma source(%dma_start3A_118 : memref<63x80xi32, #tpu.memory_space<hbm>>) target(%dma_start3A_111 : memref<63x80xi32, #tpu.memory_space<vmem>>) target_semaphore(%run_scoped3A_98 : memref<!tpu.dma_semaphore, #tpu.memory_space<semaphore_mem>>)
      %dma_wait3A_119 = arith.constant 0 : i32
      %dma_wait3A_120 = arith.constant 0 : i32
      %dma_wait3A_121 = tpu.memref_slice %arg10[%dma_wait3A_119, %dma_wait3A_120] : memref<63x80xi32, #tpu.memory_space<vmem>> -> memref<63x80xi32, #tpu.memory_space<vmem>>
      %dma_wait3A_122 = arith.constant 0 : i32
      %dma_wait3A_123 = arith.constant 0 : i32
      %dma_wait3A_124 = tpu.memref_slice %arg2[%add3A, %dma_wait3A_122, %dma_wait3A_123] : memref<32x125x80xi32, #tpu.memory_space<hbm>> -> memref<1x125x80xi32, #tpu.memory_space<hbm>>
      %dma_wait3A_125 = tpu.memref_squeeze %dma_wait3A_124 : memref<1x125x80xi32, #tpu.memory_space<hbm>> -> memref<125x80xi32, #tpu.memory_space<hbm>>
      %dma_wait3A_126 = arith.constant 0 : i32
      %dma_wait3A_127 = arith.constant 0 : i32
      %dma_wait3A_128 = tpu.memref_slice %dma_wait3A_125[%dma_wait3A_126, %dma_wait3A_127] : memref<125x80xi32, #tpu.memory_space<hbm>> -> memref<63x80xi32, #tpu.memory_space<hbm>>
      %dma_wait3A_129 = arith.constant 0 : i32
      %dma_wait3A_130 = arith.constant 0 : i32
      %dma_wait3A_131 = tpu.memref_slice %arg10[%dma_wait3A_129, %dma_wait3A_130] : memref<63x80xi32, #tpu.memory_space<vmem>> -> memref<63x80xi32, #tpu.memory_space<vmem>>
      %dma_wait3A_132 = arith.constant 0 : i32
      %dma_wait3A_133 = arith.constant 0 : i32
      %dma_wait3A_134 = tpu.memref_slice %arg2[%add3A, %dma_wait3A_132, %dma_wait3A_133] : memref<32x125x80xi32, #tpu.memory_space<hbm>> -> memref<1x125x80xi32, #tpu.memory_space<hbm>>
      %dma_wait3A_135 = tpu.memref_squeeze %dma_wait3A_134 : memref<1x125x80xi32, #tpu.memory_space<hbm>> -> memref<125x80xi32, #tpu.memory_space<hbm>>
      %dma_wait3A_136 = arith.constant 0 : i32
      %dma_wait3A_137 = arith.constant 0 : i32
      %dma_wait3A_138 = tpu.memref_slice %dma_wait3A_135[%dma_wait3A_136, %dma_wait3A_137] : memref<125x80xi32, #tpu.memory_space<hbm>> -> memref<63x80xi32, #tpu.memory_space<hbm>>
      tpu.wait_dma2 semaphore(%run_scoped3A_98 : memref<!tpu.dma_semaphore, #tpu.memory_space<semaphore_mem>>) src(%dma_wait3A_138 : memref<63x80xi32, #tpu.memory_space<hbm>>) dst(%dma_wait3A_131 : memref<63x80xi32, #tpu.memory_space<vmem>>)
      tpu.yield
    }) : () -> ()
    "tpu.region"() ({
      %run_scoped3A_98 = tpu.sem_alloc : memref<!tpu.dma_semaphore, #tpu.memory_space<semaphore_mem>>
      %dma_start3A_99 = arith.constant 0 : i32
      %dma_start3A_100 = arith.constant 0 : i32
      %dma_start3A_101 = tpu.memref_slice %arg11[%dma_start3A_99, %dma_start3A_100] : memref<63x80xi32, #tpu.memory_space<vmem>> -> memref<63x80xi32, #tpu.memory_space<vmem>>
      %dma_start3A_102 = arith.constant 0 : i32
      %dma_start3A_103 = arith.constant 0 : i32
      %dma_start3A_104 = tpu.memref_slice %arg3[%add3A, %dma_start3A_102, %dma_start3A_103] : memref<32x125x80xi32, #tpu.memory_space<hbm>> -> memref<1x125x80xi32, #tpu.memory_space<hbm>>
      %dma_start3A_105 = tpu.memref_squeeze %dma_start3A_104 : memref<1x125x80xi32, #tpu.memory_space<hbm>> -> memref<125x80xi32, #tpu.memory_space<hbm>>
      %dma_start3A_106 = arith.constant 0 : i32
      %dma_start3A_107 = arith.constant 0 : i32
      %dma_start3A_108 = tpu.memref_slice %dma_start3A_105[%dma_start3A_106, %dma_start3A_107] : memref<125x80xi32, #tpu.memory_space<hbm>> -> memref<63x80xi32, #tpu.memory_space<hbm>>
      %dma_start3A_109 = arith.constant 0 : i32
      %dma_start3A_110 = arith.constant 0 : i32
      %dma_start3A_111 = tpu.memref_slice %arg11[%dma_start3A_109, %dma_start3A_110] : memref<63x80xi32, #tpu.memory_space<vmem>> -> memref<63x80xi32, #tpu.memory_space<vmem>>
      %dma_start3A_112 = arith.constant 0 : i32
      %dma_start3A_113 = arith.constant 0 : i32
      %dma_start3A_114 = tpu.memref_slice %arg3[%add3A, %dma_start3A_112, %dma_start3A_113] : memref<32x125x80xi32, #tpu.memory_space<hbm>> -> memref<1x125x80xi32, #tpu.memory_space<hbm>>
      %dma_start3A_115 = tpu.memref_squeeze %dma_start3A_114 : memref<1x125x80xi32, #tpu.memory_space<hbm>> -> memref<125x80xi32, #tpu.memory_space<hbm>>
      %dma_start3A_116 = arith.constant 0 : i32
      %dma_start3A_117 = arith.constant 0 : i32
      %dma_start3A_118 = tpu.memref_slice %dma_start3A_115[%dma_start3A_116, %dma_start3A_117] : memref<125x80xi32, #tpu.memory_space<hbm>> -> memref<63x80xi32, #tpu.memory_space<hbm>>
      tpu.enqueue_dma source(%dma_start3A_118 : memref<63x80xi32, #tpu.memory_space<hbm>>) target(%dma_start3A_111 : memref<63x80xi32, #tpu.memory_space<vmem>>) target_semaphore(%run_scoped3A_98 : memref<!tpu.dma_semaphore, #tpu.memory_space<semaphore_mem>>)
      %dma_wait3A_119 = arith.constant 0 : i32
      %dma_wait3A_120 = arith.constant 0 : i32
      %dma_wait3A_121 = tpu.memref_slice %arg11[%dma_wait3A_119, %dma_wait3A_120] : memref<63x80xi32, #tpu.memory_space<vmem>> -> memref<63x80xi32, #tpu.memory_space<vmem>>
      %dma_wait3A_122 = arith.constant 0 : i32
      %dma_wait3A_123 = arith.constant 0 : i32
      %dma_wait3A_124 = tpu.memref_slice %arg3[%add3A, %dma_wait3A_122, %dma_wait3A_123] : memref<32x125x80xi32, #tpu.memory_space<hbm>> -> memref<1x125x80xi32, #tpu.memory_space<hbm>>
      %dma_wait3A_125 = tpu.memref_squeeze %dma_wait3A_124 : memref<1x125x80xi32, #tpu.memory_space<hbm>> -> memref<125x80xi32, #tpu.memory_space<hbm>>
      %dma_wait3A_126 = arith.constant 0 : i32
      %dma_wait3A_127 = arith.constant 0 : i32
      %dma_wait3A_128 = tpu.memref_slice %dma_wait3A_125[%dma_wait3A_126, %dma_wait3A_127] : memref<125x80xi32, #tpu.memory_space<hbm>> -> memref<63x80xi32, #tpu.memory_space<hbm>>
      %dma_wait3A_129 = arith.constant 0 : i32
      %dma_wait3A_130 = arith.constant 0 : i32
      %dma_wait3A_131 = tpu.memref_slice %arg11[%dma_wait3A_129, %dma_wait3A_130] : memref<63x80xi32, #tpu.memory_space<vmem>> -> memref<63x80xi32, #tpu.memory_space<vmem>>
      %dma_wait3A_132 = arith.constant 0 : i32
      %dma_wait3A_133 = arith.constant 0 : i32
      %dma_wait3A_134 = tpu.memref_slice %arg3[%add3A, %dma_wait3A_132, %dma_wait3A_133] : memref<32x125x80xi32, #tpu.memory_space<hbm>> -> memref<1x125x80xi32, #tpu.memory_space<hbm>>
      %dma_wait3A_135 = tpu.memref_squeeze %dma_wait3A_134 : memref<1x125x80xi32, #tpu.memory_space<hbm>> -> memref<125x80xi32, #tpu.memory_space<hbm>>
      %dma_wait3A_136 = arith.constant 0 : i32
      %dma_wait3A_137 = arith.constant 0 : i32
      %dma_wait3A_138 = tpu.memref_slice %dma_wait3A_135[%dma_wait3A_136, %dma_wait3A_137] : memref<125x80xi32, #tpu.memory_space<hbm>> -> memref<63x80xi32, #tpu.memory_space<hbm>>
      tpu.wait_dma2 semaphore(%run_scoped3A_98 : memref<!tpu.dma_semaphore, #tpu.memory_space<semaphore_mem>>) src(%dma_wait3A_138 : memref<63x80xi32, #tpu.memory_space<hbm>>) dst(%dma_wait3A_131 : memref<63x80xi32, #tpu.memory_space<vmem>>)
      tpu.yield
    }) : () -> ()
    %dma_start3A = arith.constant 0 : i32
    %dma_start3A_5 = arith.constant 0 : i32
    %dma_start3A_6 = tpu.memref_slice %arg10[%dma_start3A, %dma_start3A_5] : memref<63x80xi32, #tpu.memory_space<vmem>> -> memref<1x80xi32, #tpu.memory_space<vmem>>
    %dma_start3A_7 = tpu.memref_squeeze %dma_start3A_6 : memref<1x80xi32, #tpu.memory_space<vmem>> -> memref<80xi32, #tpu.memory_space<vmem>>
    %dma_start3A_8 = arith.constant 0 : i32
    %dma_start3A_9 = arith.constant 0 : i32
    %dma_start3A_10 = tpu.memref_slice %arg4[%dma_start3A_8, %dma_start3A_9] : memref<10000x128xf32, #tpu.memory_space<hbm>> -> memref<10000x128xf32, #tpu.memory_space<hbm>>
    tpu.enqueue_indirect_dma source(%dma_start3A_10 : memref<10000x128xf32, #tpu.memory_space<hbm>>) target(%arg12 : memref<80x128xf32, #tpu.memory_space<vmem>>) offsets(%dma_start3A_7 : memref<80xi32, #tpu.memory_space<vmem>>) semaphore(%arg18 : memref<!tpu.dma_semaphore, #tpu.memory_space<semaphore_mem>>)
    %dma_start3A_11 = arith.constant 0 : i32
    %dma_start3A_12 = arith.constant 0 : i32
    %dma_start3A_13 = tpu.memref_slice %arg11[%dma_start3A_11, %dma_start3A_12] : memref<63x80xi32, #tpu.memory_space<vmem>> -> memref<1x80xi32, #tpu.memory_space<vmem>>
    %dma_start3A_14 = tpu.memref_squeeze %dma_start3A_13 : memref<1x80xi32, #tpu.memory_space<vmem>> -> memref<80xi32, #tpu.memory_space<vmem>>
    %dma_start3A_15 = arith.constant 0 : i32
    %dma_start3A_16 = arith.constant 0 : i32
    %dma_start3A_17 = tpu.memref_slice %arg5[%dma_start3A_15, %dma_start3A_16] : memref<10240x16xf32, #tpu.memory_space<hbm>> -> memref<10240x16xf32, #tpu.memory_space<hbm>>
    tpu.enqueue_indirect_dma source(%dma_start3A_17 : memref<10240x16xf32, #tpu.memory_space<hbm>>) target(%arg14 : memref<80x16xf32, #tpu.memory_space<vmem>>) offsets(%dma_start3A_14 : memref<80xi32, #tpu.memory_space<vmem>>) semaphore(%arg20 : memref<!tpu.dma_semaphore, #tpu.memory_space<semaphore_mem>>)
    %scan3A = arith.constant 0 : i32
    %scan3A_18 = arith.constant 0 : i32
    %scan3A_19 = arith.constant 31 : i32
    %scan3A_20 = arith.addi %scan3A_18, %scan3A_19 : i32
    %scan3A_21 = arith.constant 1 : i32
    scf.for %scan3A_98 = %scan3A_18 to %scan3A_20 step %scan3A_21  : i32 {
      %mul3A_99 = arith.constant 2 : i32
      %mul3A_100 = arith.muli %mul3A_99, %scan3A_98 : i32
      %add3A_101 = arith.constant 1 : i32
      %add3A_102 = arith.addi %mul3A_100, %add3A_101 : i32
      %dma_start3A_103 = arith.constant 0 : i32
      %dma_start3A_104 = tpu.memref_slice %arg10[%add3A_102, %dma_start3A_103] : memref<63x80xi32, #tpu.memory_space<vmem>> -> memref<1x80xi32, #tpu.memory_space<vmem>>
      %dma_start3A_105 = tpu.memref_squeeze %dma_start3A_104 : memref<1x80xi32, #tpu.memory_space<vmem>> -> memref<80xi32, #tpu.memory_space<vmem>>
      %dma_start3A_106 = arith.constant 0 : i32
      %dma_start3A_107 = arith.constant 0 : i32
      %dma_start3A_108 = tpu.memref_slice %arg4[%dma_start3A_106, %dma_start3A_107] : memref<10000x128xf32, #tpu.memory_space<hbm>> -> memref<10000x128xf32, #tpu.memory_space<hbm>>
      tpu.enqueue_indirect_dma source(%dma_start3A_108 : memref<10000x128xf32, #tpu.memory_space<hbm>>) target(%arg13 : memref<80x128xf32, #tpu.memory_space<vmem>>) offsets(%dma_start3A_105 : memref<80xi32, #tpu.memory_space<vmem>>) semaphore(%arg19 : memref<!tpu.dma_semaphore, #tpu.memory_space<semaphore_mem>>)
      %add3A_109 = arith.constant 1 : i32
      %add3A_110 = arith.addi %mul3A_100, %add3A_109 : i32
      %dma_start3A_111 = arith.constant 0 : i32
      %dma_start3A_112 = tpu.memref_slice %arg11[%add3A_110, %dma_start3A_111] : memref<63x80xi32, #tpu.memory_space<vmem>> -> memref<1x80xi32, #tpu.memory_space<vmem>>
      %dma_start3A_113 = tpu.memref_squeeze %dma_start3A_112 : memref<1x80xi32, #tpu.memory_space<vmem>> -> memref<80xi32, #tpu.memory_space<vmem>>
      %dma_start3A_114 = arith.constant 0 : i32
      %dma_start3A_115 = arith.constant 0 : i32
      %dma_start3A_116 = tpu.memref_slice %arg5[%dma_start3A_114, %dma_start3A_115] : memref<10240x16xf32, #tpu.memory_space<hbm>> -> memref<10240x16xf32, #tpu.memory_space<hbm>>
      tpu.enqueue_indirect_dma source(%dma_start3A_116 : memref<10240x16xf32, #tpu.memory_space<hbm>>) target(%arg15 : memref<80x16xf32, #tpu.memory_space<vmem>>) offsets(%dma_start3A_113 : memref<80xi32, #tpu.memory_space<vmem>>) semaphore(%arg21 : memref<!tpu.dma_semaphore, #tpu.memory_space<semaphore_mem>>)
      %dma_wait3A_117 = arith.constant 0 : i32
      %dma_wait3A_118 = arith.constant 0 : i32
      %dma_wait3A_119 = tpu.memref_slice %arg4[%dma_wait3A_117, %dma_wait3A_118] : memref<10000x128xf32, #tpu.memory_space<hbm>> -> memref<80x128xf32, #tpu.memory_space<hbm>>
      %dma_wait3A_120 = arith.constant 0 : i32
      %dma_wait3A_121 = arith.constant 0 : i32
      %dma_wait3A_122 = tpu.memref_slice %arg4[%dma_wait3A_120, %dma_wait3A_121] : memref<10000x128xf32, #tpu.memory_space<hbm>> -> memref<80x128xf32, #tpu.memory_space<hbm>>
      tpu.wait_dma2 semaphore(%arg18 : memref<!tpu.dma_semaphore, #tpu.memory_space<semaphore_mem>>) src(%dma_wait3A_122 : memref<80x128xf32, #tpu.memory_space<hbm>>) dst(%arg12 : memref<80x128xf32, #tpu.memory_space<vmem>>)
      %dma_wait3A_123 = arith.constant 0 : i32
      %dma_wait3A_124 = arith.constant 0 : i32
      %dma_wait3A_125 = tpu.memref_slice %arg5[%dma_wait3A_123, %dma_wait3A_124] : memref<10240x16xf32, #tpu.memory_space<hbm>> -> memref<80x16xf32, #tpu.memory_space<hbm>>
      %dma_wait3A_126 = arith.constant 0 : i32
      %dma_wait3A_127 = arith.constant 0 : i32
      %dma_wait3A_128 = tpu.memref_slice %arg5[%dma_wait3A_126, %dma_wait3A_127] : memref<10240x16xf32, #tpu.memory_space<hbm>> -> memref<80x16xf32, #tpu.memory_space<hbm>>
      tpu.wait_dma2 semaphore(%arg20 : memref<!tpu.dma_semaphore, #tpu.memory_space<semaphore_mem>>) src(%dma_wait3A_128 : memref<80x16xf32, #tpu.memory_space<hbm>>) dst(%arg14 : memref<80x16xf32, #tpu.memory_space<vmem>>)
      "tpu.region"() ({
        %run_scoped3A_161 = tpu.sem_alloc : memref<!tpu.dma_semaphore, #tpu.memory_space<semaphore_mem>>
        %dma_start3A_162 = arith.constant 0 : i32
        %dma_start3A_163 = tpu.memref_slice %arg11[%mul3A_100, %dma_start3A_162] : memref<63x80xi32, #tpu.memory_space<vmem>> -> memref<1x80xi32, #tpu.memory_space<vmem>>
        %dma_start3A_164 = tpu.memref_squeeze %dma_start3A_163 : memref<1x80xi32, #tpu.memory_space<vmem>> -> memref<80xi32, #tpu.memory_space<vmem>>
        %dma_start3A_165 = arith.constant 0 : i32
        %dma_start3A_166 = arith.constant 0 : i32
        %dma_start3A_167 = tpu.memref_slice %arg16[%dma_start3A_165, %dma_start3A_166] : memref<10240x128xf32, #tpu.memory_space<vmem_shared>> -> memref<10240x128xf32, #tpu.memory_space<vmem_shared>>
        tpu.enqueue_indirect_dma source(%arg12 : memref<80x128xf32, #tpu.memory_space<vmem>>) target(%dma_start3A_167 : memref<10240x128xf32, #tpu.memory_space<vmem_shared>>) offsets(%dma_start3A_164 : memref<80xi32, #tpu.memory_space<vmem>>) semaphore(%run_scoped3A_161 : memref<!tpu.dma_semaphore, #tpu.memory_space<semaphore_mem>>) {add = true}
        %dma_wait3A_168 = arith.constant 0 : i32
        %dma_wait3A_169 = tpu.memref_slice %arg11[%mul3A_100, %dma_wait3A_168] : memref<63x80xi32, #tpu.memory_space<vmem>> -> memref<1x80xi32, #tpu.memory_space<vmem>>
        %dma_wait3A_170 = tpu.memref_squeeze %dma_wait3A_169 : memref<1x80xi32, #tpu.memory_space<vmem>> -> memref<80xi32, #tpu.memory_space<vmem>>
        %dma_wait3A_171 = arith.constant 0 : i32
        %dma_wait3A_172 = arith.constant 0 : i32
        %dma_wait3A_173 = tpu.memref_slice %arg16[%dma_wait3A_171, %dma_wait3A_172] : memref<10240x128xf32, #tpu.memory_space<vmem_shared>> -> memref<10240x128xf32, #tpu.memory_space<vmem_shared>>
        tpu.wait_indirect_dma semaphore(%run_scoped3A_161 : memref<!tpu.dma_semaphore, #tpu.memory_space<semaphore_mem>>) src(%arg12 : memref<80x128xf32, #tpu.memory_space<vmem>>) dst(%dma_wait3A_173 : memref<10240x128xf32, #tpu.memory_space<vmem_shared>>)
        tpu.yield
      }) : () -> ()
      "tpu.region"() ({
        %run_scoped3A_161 = tpu.sem_alloc : memref<!tpu.dma_semaphore, #tpu.memory_space<semaphore_mem>>
        %dma_start3A_162 = arith.constant 0 : i32
        %dma_start3A_163 = tpu.memref_slice %arg10[%mul3A_100, %dma_start3A_162] : memref<63x80xi32, #tpu.memory_space<vmem>> -> memref<1x80xi32, #tpu.memory_space<vmem>>
        %dma_start3A_164 = tpu.memref_squeeze %dma_start3A_163 : memref<1x80xi32, #tpu.memory_space<vmem>> -> memref<80xi32, #tpu.memory_space<vmem>>
        %dma_start3A_165 = arith.constant 0 : i32
        %dma_start3A_166 = arith.constant 0 : i32
        %dma_start3A_167 = tpu.memref_slice %arg17[%dma_start3A_165, %dma_start3A_166] : memref<10240x16xf32, #tpu.memory_space<vmem_shared>> -> memref<10240x16xf32, #tpu.memory_space<vmem_shared>>
        tpu.enqueue_indirect_dma source(%arg14 : memref<80x16xf32, #tpu.memory_space<vmem>>) target(%dma_start3A_167 : memref<10240x16xf32, #tpu.memory_space<vmem_shared>>) offsets(%dma_start3A_164 : memref<80xi32, #tpu.memory_space<vmem>>) semaphore(%run_scoped3A_161 : memref<!tpu.dma_semaphore, #tpu.memory_space<semaphore_mem>>) {add = true}
        %dma_wait3A_168 = arith.constant 0 : i32
        %dma_wait3A_169 = tpu.memref_slice %arg10[%mul3A_100, %dma_wait3A_168] : memref<63x80xi32, #tpu.memory_space<vmem>> -> memref<1x80xi32, #tpu.memory_space<vmem>>
        %dma_wait3A_170 = tpu.memref_squeeze %dma_wait3A_169 : memref<1x80xi32, #tpu.memory_space<vmem>> -> memref<80xi32, #tpu.memory_space<vmem>>
        %dma_wait3A_171 = arith.constant 0 : i32
        %dma_wait3A_172 = arith.constant 0 : i32
        %dma_wait3A_173 = tpu.memref_slice %arg17[%dma_wait3A_171, %dma_wait3A_172] : memref<10240x16xf32, #tpu.memory_space<vmem_shared>> -> memref<10240x16xf32, #tpu.memory_space<vmem_shared>>
        tpu.wait_indirect_dma semaphore(%run_scoped3A_161 : memref<!tpu.dma_semaphore, #tpu.memory_space<semaphore_mem>>) src(%arg14 : memref<80x16xf32, #tpu.memory_space<vmem>>) dst(%dma_wait3A_173 : memref<10240x16xf32, #tpu.memory_space<vmem_shared>>)
        tpu.yield
      }) : () -> ()
      %add3A_129 = arith.constant 2 : i32
      %add3A_130 = arith.addi %mul3A_100, %add3A_129 : i32
      %dma_start3A_131 = arith.constant 0 : i32
      %dma_start3A_132 = tpu.memref_slice %arg10[%add3A_130, %dma_start3A_131] : memref<63x80xi32, #tpu.memory_space<vmem>> -> memref<1x80xi32, #tpu.memory_space<vmem>>
      %dma_start3A_133 = tpu.memref_squeeze %dma_start3A_132 : memref<1x80xi32, #tpu.memory_space<vmem>> -> memref<80xi32, #tpu.memory_space<vmem>>
      %dma_start3A_134 = arith.constant 0 : i32
      %dma_start3A_135 = arith.constant 0 : i32
      %dma_start3A_136 = tpu.memref_slice %arg4[%dma_start3A_134, %dma_start3A_135] : memref<10000x128xf32, #tpu.memory_space<hbm>> -> memref<10000x128xf32, #tpu.memory_space<hbm>>
      tpu.enqueue_indirect_dma source(%dma_start3A_136 : memref<10000x128xf32, #tpu.memory_space<hbm>>) target(%arg12 : memref<80x128xf32, #tpu.memory_space<vmem>>) offsets(%dma_start3A_133 : memref<80xi32, #tpu.memory_space<vmem>>) semaphore(%arg18 : memref<!tpu.dma_semaphore, #tpu.memory_space<semaphore_mem>>)
      %add3A_137 = arith.constant 2 : i32
      %add3A_138 = arith.addi %mul3A_100, %add3A_137 : i32
      %dma_start3A_139 = arith.constant 0 : i32
      %dma_start3A_140 = tpu.memref_slice %arg11[%add3A_138, %dma_start3A_139] : memref<63x80xi32, #tpu.memory_space<vmem>> -> memref<1x80xi32, #tpu.memory_space<vmem>>
      %dma_start3A_141 = tpu.memref_squeeze %dma_start3A_140 : memref<1x80xi32, #tpu.memory_space<vmem>> -> memref<80xi32, #tpu.memory_space<vmem>>
      %dma_start3A_142 = arith.constant 0 : i32
      %dma_start3A_143 = arith.constant 0 : i32
      %dma_start3A_144 = tpu.memref_slice %arg5[%dma_start3A_142, %dma_start3A_143] : memref<10240x16xf32, #tpu.memory_space<hbm>> -> memref<10240x16xf32, #tpu.memory_space<hbm>>
      tpu.enqueue_indirect_dma source(%dma_start3A_144 : memref<10240x16xf32, #tpu.memory_space<hbm>>) target(%arg14 : memref<80x16xf32, #tpu.memory_space<vmem>>) offsets(%dma_start3A_141 : memref<80xi32, #tpu.memory_space<vmem>>) semaphore(%arg20 : memref<!tpu.dma_semaphore, #tpu.memory_space<semaphore_mem>>)
      %dma_wait3A_145 = arith.constant 0 : i32
      %dma_wait3A_146 = arith.constant 0 : i32
      %dma_wait3A_147 = tpu.memref_slice %arg4[%dma_wait3A_145, %dma_wait3A_146] : memref<10000x128xf32, #tpu.memory_space<hbm>> -> memref<80x128xf32, #tpu.memory_space<hbm>>
      %dma_wait3A_148 = arith.constant 0 : i32
      %dma_wait3A_149 = arith.constant 0 : i32
      %dma_wait3A_150 = tpu.memref_slice %arg4[%dma_wait3A_148, %dma_wait3A_149] : memref<10000x128xf32, #tpu.memory_space<hbm>> -> memref<80x128xf32, #tpu.memory_space<hbm>>
      tpu.wait_dma2 semaphore(%arg19 : memref<!tpu.dma_semaphore, #tpu.memory_space<semaphore_mem>>) src(%dma_wait3A_150 : memref<80x128xf32, #tpu.memory_space<hbm>>) dst(%arg13 : memref<80x128xf32, #tpu.memory_space<vmem>>)
      %dma_wait3A_151 = arith.constant 0 : i32
      %dma_wait3A_152 = arith.constant 0 : i32
      %dma_wait3A_153 = tpu.memref_slice %arg5[%dma_wait3A_151, %dma_wait3A_152] : memref<10240x16xf32, #tpu.memory_space<hbm>> -> memref<80x16xf32, #tpu.memory_space<hbm>>
      %dma_wait3A_154 = arith.constant 0 : i32
      %dma_wait3A_155 = arith.constant 0 : i32
      %dma_wait3A_156 = tpu.memref_slice %arg5[%dma_wait3A_154, %dma_wait3A_155] : memref<10240x16xf32, #tpu.memory_space<hbm>> -> memref<80x16xf32, #tpu.memory_space<hbm>>
      tpu.wait_dma2 semaphore(%arg21 : memref<!tpu.dma_semaphore, #tpu.memory_space<semaphore_mem>>) src(%dma_wait3A_156 : memref<80x16xf32, #tpu.memory_space<hbm>>) dst(%arg15 : memref<80x16xf32, #tpu.memory_space<vmem>>)
      %add3A_157 = arith.constant 1 : i32
      %add3A_158 = arith.addi %mul3A_100, %add3A_157 : i32
      "tpu.region"() ({
        %run_scoped3A_161 = tpu.sem_alloc : memref<!tpu.dma_semaphore, #tpu.memory_space<semaphore_mem>>
        %dma_start3A_162 = arith.constant 0 : i32
        %dma_start3A_163 = tpu.memref_slice %arg11[%add3A_158, %dma_start3A_162] : memref<63x80xi32, #tpu.memory_space<vmem>> -> memref<1x80xi32, #tpu.memory_space<vmem>>
        %dma_start3A_164 = tpu.memref_squeeze %dma_start3A_163 : memref<1x80xi32, #tpu.memory_space<vmem>> -> memref<80xi32, #tpu.memory_space<vmem>>
        %dma_start3A_165 = arith.constant 0 : i32
        %dma_start3A_166 = arith.constant 0 : i32
        %dma_start3A_167 = tpu.memref_slice %arg16[%dma_start3A_165, %dma_start3A_166] : memref<10240x128xf32, #tpu.memory_space<vmem_shared>> -> memref<10240x128xf32, #tpu.memory_space<vmem_shared>>
        tpu.enqueue_indirect_dma source(%arg13 : memref<80x128xf32, #tpu.memory_space<vmem>>) target(%dma_start3A_167 : memref<10240x128xf32, #tpu.memory_space<vmem_shared>>) offsets(%dma_start3A_164 : memref<80xi32, #tpu.memory_space<vmem>>) semaphore(%run_scoped3A_161 : memref<!tpu.dma_semaphore, #tpu.memory_space<semaphore_mem>>) {add = true}
        %dma_wait3A_168 = arith.constant 0 : i32
        %dma_wait3A_169 = tpu.memref_slice %arg11[%add3A_158, %dma_wait3A_168] : memref<63x80xi32, #tpu.memory_space<vmem>> -> memref<1x80xi32, #tpu.memory_space<vmem>>
        %dma_wait3A_170 = tpu.memref_squeeze %dma_wait3A_169 : memref<1x80xi32, #tpu.memory_space<vmem>> -> memref<80xi32, #tpu.memory_space<vmem>>
        %dma_wait3A_171 = arith.constant 0 : i32
        %dma_wait3A_172 = arith.constant 0 : i32
        %dma_wait3A_173 = tpu.memref_slice %arg16[%dma_wait3A_171, %dma_wait3A_172] : memref<10240x128xf32, #tpu.memory_space<vmem_shared>> -> memref<10240x128xf32, #tpu.memory_space<vmem_shared>>
        tpu.wait_indirect_dma semaphore(%run_scoped3A_161 : memref<!tpu.dma_semaphore, #tpu.memory_space<semaphore_mem>>) src(%arg13 : memref<80x128xf32, #tpu.memory_space<vmem>>) dst(%dma_wait3A_173 : memref<10240x128xf32, #tpu.memory_space<vmem_shared>>)
        tpu.yield
      }) : () -> ()
      %add3A_159 = arith.constant 1 : i32
      %add3A_160 = arith.addi %mul3A_100, %add3A_159 : i32
      "tpu.region"() ({
        %run_scoped3A_161 = tpu.sem_alloc : memref<!tpu.dma_semaphore, #tpu.memory_space<semaphore_mem>>
        %dma_start3A_162 = arith.constant 0 : i32
        %dma_start3A_163 = tpu.memref_slice %arg10[%add3A_160, %dma_start3A_162] : memref<63x80xi32, #tpu.memory_space<vmem>> -> memref<1x80xi32, #tpu.memory_space<vmem>>
        %dma_start3A_164 = tpu.memref_squeeze %dma_start3A_163 : memref<1x80xi32, #tpu.memory_space<vmem>> -> memref<80xi32, #tpu.memory_space<vmem>>
        %dma_start3A_165 = arith.constant 0 : i32
        %dma_start3A_166 = arith.constant 0 : i32
        %dma_start3A_167 = tpu.memref_slice %arg17[%dma_start3A_165, %dma_start3A_166] : memref<10240x16xf32, #tpu.memory_space<vmem_shared>> -> memref<10240x16xf32, #tpu.memory_space<vmem_shared>>
        tpu.enqueue_indirect_dma source(%arg15 : memref<80x16xf32, #tpu.memory_space<vmem>>) target(%dma_start3A_167 : memref<10240x16xf32, #tpu.memory_space<vmem_shared>>) offsets(%dma_start3A_164 : memref<80xi32, #tpu.memory_space<vmem>>) semaphore(%run_scoped3A_161 : memref<!tpu.dma_semaphore, #tpu.memory_space<semaphore_mem>>) {add = true}
        %dma_wait3A_168 = arith.constant 0 : i32
        %dma_wait3A_169 = tpu.memref_slice %arg10[%add3A_160, %dma_wait3A_168] : memref<63x80xi32, #tpu.memory_space<vmem>> -> memref<1x80xi32, #tpu.memory_space<vmem>>
        %dma_wait3A_170 = tpu.memref_squeeze %dma_wait3A_169 : memref<1x80xi32, #tpu.memory_space<vmem>> -> memref<80xi32, #tpu.memory_space<vmem>>
        %dma_wait3A_171 = arith.constant 0 : i32
        %dma_wait3A_172 = arith.constant 0 : i32
        %dma_wait3A_173 = tpu.memref_slice %arg17[%dma_wait3A_171, %dma_wait3A_172] : memref<10240x16xf32, #tpu.memory_space<vmem_shared>> -> memref<10240x16xf32, #tpu.memory_space<vmem_shared>>
        tpu.wait_indirect_dma semaphore(%run_scoped3A_161 : memref<!tpu.dma_semaphore, #tpu.memory_space<semaphore_mem>>) src(%arg15 : memref<80x16xf32, #tpu.memory_space<vmem>>) dst(%dma_wait3A_173 : memref<10240x16xf32, #tpu.memory_space<vmem_shared>>)
        tpu.yield
      }) : () -> ()
    }
    %scan3A_22 = arith.constant 31 : i32
    %dma_wait3A = arith.constant 0 : i32
    %dma_wait3A_23 = arith.constant 0 : i32
    %dma_wait3A_24 = tpu.memref_slice %arg4[%dma_wait3A, %dma_wait3A_23] : memref<10000x128xf32, #tpu.memory_space<hbm>> -> memref<80x128xf32, #tpu.memory_space<hbm>>
    %dma_wait3A_25 = arith.constant 0 : i32
    %dma_wait3A_26 = arith.constant 0 : i32
    %dma_wait3A_27 = tpu.memref_slice %arg4[%dma_wait3A_25, %dma_wait3A_26] : memref<10000x128xf32, #tpu.memory_space<hbm>> -> memref<80x128xf32, #tpu.memory_space<hbm>>
    tpu.wait_dma2 semaphore(%arg18 : memref<!tpu.dma_semaphore, #tpu.memory_space<semaphore_mem>>) src(%dma_wait3A_27 : memref<80x128xf32, #tpu.memory_space<hbm>>) dst(%arg12 : memref<80x128xf32, #tpu.memory_space<vmem>>)
    %dma_wait3A_28 = arith.constant 0 : i32
    %dma_wait3A_29 = arith.constant 0 : i32
    %dma_wait3A_30 = tpu.memref_slice %arg5[%dma_wait3A_28, %dma_wait3A_29] : memref<10240x16xf32, #tpu.memory_space<hbm>> -> memref<80x16xf32, #tpu.memory_space<hbm>>
    %dma_wait3A_31 = arith.constant 0 : i32
    %dma_wait3A_32 = arith.constant 0 : i32
    %dma_wait3A_33 = tpu.memref_slice %arg5[%dma_wait3A_31, %dma_wait3A_32] : memref<10240x16xf32, #tpu.memory_space<hbm>> -> memref<80x16xf32, #tpu.memory_space<hbm>>
    tpu.wait_dma2 semaphore(%arg20 : memref<!tpu.dma_semaphore, #tpu.memory_space<semaphore_mem>>) src(%dma_wait3A_33 : memref<80x16xf32, #tpu.memory_space<hbm>>) dst(%arg14 : memref<80x16xf32, #tpu.memory_space<vmem>>)
    %run_scoped3A = arith.constant 62 : i32
    "tpu.region"() ({
      %run_scoped3A_98 = tpu.sem_alloc : memref<!tpu.dma_semaphore, #tpu.memory_space<semaphore_mem>>
      %dma_start3A_99 = arith.constant 0 : i32
      %dma_start3A_100 = tpu.memref_slice %arg11[%run_scoped3A, %dma_start3A_99] : memref<63x80xi32, #tpu.memory_space<vmem>> -> memref<1x80xi32, #tpu.memory_space<vmem>>
      %dma_start3A_101 = tpu.memref_squeeze %dma_start3A_100 : memref<1x80xi32, #tpu.memory_space<vmem>> -> memref<80xi32, #tpu.memory_space<vmem>>
      %dma_start3A_102 = arith.constant 0 : i32
      %dma_start3A_103 = arith.constant 0 : i32
      %dma_start3A_104 = tpu.memref_slice %arg16[%dma_start3A_102, %dma_start3A_103] : memref<10240x128xf32, #tpu.memory_space<vmem_shared>> -> memref<10240x128xf32, #tpu.memory_space<vmem_shared>>
      tpu.enqueue_indirect_dma source(%arg12 : memref<80x128xf32, #tpu.memory_space<vmem>>) target(%dma_start3A_104 : memref<10240x128xf32, #tpu.memory_space<vmem_shared>>) offsets(%dma_start3A_101 : memref<80xi32, #tpu.memory_space<vmem>>) semaphore(%run_scoped3A_98 : memref<!tpu.dma_semaphore, #tpu.memory_space<semaphore_mem>>) {add = true}
      %dma_wait3A_105 = arith.constant 0 : i32
      %dma_wait3A_106 = tpu.memref_slice %arg11[%run_scoped3A, %dma_wait3A_105] : memref<63x80xi32, #tpu.memory_space<vmem>> -> memref<1x80xi32, #tpu.memory_space<vmem>>
      %dma_wait3A_107 = tpu.memref_squeeze %dma_wait3A_106 : memref<1x80xi32, #tpu.memory_space<vmem>> -> memref<80xi32, #tpu.memory_space<vmem>>
      %dma_wait3A_108 = arith.constant 0 : i32
      %dma_wait3A_109 = arith.constant 0 : i32
      %dma_wait3A_110 = tpu.memref_slice %arg16[%dma_wait3A_108, %dma_wait3A_109] : memref<10240x128xf32, #tpu.memory_space<vmem_shared>> -> memref<10240x128xf32, #tpu.memory_space<vmem_shared>>
      tpu.wait_indirect_dma semaphore(%run_scoped3A_98 : memref<!tpu.dma_semaphore, #tpu.memory_space<semaphore_mem>>) src(%arg12 : memref<80x128xf32, #tpu.memory_space<vmem>>) dst(%dma_wait3A_110 : memref<10240x128xf32, #tpu.memory_space<vmem_shared>>)
      tpu.yield
    }) : () -> ()
    %run_scoped3A_34 = arith.constant 62 : i32
    "tpu.region"() ({
      %run_scoped3A_98 = tpu.sem_alloc : memref<!tpu.dma_semaphore, #tpu.memory_space<semaphore_mem>>
      %dma_start3A_99 = arith.constant 0 : i32
      %dma_start3A_100 = tpu.memref_slice %arg10[%run_scoped3A_34, %dma_start3A_99] : memref<63x80xi32, #tpu.memory_space<vmem>> -> memref<1x80xi32, #tpu.memory_space<vmem>>
      %dma_start3A_101 = tpu.memref_squeeze %dma_start3A_100 : memref<1x80xi32, #tpu.memory_space<vmem>> -> memref<80xi32, #tpu.memory_space<vmem>>
      %dma_start3A_102 = arith.constant 0 : i32
      %dma_start3A_103 = arith.constant 0 : i32
      %dma_start3A_104 = tpu.memref_slice %arg17[%dma_start3A_102, %dma_start3A_103] : memref<10240x16xf32, #tpu.memory_space<vmem_shared>> -> memref<10240x16xf32, #tpu.memory_space<vmem_shared>>
      tpu.enqueue_indirect_dma source(%arg14 : memref<80x16xf32, #tpu.memory_space<vmem>>) target(%dma_start3A_104 : memref<10240x16xf32, #tpu.memory_space<vmem_shared>>) offsets(%dma_start3A_101 : memref<80xi32, #tpu.memory_space<vmem>>) semaphore(%run_scoped3A_98 : memref<!tpu.dma_semaphore, #tpu.memory_space<semaphore_mem>>) {add = true}
      %dma_wait3A_105 = arith.constant 0 : i32
      %dma_wait3A_106 = tpu.memref_slice %arg10[%run_scoped3A_34, %dma_wait3A_105] : memref<63x80xi32, #tpu.memory_space<vmem>> -> memref<1x80xi32, #tpu.memory_space<vmem>>
      %dma_wait3A_107 = tpu.memref_squeeze %dma_wait3A_106 : memref<1x80xi32, #tpu.memory_space<vmem>> -> memref<80xi32, #tpu.memory_space<vmem>>
      %dma_wait3A_108 = arith.constant 0 : i32
      %dma_wait3A_109 = arith.constant 0 : i32
      %dma_wait3A_110 = tpu.memref_slice %arg17[%dma_wait3A_108, %dma_wait3A_109] : memref<10240x16xf32, #tpu.memory_space<vmem_shared>> -> memref<10240x16xf32, #tpu.memory_space<vmem_shared>>
      tpu.wait_indirect_dma semaphore(%run_scoped3A_98 : memref<!tpu.dma_semaphore, #tpu.memory_space<semaphore_mem>>) src(%arg14 : memref<80x16xf32, #tpu.memory_space<vmem>>) dst(%dma_wait3A_110 : memref<10240x16xf32, #tpu.memory_space<vmem_shared>>)
      tpu.yield
    }) : () -> ()
    "tpu.region"() ({
      %run_scoped3A_98 = tpu.sem_alloc : memref<!tpu.dma_semaphore, #tpu.memory_space<semaphore_mem>>
      %dma_start3A_99 = arith.constant 0 : i32
      %dma_start3A_100 = arith.constant 0 : i32
      %dma_start3A_101 = tpu.memref_slice %arg10[%dma_start3A_99, %dma_start3A_100] : memref<63x80xi32, #tpu.memory_space<vmem>> -> memref<62x80xi32, #tpu.memory_space<vmem>>
      %dma_start3A_102 = arith.constant 0 : i32
      %dma_start3A_103 = arith.constant 0 : i32
      %dma_start3A_104 = tpu.memref_slice %arg2[%add3A, %dma_start3A_102, %dma_start3A_103] : memref<32x125x80xi32, #tpu.memory_space<hbm>> -> memref<1x125x80xi32, #tpu.memory_space<hbm>>
      %dma_start3A_105 = tpu.memref_squeeze %dma_start3A_104 : memref<1x125x80xi32, #tpu.memory_space<hbm>> -> memref<125x80xi32, #tpu.memory_space<hbm>>
      %dma_start3A_106 = arith.constant 63 : i32
      %dma_start3A_107 = arith.constant 0 : i32
      %dma_start3A_108 = tpu.memref_slice %dma_start3A_105[%dma_start3A_106, %dma_start3A_107] : memref<125x80xi32, #tpu.memory_space<hbm>> -> memref<62x80xi32, #tpu.memory_space<hbm>>
      %dma_start3A_109 = arith.constant 0 : i32
      %dma_start3A_110 = arith.constant 0 : i32
      %dma_start3A_111 = tpu.memref_slice %arg10[%dma_start3A_109, %dma_start3A_110] : memref<63x80xi32, #tpu.memory_space<vmem>> -> memref<62x80xi32, #tpu.memory_space<vmem>>
      %dma_start3A_112 = arith.constant 0 : i32
      %dma_start3A_113 = arith.constant 0 : i32
      %dma_start3A_114 = tpu.memref_slice %arg2[%add3A, %dma_start3A_112, %dma_start3A_113] : memref<32x125x80xi32, #tpu.memory_space<hbm>> -> memref<1x125x80xi32, #tpu.memory_space<hbm>>
      %dma_start3A_115 = tpu.memref_squeeze %dma_start3A_114 : memref<1x125x80xi32, #tpu.memory_space<hbm>> -> memref<125x80xi32, #tpu.memory_space<hbm>>
      %dma_start3A_116 = arith.constant 63 : i32
      %dma_start3A_117 = arith.constant 0 : i32
      %dma_start3A_118 = tpu.memref_slice %dma_start3A_115[%dma_start3A_116, %dma_start3A_117] : memref<125x80xi32, #tpu.memory_space<hbm>> -> memref<62x80xi32, #tpu.memory_space<hbm>>
      tpu.enqueue_dma source(%dma_start3A_118 : memref<62x80xi32, #tpu.memory_space<hbm>>) target(%dma_start3A_111 : memref<62x80xi32, #tpu.memory_space<vmem>>) target_semaphore(%run_scoped3A_98 : memref<!tpu.dma_semaphore, #tpu.memory_space<semaphore_mem>>)
      %dma_wait3A_119 = arith.constant 0 : i32
      %dma_wait3A_120 = arith.constant 0 : i32
      %dma_wait3A_121 = tpu.memref_slice %arg10[%dma_wait3A_119, %dma_wait3A_120] : memref<63x80xi32, #tpu.memory_space<vmem>> -> memref<62x80xi32, #tpu.memory_space<vmem>>
      %dma_wait3A_122 = arith.constant 0 : i32
      %dma_wait3A_123 = arith.constant 0 : i32
      %dma_wait3A_124 = tpu.memref_slice %arg2[%add3A, %dma_wait3A_122, %dma_wait3A_123] : memref<32x125x80xi32, #tpu.memory_space<hbm>> -> memref<1x125x80xi32, #tpu.memory_space<hbm>>
      %dma_wait3A_125 = tpu.memref_squeeze %dma_wait3A_124 : memref<1x125x80xi32, #tpu.memory_space<hbm>> -> memref<125x80xi32, #tpu.memory_space<hbm>>
      %dma_wait3A_126 = arith.constant 63 : i32
      %dma_wait3A_127 = arith.constant 0 : i32
      %dma_wait3A_128 = tpu.memref_slice %dma_wait3A_125[%dma_wait3A_126, %dma_wait3A_127] : memref<125x80xi32, #tpu.memory_space<hbm>> -> memref<62x80xi32, #tpu.memory_space<hbm>>
      %dma_wait3A_129 = arith.constant 0 : i32
      %dma_wait3A_130 = arith.constant 0 : i32
      %dma_wait3A_131 = tpu.memref_slice %arg10[%dma_wait3A_129, %dma_wait3A_130] : memref<63x80xi32, #tpu.memory_space<vmem>> -> memref<62x80xi32, #tpu.memory_space<vmem>>
      %dma_wait3A_132 = arith.constant 0 : i32
      %dma_wait3A_133 = arith.constant 0 : i32
      %dma_wait3A_134 = tpu.memref_slice %arg2[%add3A, %dma_wait3A_132, %dma_wait3A_133] : memref<32x125x80xi32, #tpu.memory_space<hbm>> -> memref<1x125x80xi32, #tpu.memory_space<hbm>>
      %dma_wait3A_135 = tpu.memref_squeeze %dma_wait3A_134 : memref<1x125x80xi32, #tpu.memory_space<hbm>> -> memref<125x80xi32, #tpu.memory_space<hbm>>
      %dma_wait3A_136 = arith.constant 63 : i32
      %dma_wait3A_137 = arith.constant 0 : i32
      %dma_wait3A_138 = tpu.memref_slice %dma_wait3A_135[%dma_wait3A_136, %dma_wait3A_137] : memref<125x80xi32, #tpu.memory_space<hbm>> -> memref<62x80xi32, #tpu.memory_space<hbm>>
      tpu.wait_dma2 semaphore(%run_scoped3A_98 : memref<!tpu.dma_semaphore, #tpu.memory_space<semaphore_mem>>) src(%dma_wait3A_138 : memref<62x80xi32, #tpu.memory_space<hbm>>) dst(%dma_wait3A_131 : memref<62x80xi32, #tpu.memory_space<vmem>>)
      tpu.yield
    }) : () -> ()
    "tpu.region"() ({
      %run_scoped3A_98 = tpu.sem_alloc : memref<!tpu.dma_semaphore, #tpu.memory_space<semaphore_mem>>
      %dma_start3A_99 = arith.constant 0 : i32
      %dma_start3A_100 = arith.constant 0 : i32
      %dma_start3A_101 = tpu.memref_slice %arg11[%dma_start3A_99, %dma_start3A_100] : memref<63x80xi32, #tpu.memory_space<vmem>> -> memref<62x80xi32, #tpu.memory_space<vmem>>
      %dma_start3A_102 = arith.constant 0 : i32
      %dma_start3A_103 = arith.constant 0 : i32
      %dma_start3A_104 = tpu.memref_slice %arg3[%add3A, %dma_start3A_102, %dma_start3A_103] : memref<32x125x80xi32, #tpu.memory_space<hbm>> -> memref<1x125x80xi32, #tpu.memory_space<hbm>>
      %dma_start3A_105 = tpu.memref_squeeze %dma_start3A_104 : memref<1x125x80xi32, #tpu.memory_space<hbm>> -> memref<125x80xi32, #tpu.memory_space<hbm>>
      %dma_start3A_106 = arith.constant 63 : i32
      %dma_start3A_107 = arith.constant 0 : i32
      %dma_start3A_108 = tpu.memref_slice %dma_start3A_105[%dma_start3A_106, %dma_start3A_107] : memref<125x80xi32, #tpu.memory_space<hbm>> -> memref<62x80xi32, #tpu.memory_space<hbm>>
      %dma_start3A_109 = arith.constant 0 : i32
      %dma_start3A_110 = arith.constant 0 : i32
      %dma_start3A_111 = tpu.memref_slice %arg11[%dma_start3A_109, %dma_start3A_110] : memref<63x80xi32, #tpu.memory_space<vmem>> -> memref<62x80xi32, #tpu.memory_space<vmem>>
      %dma_start3A_112 = arith.constant 0 : i32
      %dma_start3A_113 = arith.constant 0 : i32
      %dma_start3A_114 = tpu.memref_slice %arg3[%add3A, %dma_start3A_112, %dma_start3A_113] : memref<32x125x80xi32, #tpu.memory_space<hbm>> -> memref<1x125x80xi32, #tpu.memory_space<hbm>>
      %dma_start3A_115 = tpu.memref_squeeze %dma_start3A_114 : memref<1x125x80xi32, #tpu.memory_space<hbm>> -> memref<125x80xi32, #tpu.memory_space<hbm>>
      %dma_start3A_116 = arith.constant 63 : i32
      %dma_start3A_117 = arith.constant 0 : i32
      %dma_start3A_118 = tpu.memref_slice %dma_start3A_115[%dma_start3A_116, %dma_start3A_117] : memref<125x80xi32, #tpu.memory_space<hbm>> -> memref<62x80xi32, #tpu.memory_space<hbm>>
      tpu.enqueue_dma source(%dma_start3A_118 : memref<62x80xi32, #tpu.memory_space<hbm>>) target(%dma_start3A_111 : memref<62x80xi32, #tpu.memory_space<vmem>>) target_semaphore(%run_scoped3A_98 : memref<!tpu.dma_semaphore, #tpu.memory_space<semaphore_mem>>)
      %dma_wait3A_119 = arith.constant 0 : i32
      %dma_wait3A_120 = arith.constant 0 : i32
      %dma_wait3A_121 = tpu.memref_slice %arg11[%dma_wait3A_119, %dma_wait3A_120] : memref<63x80xi32, #tpu.memory_space<vmem>> -> memref<62x80xi32, #tpu.memory_space<vmem>>
      %dma_wait3A_122 = arith.constant 0 : i32
      %dma_wait3A_123 = arith.constant 0 : i32
      %dma_wait3A_124 = tpu.memref_slice %arg3[%add3A, %dma_wait3A_122, %dma_wait3A_123] : memref<32x125x80xi32, #tpu.memory_space<hbm>> -> memref<1x125x80xi32, #tpu.memory_space<hbm>>
      %dma_wait3A_125 = tpu.memref_squeeze %dma_wait3A_124 : memref<1x125x80xi32, #tpu.memory_space<hbm>> -> memref<125x80xi32, #tpu.memory_space<hbm>>
      %dma_wait3A_126 = arith.constant 63 : i32
      %dma_wait3A_127 = arith.constant 0 : i32
      %dma_wait3A_128 = tpu.memref_slice %dma_wait3A_125[%dma_wait3A_126, %dma_wait3A_127] : memref<125x80xi32, #tpu.memory_space<hbm>> -> memref<62x80xi32, #tpu.memory_space<hbm>>
      %dma_wait3A_129 = arith.constant 0 : i32
      %dma_wait3A_130 = arith.constant 0 : i32
      %dma_wait3A_131 = tpu.memref_slice %arg11[%dma_wait3A_129, %dma_wait3A_130] : memref<63x80xi32, #tpu.memory_space<vmem>> -> memref<62x80xi32, #tpu.memory_space<vmem>>
      %dma_wait3A_132 = arith.constant 0 : i32
      %dma_wait3A_133 = arith.constant 0 : i32
      %dma_wait3A_134 = tpu.memref_slice %arg3[%add3A, %dma_wait3A_132, %dma_wait3A_133] : memref<32x125x80xi32, #tpu.memory_space<hbm>> -> memref<1x125x80xi32, #tpu.memory_space<hbm>>
      %dma_wait3A_135 = tpu.memref_squeeze %dma_wait3A_134 : memref<1x125x80xi32, #tpu.memory_space<hbm>> -> memref<125x80xi32, #tpu.memory_space<hbm>>
      %dma_wait3A_136 = arith.constant 63 : i32
      %dma_wait3A_137 = arith.constant 0 : i32
      %dma_wait3A_138 = tpu.memref_slice %dma_wait3A_135[%dma_wait3A_136, %dma_wait3A_137] : memref<125x80xi32, #tpu.memory_space<hbm>> -> memref<62x80xi32, #tpu.memory_space<hbm>>
      tpu.wait_dma2 semaphore(%run_scoped3A_98 : memref<!tpu.dma_semaphore, #tpu.memory_space<semaphore_mem>>) src(%dma_wait3A_138 : memref<62x80xi32, #tpu.memory_space<hbm>>) dst(%dma_wait3A_131 : memref<62x80xi32, #tpu.memory_space<vmem>>)
      tpu.yield
    }) : () -> ()
    %dma_start3A_35 = arith.constant 0 : i32
    %dma_start3A_36 = arith.constant 0 : i32
    %dma_start3A_37 = tpu.memref_slice %arg10[%dma_start3A_35, %dma_start3A_36] : memref<63x80xi32, #tpu.memory_space<vmem>> -> memref<1x80xi32, #tpu.memory_space<vmem>>
    %dma_start3A_38 = tpu.memref_squeeze %dma_start3A_37 : memref<1x80xi32, #tpu.memory_space<vmem>> -> memref<80xi32, #tpu.memory_space<vmem>>
    %dma_start3A_39 = arith.constant 0 : i32
    %dma_start3A_40 = arith.constant 0 : i32
    %dma_start3A_41 = tpu.memref_slice %arg4[%dma_start3A_39, %dma_start3A_40] : memref<10000x128xf32, #tpu.memory_space<hbm>> -> memref<10000x128xf32, #tpu.memory_space<hbm>>
    tpu.enqueue_indirect_dma source(%dma_start3A_41 : memref<10000x128xf32, #tpu.memory_space<hbm>>) target(%arg12 : memref<80x128xf32, #tpu.memory_space<vmem>>) offsets(%dma_start3A_38 : memref<80xi32, #tpu.memory_space<vmem>>) semaphore(%arg18 : memref<!tpu.dma_semaphore, #tpu.memory_space<semaphore_mem>>)
    %dma_start3A_42 = arith.constant 0 : i32
    %dma_start3A_43 = arith.constant 0 : i32
    %dma_start3A_44 = tpu.memref_slice %arg11[%dma_start3A_42, %dma_start3A_43] : memref<63x80xi32, #tpu.memory_space<vmem>> -> memref<1x80xi32, #tpu.memory_space<vmem>>
    %dma_start3A_45 = tpu.memref_squeeze %dma_start3A_44 : memref<1x80xi32, #tpu.memory_space<vmem>> -> memref<80xi32, #tpu.memory_space<vmem>>
    %dma_start3A_46 = arith.constant 0 : i32
    %dma_start3A_47 = arith.constant 0 : i32
    %dma_start3A_48 = tpu.memref_slice %arg5[%dma_start3A_46, %dma_start3A_47] : memref<10240x16xf32, #tpu.memory_space<hbm>> -> memref<10240x16xf32, #tpu.memory_space<hbm>>
    tpu.enqueue_indirect_dma source(%dma_start3A_48 : memref<10240x16xf32, #tpu.memory_space<hbm>>) target(%arg14 : memref<80x16xf32, #tpu.memory_space<vmem>>) offsets(%dma_start3A_45 : memref<80xi32, #tpu.memory_space<vmem>>) semaphore(%arg20 : memref<!tpu.dma_semaphore, #tpu.memory_space<semaphore_mem>>)
    %scan3A_49 = arith.constant 0 : i32
    %scan3A_50 = arith.constant 0 : i32
    %scan3A_51 = arith.constant 30 : i32
    %scan3A_52 = arith.addi %scan3A_50, %scan3A_51 : i32
    %scan3A_53 = arith.constant 1 : i32
    scf.for %scan3A_98 = %scan3A_50 to %scan3A_52 step %scan3A_53  : i32 {
      %mul3A_99 = arith.constant 2 : i32
      %mul3A_100 = arith.muli %mul3A_99, %scan3A_98 : i32
      %add3A_101 = arith.constant 1 : i32
      %add3A_102 = arith.addi %mul3A_100, %add3A_101 : i32
      %dma_start3A_103 = arith.constant 0 : i32
      %dma_start3A_104 = tpu.memref_slice %arg10[%add3A_102, %dma_start3A_103] : memref<63x80xi32, #tpu.memory_space<vmem>> -> memref<1x80xi32, #tpu.memory_space<vmem>>
      %dma_start3A_105 = tpu.memref_squeeze %dma_start3A_104 : memref<1x80xi32, #tpu.memory_space<vmem>> -> memref<80xi32, #tpu.memory_space<vmem>>
      %dma_start3A_106 = arith.constant 0 : i32
      %dma_start3A_107 = arith.constant 0 : i32
      %dma_start3A_108 = tpu.memref_slice %arg4[%dma_start3A_106, %dma_start3A_107] : memref<10000x128xf32, #tpu.memory_space<hbm>> -> memref<10000x128xf32, #tpu.memory_space<hbm>>
      tpu.enqueue_indirect_dma source(%dma_start3A_108 : memref<10000x128xf32, #tpu.memory_space<hbm>>) target(%arg13 : memref<80x128xf32, #tpu.memory_space<vmem>>) offsets(%dma_start3A_105 : memref<80xi32, #tpu.memory_space<vmem>>) semaphore(%arg19 : memref<!tpu.dma_semaphore, #tpu.memory_space<semaphore_mem>>)
      %add3A_109 = arith.constant 1 : i32
      %add3A_110 = arith.addi %mul3A_100, %add3A_109 : i32
      %dma_start3A_111 = arith.constant 0 : i32
      %dma_start3A_112 = tpu.memref_slice %arg11[%add3A_110, %dma_start3A_111] : memref<63x80xi32, #tpu.memory_space<vmem>> -> memref<1x80xi32, #tpu.memory_space<vmem>>
      %dma_start3A_113 = tpu.memref_squeeze %dma_start3A_112 : memref<1x80xi32, #tpu.memory_space<vmem>> -> memref<80xi32, #tpu.memory_space<vmem>>
      %dma_start3A_114 = arith.constant 0 : i32
      %dma_start3A_115 = arith.constant 0 : i32
      %dma_start3A_116 = tpu.memref_slice %arg5[%dma_start3A_114, %dma_start3A_115] : memref<10240x16xf32, #tpu.memory_space<hbm>> -> memref<10240x16xf32, #tpu.memory_space<hbm>>
      tpu.enqueue_indirect_dma source(%dma_start3A_116 : memref<10240x16xf32, #tpu.memory_space<hbm>>) target(%arg15 : memref<80x16xf32, #tpu.memory_space<vmem>>) offsets(%dma_start3A_113 : memref<80xi32, #tpu.memory_space<vmem>>) semaphore(%arg21 : memref<!tpu.dma_semaphore, #tpu.memory_space<semaphore_mem>>)
      %dma_wait3A_117 = arith.constant 0 : i32
      %dma_wait3A_118 = arith.constant 0 : i32
      %dma_wait3A_119 = tpu.memref_slice %arg4[%dma_wait3A_117, %dma_wait3A_118] : memref<10000x128xf32, #tpu.memory_space<hbm>> -> memref<80x128xf32, #tpu.memory_space<hbm>>
      %dma_wait3A_120 = arith.constant 0 : i32
      %dma_wait3A_121 = arith.constant 0 : i32
      %dma_wait3A_122 = tpu.memref_slice %arg4[%dma_wait3A_120, %dma_wait3A_121] : memref<10000x128xf32, #tpu.memory_space<hbm>> -> memref<80x128xf32, #tpu.memory_space<hbm>>
      tpu.wait_dma2 semaphore(%arg18 : memref<!tpu.dma_semaphore, #tpu.memory_space<semaphore_mem>>) src(%dma_wait3A_122 : memref<80x128xf32, #tpu.memory_space<hbm>>) dst(%arg12 : memref<80x128xf32, #tpu.memory_space<vmem>>)
      %dma_wait3A_123 = arith.constant 0 : i32
      %dma_wait3A_124 = arith.constant 0 : i32
      %dma_wait3A_125 = tpu.memref_slice %arg5[%dma_wait3A_123, %dma_wait3A_124] : memref<10240x16xf32, #tpu.memory_space<hbm>> -> memref<80x16xf32, #tpu.memory_space<hbm>>
      %dma_wait3A_126 = arith.constant 0 : i32
      %dma_wait3A_127 = arith.constant 0 : i32
      %dma_wait3A_128 = tpu.memref_slice %arg5[%dma_wait3A_126, %dma_wait3A_127] : memref<10240x16xf32, #tpu.memory_space<hbm>> -> memref<80x16xf32, #tpu.memory_space<hbm>>
      tpu.wait_dma2 semaphore(%arg20 : memref<!tpu.dma_semaphore, #tpu.memory_space<semaphore_mem>>) src(%dma_wait3A_128 : memref<80x16xf32, #tpu.memory_space<hbm>>) dst(%arg14 : memref<80x16xf32, #tpu.memory_space<vmem>>)
      "tpu.region"() ({
        %run_scoped3A_161 = tpu.sem_alloc : memref<!tpu.dma_semaphore, #tpu.memory_space<semaphore_mem>>
        %dma_start3A_162 = arith.constant 0 : i32
        %dma_start3A_163 = tpu.memref_slice %arg11[%mul3A_100, %dma_start3A_162] : memref<63x80xi32, #tpu.memory_space<vmem>> -> memref<1x80xi32, #tpu.memory_space<vmem>>
        %dma_start3A_164 = tpu.memref_squeeze %dma_start3A_163 : memref<1x80xi32, #tpu.memory_space<vmem>> -> memref<80xi32, #tpu.memory_space<vmem>>
        %dma_start3A_165 = arith.constant 0 : i32
        %dma_start3A_166 = arith.constant 0 : i32
        %dma_start3A_167 = tpu.memref_slice %arg16[%dma_start3A_165, %dma_start3A_166] : memref<10240x128xf32, #tpu.memory_space<vmem_shared>> -> memref<10240x128xf32, #tpu.memory_space<vmem_shared>>
        tpu.enqueue_indirect_dma source(%arg12 : memref<80x128xf32, #tpu.memory_space<vmem>>) target(%dma_start3A_167 : memref<10240x128xf32, #tpu.memory_space<vmem_shared>>) offsets(%dma_start3A_164 : memref<80xi32, #tpu.memory_space<vmem>>) semaphore(%run_scoped3A_161 : memref<!tpu.dma_semaphore, #tpu.memory_space<semaphore_mem>>) {add = true}
        %dma_wait3A_168 = arith.constant 0 : i32
        %dma_wait3A_169 = tpu.memref_slice %arg11[%mul3A_100, %dma_wait3A_168] : memref<63x80xi32, #tpu.memory_space<vmem>> -> memref<1x80xi32, #tpu.memory_space<vmem>>
        %dma_wait3A_170 = tpu.memref_squeeze %dma_wait3A_169 : memref<1x80xi32, #tpu.memory_space<vmem>> -> memref<80xi32, #tpu.memory_space<vmem>>
        %dma_wait3A_171 = arith.constant 0 : i32
        %dma_wait3A_172 = arith.constant 0 : i32
        %dma_wait3A_173 = tpu.memref_slice %arg16[%dma_wait3A_171, %dma_wait3A_172] : memref<10240x128xf32, #tpu.memory_space<vmem_shared>> -> memref<10240x128xf32, #tpu.memory_space<vmem_shared>>
        tpu.wait_indirect_dma semaphore(%run_scoped3A_161 : memref<!tpu.dma_semaphore, #tpu.memory_space<semaphore_mem>>) src(%arg12 : memref<80x128xf32, #tpu.memory_space<vmem>>) dst(%dma_wait3A_173 : memref<10240x128xf32, #tpu.memory_space<vmem_shared>>)
        tpu.yield
      }) : () -> ()
      "tpu.region"() ({
        %run_scoped3A_161 = tpu.sem_alloc : memref<!tpu.dma_semaphore, #tpu.memory_space<semaphore_mem>>
        %dma_start3A_162 = arith.constant 0 : i32
        %dma_start3A_163 = tpu.memref_slice %arg10[%mul3A_100, %dma_start3A_162] : memref<63x80xi32, #tpu.memory_space<vmem>> -> memref<1x80xi32, #tpu.memory_space<vmem>>
        %dma_start3A_164 = tpu.memref_squeeze %dma_start3A_163 : memref<1x80xi32, #tpu.memory_space<vmem>> -> memref<80xi32, #tpu.memory_space<vmem>>
        %dma_start3A_165 = arith.constant 0 : i32
        %dma_start3A_166 = arith.constant 0 : i32
        %dma_start3A_167 = tpu.memref_slice %arg17[%dma_start3A_165, %dma_start3A_166] : memref<10240x16xf32, #tpu.memory_space<vmem_shared>> -> memref<10240x16xf32, #tpu.memory_space<vmem_shared>>
        tpu.enqueue_indirect_dma source(%arg14 : memref<80x16xf32, #tpu.memory_space<vmem>>) target(%dma_start3A_167 : memref<10240x16xf32, #tpu.memory_space<vmem_shared>>) offsets(%dma_start3A_164 : memref<80xi32, #tpu.memory_space<vmem>>) semaphore(%run_scoped3A_161 : memref<!tpu.dma_semaphore, #tpu.memory_space<semaphore_mem>>) {add = true}
        %dma_wait3A_168 = arith.constant 0 : i32
        %dma_wait3A_169 = tpu.memref_slice %arg10[%mul3A_100, %dma_wait3A_168] : memref<63x80xi32, #tpu.memory_space<vmem>> -> memref<1x80xi32, #tpu.memory_space<vmem>>
        %dma_wait3A_170 = tpu.memref_squeeze %dma_wait3A_169 : memref<1x80xi32, #tpu.memory_space<vmem>> -> memref<80xi32, #tpu.memory_space<vmem>>
        %dma_wait3A_171 = arith.constant 0 : i32
        %dma_wait3A_172 = arith.constant 0 : i32
        %dma_wait3A_173 = tpu.memref_slice %arg17[%dma_wait3A_171, %dma_wait3A_172] : memref<10240x16xf32, #tpu.memory_space<vmem_shared>> -> memref<10240x16xf32, #tpu.memory_space<vmem_shared>>
        tpu.wait_indirect_dma semaphore(%run_scoped3A_161 : memref<!tpu.dma_semaphore, #tpu.memory_space<semaphore_mem>>) src(%arg14 : memref<80x16xf32, #tpu.memory_space<vmem>>) dst(%dma_wait3A_173 : memref<10240x16xf32, #tpu.memory_space<vmem_shared>>)
        tpu.yield
      }) : () -> ()
      %add3A_129 = arith.constant 2 : i32
      %add3A_130 = arith.addi %mul3A_100, %add3A_129 : i32
      %dma_start3A_131 = arith.constant 0 : i32
      %dma_start3A_132 = tpu.memref_slice %arg10[%add3A_130, %dma_start3A_131] : memref<63x80xi32, #tpu.memory_space<vmem>> -> memref<1x80xi32, #tpu.memory_space<vmem>>
      %dma_start3A_133 = tpu.memref_squeeze %dma_start3A_132 : memref<1x80xi32, #tpu.memory_space<vmem>> -> memref<80xi32, #tpu.memory_space<vmem>>
      %dma_start3A_134 = arith.constant 0 : i32
      %dma_start3A_135 = arith.constant 0 : i32
      %dma_start3A_136 = tpu.memref_slice %arg4[%dma_start3A_134, %dma_start3A_135] : memref<10000x128xf32, #tpu.memory_space<hbm>> -> memref<10000x128xf32, #tpu.memory_space<hbm>>
      tpu.enqueue_indirect_dma source(%dma_start3A_136 : memref<10000x128xf32, #tpu.memory_space<hbm>>) target(%arg12 : memref<80x128xf32, #tpu.memory_space<vmem>>) offsets(%dma_start3A_133 : memref<80xi32, #tpu.memory_space<vmem>>) semaphore(%arg18 : memref<!tpu.dma_semaphore, #tpu.memory_space<semaphore_mem>>)
      %add3A_137 = arith.constant 2 : i32
      %add3A_138 = arith.addi %mul3A_100, %add3A_137 : i32
      %dma_start3A_139 = arith.constant 0 : i32
      %dma_start3A_140 = tpu.memref_slice %arg11[%add3A_138, %dma_start3A_139] : memref<63x80xi32, #tpu.memory_space<vmem>> -> memref<1x80xi32, #tpu.memory_space<vmem>>
      %dma_start3A_141 = tpu.memref_squeeze %dma_start3A_140 : memref<1x80xi32, #tpu.memory_space<vmem>> -> memref<80xi32, #tpu.memory_space<vmem>>
      %dma_start3A_142 = arith.constant 0 : i32
      %dma_start3A_143 = arith.constant 0 : i32
      %dma_start3A_144 = tpu.memref_slice %arg5[%dma_start3A_142, %dma_start3A_143] : memref<10240x16xf32, #tpu.memory_space<hbm>> -> memref<10240x16xf32, #tpu.memory_space<hbm>>
      tpu.enqueue_indirect_dma source(%dma_start3A_144 : memref<10240x16xf32, #tpu.memory_space<hbm>>) target(%arg14 : memref<80x16xf32, #tpu.memory_space<vmem>>) offsets(%dma_start3A_141 : memref<80xi32, #tpu.memory_space<vmem>>) semaphore(%arg20 : memref<!tpu.dma_semaphore, #tpu.memory_space<semaphore_mem>>)
      %dma_wait3A_145 = arith.constant 0 : i32
      %dma_wait3A_146 = arith.constant 0 : i32
      %dma_wait3A_147 = tpu.memref_slice %arg4[%dma_wait3A_145, %dma_wait3A_146] : memref<10000x128xf32, #tpu.memory_space<hbm>> -> memref<80x128xf32, #tpu.memory_space<hbm>>
      %dma_wait3A_148 = arith.constant 0 : i32
      %dma_wait3A_149 = arith.constant 0 : i32
      %dma_wait3A_150 = tpu.memref_slice %arg4[%dma_wait3A_148, %dma_wait3A_149] : memref<10000x128xf32, #tpu.memory_space<hbm>> -> memref<80x128xf32, #tpu.memory_space<hbm>>
      tpu.wait_dma2 semaphore(%arg19 : memref<!tpu.dma_semaphore, #tpu.memory_space<semaphore_mem>>) src(%dma_wait3A_150 : memref<80x128xf32, #tpu.memory_space<hbm>>) dst(%arg13 : memref<80x128xf32, #tpu.memory_space<vmem>>)
      %dma_wait3A_151 = arith.constant 0 : i32
      %dma_wait3A_152 = arith.constant 0 : i32
      %dma_wait3A_153 = tpu.memref_slice %arg5[%dma_wait3A_151, %dma_wait3A_152] : memref<10240x16xf32, #tpu.memory_space<hbm>> -> memref<80x16xf32, #tpu.memory_space<hbm>>
      %dma_wait3A_154 = arith.constant 0 : i32
      %dma_wait3A_155 = arith.constant 0 : i32
      %dma_wait3A_156 = tpu.memref_slice %arg5[%dma_wait3A_154, %dma_wait3A_155] : memref<10240x16xf32, #tpu.memory_space<hbm>> -> memref<80x16xf32, #tpu.memory_space<hbm>>
      tpu.wait_dma2 semaphore(%arg21 : memref<!tpu.dma_semaphore, #tpu.memory_space<semaphore_mem>>) src(%dma_wait3A_156 : memref<80x16xf32, #tpu.memory_space<hbm>>) dst(%arg15 : memref<80x16xf32, #tpu.memory_space<vmem>>)
      %add3A_157 = arith.constant 1 : i32
      %add3A_158 = arith.addi %mul3A_100, %add3A_157 : i32
      "tpu.region"() ({
        %run_scoped3A_161 = tpu.sem_alloc : memref<!tpu.dma_semaphore, #tpu.memory_space<semaphore_mem>>
        %dma_start3A_162 = arith.constant 0 : i32
        %dma_start3A_163 = tpu.memref_slice %arg11[%add3A_158, %dma_start3A_162] : memref<63x80xi32, #tpu.memory_space<vmem>> -> memref<1x80xi32, #tpu.memory_space<vmem>>
        %dma_start3A_164 = tpu.memref_squeeze %dma_start3A_163 : memref<1x80xi32, #tpu.memory_space<vmem>> -> memref<80xi32, #tpu.memory_space<vmem>>
        %dma_start3A_165 = arith.constant 0 : i32
        %dma_start3A_166 = arith.constant 0 : i32
        %dma_start3A_167 = tpu.memref_slice %arg16[%dma_start3A_165, %dma_start3A_166] : memref<10240x128xf32, #tpu.memory_space<vmem_shared>> -> memref<10240x128xf32, #tpu.memory_space<vmem_shared>>
        tpu.enqueue_indirect_dma source(%arg13 : memref<80x128xf32, #tpu.memory_space<vmem>>) target(%dma_start3A_167 : memref<10240x128xf32, #tpu.memory_space<vmem_shared>>) offsets(%dma_start3A_164 : memref<80xi32, #tpu.memory_space<vmem>>) semaphore(%run_scoped3A_161 : memref<!tpu.dma_semaphore, #tpu.memory_space<semaphore_mem>>) {add = true}
        %dma_wait3A_168 = arith.constant 0 : i32
        %dma_wait3A_169 = tpu.memref_slice %arg11[%add3A_158, %dma_wait3A_168] : memref<63x80xi32, #tpu.memory_space<vmem>> -> memref<1x80xi32, #tpu.memory_space<vmem>>
        %dma_wait3A_170 = tpu.memref_squeeze %dma_wait3A_169 : memref<1x80xi32, #tpu.memory_space<vmem>> -> memref<80xi32, #tpu.memory_space<vmem>>
        %dma_wait3A_171 = arith.constant 0 : i32
        %dma_wait3A_172 = arith.constant 0 : i32
        %dma_wait3A_173 = tpu.memref_slice %arg16[%dma_wait3A_171, %dma_wait3A_172] : memref<10240x128xf32, #tpu.memory_space<vmem_shared>> -> memref<10240x128xf32, #tpu.memory_space<vmem_shared>>
        tpu.wait_indirect_dma semaphore(%run_scoped3A_161 : memref<!tpu.dma_semaphore, #tpu.memory_space<semaphore_mem>>) src(%arg13 : memref<80x128xf32, #tpu.memory_space<vmem>>) dst(%dma_wait3A_173 : memref<10240x128xf32, #tpu.memory_space<vmem_shared>>)
        tpu.yield
      }) : () -> ()
      %add3A_159 = arith.constant 1 : i32
      %add3A_160 = arith.addi %mul3A_100, %add3A_159 : i32
      "tpu.region"() ({
        %run_scoped3A_161 = tpu.sem_alloc : memref<!tpu.dma_semaphore, #tpu.memory_space<semaphore_mem>>
        %dma_start3A_162 = arith.constant 0 : i32
        %dma_start3A_163 = tpu.memref_slice %arg10[%add3A_160, %dma_start3A_162] : memref<63x80xi32, #tpu.memory_space<vmem>> -> memref<1x80xi32, #tpu.memory_space<vmem>>
        %dma_start3A_164 = tpu.memref_squeeze %dma_start3A_163 : memref<1x80xi32, #tpu.memory_space<vmem>> -> memref<80xi32, #tpu.memory_space<vmem>>
        %dma_start3A_165 = arith.constant 0 : i32
        %dma_start3A_166 = arith.constant 0 : i32
        %dma_start3A_167 = tpu.memref_slice %arg17[%dma_start3A_165, %dma_start3A_166] : memref<10240x16xf32, #tpu.memory_space<vmem_shared>> -> memref<10240x16xf32, #tpu.memory_space<vmem_shared>>
        tpu.enqueue_indirect_dma source(%arg15 : memref<80x16xf32, #tpu.memory_space<vmem>>) target(%dma_start3A_167 : memref<10240x16xf32, #tpu.memory_space<vmem_shared>>) offsets(%dma_start3A_164 : memref<80xi32, #tpu.memory_space<vmem>>) semaphore(%run_scoped3A_161 : memref<!tpu.dma_semaphore, #tpu.memory_space<semaphore_mem>>) {add = true}
        %dma_wait3A_168 = arith.constant 0 : i32
        %dma_wait3A_169 = tpu.memref_slice %arg10[%add3A_160, %dma_wait3A_168] : memref<63x80xi32, #tpu.memory_space<vmem>> -> memref<1x80xi32, #tpu.memory_space<vmem>>
        %dma_wait3A_170 = tpu.memref_squeeze %dma_wait3A_169 : memref<1x80xi32, #tpu.memory_space<vmem>> -> memref<80xi32, #tpu.memory_space<vmem>>
        %dma_wait3A_171 = arith.constant 0 : i32
        %dma_wait3A_172 = arith.constant 0 : i32
        %dma_wait3A_173 = tpu.memref_slice %arg17[%dma_wait3A_171, %dma_wait3A_172] : memref<10240x16xf32, #tpu.memory_space<vmem_shared>> -> memref<10240x16xf32, #tpu.memory_space<vmem_shared>>
        tpu.wait_indirect_dma semaphore(%run_scoped3A_161 : memref<!tpu.dma_semaphore, #tpu.memory_space<semaphore_mem>>) src(%arg15 : memref<80x16xf32, #tpu.memory_space<vmem>>) dst(%dma_wait3A_173 : memref<10240x16xf32, #tpu.memory_space<vmem_shared>>)
        tpu.yield
      }) : () -> ()
    }
    %scan3A_54 = arith.constant 30 : i32
    %dma_wait3A_55 = arith.constant 0 : i32
    %dma_wait3A_56 = arith.constant 0 : i32
    %dma_wait3A_57 = tpu.memref_slice %arg4[%dma_wait3A_55, %dma_wait3A_56] : memref<10000x128xf32, #tpu.memory_space<hbm>> -> memref<80x128xf32, #tpu.memory_space<hbm>>
    %dma_wait3A_58 = arith.constant 0 : i32
    %dma_wait3A_59 = arith.constant 0 : i32
    %dma_wait3A_60 = tpu.memref_slice %arg4[%dma_wait3A_58, %dma_wait3A_59] : memref<10000x128xf32, #tpu.memory_space<hbm>> -> memref<80x128xf32, #tpu.memory_space<hbm>>
    tpu.wait_dma2 semaphore(%arg18 : memref<!tpu.dma_semaphore, #tpu.memory_space<semaphore_mem>>) src(%dma_wait3A_60 : memref<80x128xf32, #tpu.memory_space<hbm>>) dst(%arg12 : memref<80x128xf32, #tpu.memory_space<vmem>>)
    %dma_wait3A_61 = arith.constant 0 : i32
    %dma_wait3A_62 = arith.constant 0 : i32
    %dma_wait3A_63 = tpu.memref_slice %arg5[%dma_wait3A_61, %dma_wait3A_62] : memref<10240x16xf32, #tpu.memory_space<hbm>> -> memref<80x16xf32, #tpu.memory_space<hbm>>
    %dma_wait3A_64 = arith.constant 0 : i32
    %dma_wait3A_65 = arith.constant 0 : i32
    %dma_wait3A_66 = tpu.memref_slice %arg5[%dma_wait3A_64, %dma_wait3A_65] : memref<10240x16xf32, #tpu.memory_space<hbm>> -> memref<80x16xf32, #tpu.memory_space<hbm>>
    tpu.wait_dma2 semaphore(%arg20 : memref<!tpu.dma_semaphore, #tpu.memory_space<semaphore_mem>>) src(%dma_wait3A_66 : memref<80x16xf32, #tpu.memory_space<hbm>>) dst(%arg14 : memref<80x16xf32, #tpu.memory_space<vmem>>)
    %run_scoped3A_67 = arith.constant 60 : i32
    "tpu.region"() ({
      %run_scoped3A_98 = tpu.sem_alloc : memref<!tpu.dma_semaphore, #tpu.memory_space<semaphore_mem>>
      %dma_start3A_99 = arith.constant 0 : i32
      %dma_start3A_100 = tpu.memref_slice %arg11[%run_scoped3A_67, %dma_start3A_99] : memref<63x80xi32, #tpu.memory_space<vmem>> -> memref<1x80xi32, #tpu.memory_space<vmem>>
      %dma_start3A_101 = tpu.memref_squeeze %dma_start3A_100 : memref<1x80xi32, #tpu.memory_space<vmem>> -> memref<80xi32, #tpu.memory_space<vmem>>
      %dma_start3A_102 = arith.constant 0 : i32
      %dma_start3A_103 = arith.constant 0 : i32
      %dma_start3A_104 = tpu.memref_slice %arg16[%dma_start3A_102, %dma_start3A_103] : memref<10240x128xf32, #tpu.memory_space<vmem_shared>> -> memref<10240x128xf32, #tpu.memory_space<vmem_shared>>
      tpu.enqueue_indirect_dma source(%arg12 : memref<80x128xf32, #tpu.memory_space<vmem>>) target(%dma_start3A_104 : memref<10240x128xf32, #tpu.memory_space<vmem_shared>>) offsets(%dma_start3A_101 : memref<80xi32, #tpu.memory_space<vmem>>) semaphore(%run_scoped3A_98 : memref<!tpu.dma_semaphore, #tpu.memory_space<semaphore_mem>>) {add = true}
      %dma_wait3A_105 = arith.constant 0 : i32
      %dma_wait3A_106 = tpu.memref_slice %arg11[%run_scoped3A_67, %dma_wait3A_105] : memref<63x80xi32, #tpu.memory_space<vmem>> -> memref<1x80xi32, #tpu.memory_space<vmem>>
      %dma_wait3A_107 = tpu.memref_squeeze %dma_wait3A_106 : memref<1x80xi32, #tpu.memory_space<vmem>> -> memref<80xi32, #tpu.memory_space<vmem>>
      %dma_wait3A_108 = arith.constant 0 : i32
      %dma_wait3A_109 = arith.constant 0 : i32
      %dma_wait3A_110 = tpu.memref_slice %arg16[%dma_wait3A_108, %dma_wait3A_109] : memref<10240x128xf32, #tpu.memory_space<vmem_shared>> -> memref<10240x128xf32, #tpu.memory_space<vmem_shared>>
      tpu.wait_indirect_dma semaphore(%run_scoped3A_98 : memref<!tpu.dma_semaphore, #tpu.memory_space<semaphore_mem>>) src(%arg12 : memref<80x128xf32, #tpu.memory_space<vmem>>) dst(%dma_wait3A_110 : memref<10240x128xf32, #tpu.memory_space<vmem_shared>>)
      tpu.yield
    }) : () -> ()
    %run_scoped3A_68 = arith.constant 60 : i32
    "tpu.region"() ({
      %run_scoped3A_98 = tpu.sem_alloc : memref<!tpu.dma_semaphore, #tpu.memory_space<semaphore_mem>>
      %dma_start3A_99 = arith.constant 0 : i32
      %dma_start3A_100 = tpu.memref_slice %arg10[%run_scoped3A_68, %dma_start3A_99] : memref<63x80xi32, #tpu.memory_space<vmem>> -> memref<1x80xi32, #tpu.memory_space<vmem>>
      %dma_start3A_101 = tpu.memref_squeeze %dma_start3A_100 : memref<1x80xi32, #tpu.memory_space<vmem>> -> memref<80xi32, #tpu.memory_space<vmem>>
      %dma_start3A_102 = arith.constant 0 : i32
      %dma_start3A_103 = arith.constant 0 : i32
      %dma_start3A_104 = tpu.memref_slice %arg17[%dma_start3A_102, %dma_start3A_103] : memref<10240x16xf32, #tpu.memory_space<vmem_shared>> -> memref<10240x16xf32, #tpu.memory_space<vmem_shared>>
      tpu.enqueue_indirect_dma source(%arg14 : memref<80x16xf32, #tpu.memory_space<vmem>>) target(%dma_start3A_104 : memref<10240x16xf32, #tpu.memory_space<vmem_shared>>) offsets(%dma_start3A_101 : memref<80xi32, #tpu.memory_space<vmem>>) semaphore(%run_scoped3A_98 : memref<!tpu.dma_semaphore, #tpu.memory_space<semaphore_mem>>) {add = true}
      %dma_wait3A_105 = arith.constant 0 : i32
      %dma_wait3A_106 = tpu.memref_slice %arg10[%run_scoped3A_68, %dma_wait3A_105] : memref<63x80xi32, #tpu.memory_space<vmem>> -> memref<1x80xi32, #tpu.memory_space<vmem>>
      %dma_wait3A_107 = tpu.memref_squeeze %dma_wait3A_106 : memref<1x80xi32, #tpu.memory_space<vmem>> -> memref<80xi32, #tpu.memory_space<vmem>>
      %dma_wait3A_108 = arith.constant 0 : i32
      %dma_wait3A_109 = arith.constant 0 : i32
      %dma_wait3A_110 = tpu.memref_slice %arg17[%dma_wait3A_108, %dma_wait3A_109] : memref<10240x16xf32, #tpu.memory_space<vmem_shared>> -> memref<10240x16xf32, #tpu.memory_space<vmem_shared>>
      tpu.wait_indirect_dma semaphore(%run_scoped3A_98 : memref<!tpu.dma_semaphore, #tpu.memory_space<semaphore_mem>>) src(%arg14 : memref<80x16xf32, #tpu.memory_space<vmem>>) dst(%dma_wait3A_110 : memref<10240x16xf32, #tpu.memory_space<vmem_shared>>)
      tpu.yield
    }) : () -> ()
    %run_scoped3A_69 = arith.constant 61 : i32
    "tpu.region"() ({
      %run_scoped3A_98 = tpu.sem_alloc : memref<!tpu.dma_semaphore, #tpu.memory_space<semaphore_mem>>
      %dma_start3A_99 = arith.constant 0 : i32
      %dma_start3A_100 = tpu.memref_slice %arg10[%run_scoped3A_69, %dma_start3A_99] : memref<63x80xi32, #tpu.memory_space<vmem>> -> memref<1x80xi32, #tpu.memory_space<vmem>>
      %dma_start3A_101 = tpu.memref_squeeze %dma_start3A_100 : memref<1x80xi32, #tpu.memory_space<vmem>> -> memref<80xi32, #tpu.memory_space<vmem>>
      %dma_start3A_102 = arith.constant 0 : i32
      %dma_start3A_103 = arith.constant 0 : i32
      %dma_start3A_104 = tpu.memref_slice %arg4[%dma_start3A_102, %dma_start3A_103] : memref<10000x128xf32, #tpu.memory_space<hbm>> -> memref<10000x128xf32, #tpu.memory_space<hbm>>
      tpu.enqueue_indirect_dma source(%dma_start3A_104 : memref<10000x128xf32, #tpu.memory_space<hbm>>) target(%arg13 : memref<80x128xf32, #tpu.memory_space<vmem>>) offsets(%dma_start3A_101 : memref<80xi32, #tpu.memory_space<vmem>>) semaphore(%run_scoped3A_98 : memref<!tpu.dma_semaphore, #tpu.memory_space<semaphore_mem>>)
      %dma_wait3A_105 = arith.constant 0 : i32
      %dma_wait3A_106 = tpu.memref_slice %arg10[%run_scoped3A_69, %dma_wait3A_105] : memref<63x80xi32, #tpu.memory_space<vmem>> -> memref<1x80xi32, #tpu.memory_space<vmem>>
      %dma_wait3A_107 = tpu.memref_squeeze %dma_wait3A_106 : memref<1x80xi32, #tpu.memory_space<vmem>> -> memref<80xi32, #tpu.memory_space<vmem>>
      %dma_wait3A_108 = arith.constant 0 : i32
      %dma_wait3A_109 = arith.constant 0 : i32
      %dma_wait3A_110 = tpu.memref_slice %arg4[%dma_wait3A_108, %dma_wait3A_109] : memref<10000x128xf32, #tpu.memory_space<hbm>> -> memref<10000x128xf32, #tpu.memory_space<hbm>>
      tpu.wait_indirect_dma semaphore(%run_scoped3A_98 : memref<!tpu.dma_semaphore, #tpu.memory_space<semaphore_mem>>) src(%dma_wait3A_110 : memref<10000x128xf32, #tpu.memory_space<hbm>>) dst(%arg13 : memref<80x128xf32, #tpu.memory_space<vmem>>)
      tpu.yield
    }) : () -> ()
    %run_scoped3A_70 = arith.constant 61 : i32
    "tpu.region"() ({
      %run_scoped3A_98 = tpu.sem_alloc : memref<!tpu.dma_semaphore, #tpu.memory_space<semaphore_mem>>
      %dma_start3A_99 = arith.constant 0 : i32
      %dma_start3A_100 = tpu.memref_slice %arg11[%run_scoped3A_70, %dma_start3A_99] : memref<63x80xi32, #tpu.memory_space<vmem>> -> memref<1x80xi32, #tpu.memory_space<vmem>>
      %dma_start3A_101 = tpu.memref_squeeze %dma_start3A_100 : memref<1x80xi32, #tpu.memory_space<vmem>> -> memref<80xi32, #tpu.memory_space<vmem>>
      %dma_start3A_102 = arith.constant 0 : i32
      %dma_start3A_103 = arith.constant 0 : i32
      %dma_start3A_104 = tpu.memref_slice %arg5[%dma_start3A_102, %dma_start3A_103] : memref<10240x16xf32, #tpu.memory_space<hbm>> -> memref<10240x16xf32, #tpu.memory_space<hbm>>
      tpu.enqueue_indirect_dma source(%dma_start3A_104 : memref<10240x16xf32, #tpu.memory_space<hbm>>) target(%arg15 : memref<80x16xf32, #tpu.memory_space<vmem>>) offsets(%dma_start3A_101 : memref<80xi32, #tpu.memory_space<vmem>>) semaphore(%run_scoped3A_98 : memref<!tpu.dma_semaphore, #tpu.memory_space<semaphore_mem>>)
      %dma_wait3A_105 = arith.constant 0 : i32
      %dma_wait3A_106 = tpu.memref_slice %arg11[%run_scoped3A_70, %dma_wait3A_105] : memref<63x80xi32, #tpu.memory_space<vmem>> -> memref<1x80xi32, #tpu.memory_space<vmem>>
      %dma_wait3A_107 = tpu.memref_squeeze %dma_wait3A_106 : memref<1x80xi32, #tpu.memory_space<vmem>> -> memref<80xi32, #tpu.memory_space<vmem>>
      %dma_wait3A_108 = arith.constant 0 : i32
      %dma_wait3A_109 = arith.constant 0 : i32
      %dma_wait3A_110 = tpu.memref_slice %arg5[%dma_wait3A_108, %dma_wait3A_109] : memref<10240x16xf32, #tpu.memory_space<hbm>> -> memref<10240x16xf32, #tpu.memory_space<hbm>>
      tpu.wait_indirect_dma semaphore(%run_scoped3A_98 : memref<!tpu.dma_semaphore, #tpu.memory_space<semaphore_mem>>) src(%dma_wait3A_110 : memref<10240x16xf32, #tpu.memory_space<hbm>>) dst(%arg15 : memref<80x16xf32, #tpu.memory_space<vmem>>)
      tpu.yield
    }) : () -> ()
    %run_scoped3A_71 = arith.constant 61 : i32
    "tpu.region"() ({
      %run_scoped3A_98 = tpu.sem_alloc : memref<!tpu.dma_semaphore, #tpu.memory_space<semaphore_mem>>
      %dma_start3A_99 = arith.constant 0 : i32
      %dma_start3A_100 = tpu.memref_slice %arg11[%run_scoped3A_71, %dma_start3A_99] : memref<63x80xi32, #tpu.memory_space<vmem>> -> memref<1x80xi32, #tpu.memory_space<vmem>>
      %dma_start3A_101 = tpu.memref_squeeze %dma_start3A_100 : memref<1x80xi32, #tpu.memory_space<vmem>> -> memref<80xi32, #tpu.memory_space<vmem>>
      %dma_start3A_102 = arith.constant 0 : i32
      %dma_start3A_103 = arith.constant 0 : i32
      %dma_start3A_104 = tpu.memref_slice %arg16[%dma_start3A_102, %dma_start3A_103] : memref<10240x128xf32, #tpu.memory_space<vmem_shared>> -> memref<10240x128xf32, #tpu.memory_space<vmem_shared>>
      tpu.enqueue_indirect_dma source(%arg13 : memref<80x128xf32, #tpu.memory_space<vmem>>) target(%dma_start3A_104 : memref<10240x128xf32, #tpu.memory_space<vmem_shared>>) offsets(%dma_start3A_101 : memref<80xi32, #tpu.memory_space<vmem>>) semaphore(%run_scoped3A_98 : memref<!tpu.dma_semaphore, #tpu.memory_space<semaphore_mem>>) {add = true}
      %dma_wait3A_105 = arith.constant 0 : i32
      %dma_wait3A_106 = tpu.memref_slice %arg11[%run_scoped3A_71, %dma_wait3A_105] : memref<63x80xi32, #tpu.memory_space<vmem>> -> memref<1x80xi32, #tpu.memory_space<vmem>>
      %dma_wait3A_107 = tpu.memref_squeeze %dma_wait3A_106 : memref<1x80xi32, #tpu.memory_space<vmem>> -> memref<80xi32, #tpu.memory_space<vmem>>
      %dma_wait3A_108 = arith.constant 0 : i32
      %dma_wait3A_109 = arith.constant 0 : i32
      %dma_wait3A_110 = tpu.memref_slice %arg16[%dma_wait3A_108, %dma_wait3A_109] : memref<10240x128xf32, #tpu.memory_space<vmem_shared>> -> memref<10240x128xf32, #tpu.memory_space<vmem_shared>>
      tpu.wait_indirect_dma semaphore(%run_scoped3A_98 : memref<!tpu.dma_semaphore, #tpu.memory_space<semaphore_mem>>) src(%arg13 : memref<80x128xf32, #tpu.memory_space<vmem>>) dst(%dma_wait3A_110 : memref<10240x128xf32, #tpu.memory_space<vmem_shared>>)
      tpu.yield
    }) : () -> ()
    %run_scoped3A_72 = arith.constant 61 : i32
    "tpu.region"() ({
      %run_scoped3A_98 = tpu.sem_alloc : memref<!tpu.dma_semaphore, #tpu.memory_space<semaphore_mem>>
      %dma_start3A_99 = arith.constant 0 : i32
      %dma_start3A_100 = tpu.memref_slice %arg10[%run_scoped3A_72, %dma_start3A_99] : memref<63x80xi32, #tpu.memory_space<vmem>> -> memref<1x80xi32, #tpu.memory_space<vmem>>
      %dma_start3A_101 = tpu.memref_squeeze %dma_start3A_100 : memref<1x80xi32, #tpu.memory_space<vmem>> -> memref<80xi32, #tpu.memory_space<vmem>>
      %dma_start3A_102 = arith.constant 0 : i32
      %dma_start3A_103 = arith.constant 0 : i32
      %dma_start3A_104 = tpu.memref_slice %arg17[%dma_start3A_102, %dma_start3A_103] : memref<10240x16xf32, #tpu.memory_space<vmem_shared>> -> memref<10240x16xf32, #tpu.memory_space<vmem_shared>>
      tpu.enqueue_indirect_dma source(%arg15 : memref<80x16xf32, #tpu.memory_space<vmem>>) target(%dma_start3A_104 : memref<10240x16xf32, #tpu.memory_space<vmem_shared>>) offsets(%dma_start3A_101 : memref<80xi32, #tpu.memory_space<vmem>>) semaphore(%run_scoped3A_98 : memref<!tpu.dma_semaphore, #tpu.memory_space<semaphore_mem>>) {add = true}
      %dma_wait3A_105 = arith.constant 0 : i32
      %dma_wait3A_106 = tpu.memref_slice %arg10[%run_scoped3A_72, %dma_wait3A_105] : memref<63x80xi32, #tpu.memory_space<vmem>> -> memref<1x80xi32, #tpu.memory_space<vmem>>
      %dma_wait3A_107 = tpu.memref_squeeze %dma_wait3A_106 : memref<1x80xi32, #tpu.memory_space<vmem>> -> memref<80xi32, #tpu.memory_space<vmem>>
      %dma_wait3A_108 = arith.constant 0 : i32
      %dma_wait3A_109 = arith.constant 0 : i32
      %dma_wait3A_110 = tpu.memref_slice %arg17[%dma_wait3A_108, %dma_wait3A_109] : memref<10240x16xf32, #tpu.memory_space<vmem_shared>> -> memref<10240x16xf32, #tpu.memory_space<vmem_shared>>
      tpu.wait_indirect_dma semaphore(%run_scoped3A_98 : memref<!tpu.dma_semaphore, #tpu.memory_space<semaphore_mem>>) src(%arg15 : memref<80x16xf32, #tpu.memory_space<vmem>>) dst(%dma_wait3A_110 : memref<10240x16xf32, #tpu.memory_space<vmem_shared>>)
      tpu.yield
    }) : () -> ()
    %barrier3A_73 = arith.constant 0 : index
    tpu.barrier barrier_id(%barrier3A_73)
    %mul3A_74 = arith.constant 640 : i32
    %mul3A_75 = arith.muli %arg1, %mul3A_74 : i32
    "tpu.region"() ({
      %run_scoped3A_98 = tpu.sem_alloc : memref<!tpu.dma_semaphore, #tpu.memory_space<semaphore_mem>>
      %dma_start3A_99 = arith.constant 0 : i32
      %dma_start3A_100 = tpu.memref_slice %arg16[%mul3A_75, %dma_start3A_99] : memref<10240x128xf32, #tpu.memory_space<vmem_shared>> -> memref<80x128xf32, #tpu.memory_space<vmem_shared>>
      %dma_start3A_101 = arith.constant 0 : i32
      %dma_start3A_102 = tpu.memref_slice %arg16[%mul3A_75, %dma_start3A_101] : memref<10240x128xf32, #tpu.memory_space<vmem_shared>> -> memref<80x128xf32, #tpu.memory_space<vmem_shared>>
      tpu.enqueue_dma source(%dma_start3A_102 : memref<80x128xf32, #tpu.memory_space<vmem_shared>>) target(%arg12 : memref<80x128xf32, #tpu.memory_space<vmem>>) target_semaphore(%run_scoped3A_98 : memref<!tpu.dma_semaphore, #tpu.memory_space<semaphore_mem>>)
      %dma_wait3A_103 = arith.constant 0 : i32
      %dma_wait3A_104 = tpu.memref_slice %arg16[%mul3A_75, %dma_wait3A_103] : memref<10240x128xf32, #tpu.memory_space<vmem_shared>> -> memref<80x128xf32, #tpu.memory_space<vmem_shared>>
      %dma_wait3A_105 = arith.constant 0 : i32
      %dma_wait3A_106 = tpu.memref_slice %arg16[%mul3A_75, %dma_wait3A_105] : memref<10240x128xf32, #tpu.memory_space<vmem_shared>> -> memref<80x128xf32, #tpu.memory_space<vmem_shared>>
      tpu.wait_dma2 semaphore(%run_scoped3A_98 : memref<!tpu.dma_semaphore, #tpu.memory_space<semaphore_mem>>) src(%dma_wait3A_106 : memref<80x128xf32, #tpu.memory_space<vmem_shared>>) dst(%arg12 : memref<80x128xf32, #tpu.memory_space<vmem>>)
      tpu.yield
    }) : () -> ()
    %mul3A_76 = arith.constant 640 : i32
    %mul3A_77 = arith.muli %arg1, %mul3A_76 : i32
    %add3A_78 = arith.constant 0 : i32
    %add3A_79 = arith.addi %mul3A_77, %add3A_78 : i32
    %dma_start3A_80 = arith.constant 0 : i32
    %dma_start3A_81 = arith.constant 0 : i32
    %dma_start3A_82 = tpu.memref_slice %arg8[%arg0, %dma_start3A_80, %dma_start3A_81] : memref<2x10240x128xf32, #tpu.memory_space<hbm>> -> memref<1x10240x128xf32, #tpu.memory_space<hbm>>
    %dma_start3A_83 = tpu.memref_squeeze %dma_start3A_82 : memref<1x10240x128xf32, #tpu.memory_space<hbm>> -> memref<10240x128xf32, #tpu.memory_space<hbm>>
    %dma_start3A_84 = arith.constant 0 : i32
    %dma_start3A_85 = tpu.memref_slice %dma_start3A_83[%add3A_79, %dma_start3A_84] : memref<10240x128xf32, #tpu.memory_space<hbm>> -> memref<80x128xf32, #tpu.memory_space<hbm>>
    %dma_start3A_86 = arith.constant 0 : i32
    %dma_start3A_87 = arith.constant 0 : i32
    %dma_start3A_88 = tpu.memref_slice %arg8[%arg0, %dma_start3A_86, %dma_start3A_87] : memref<2x10240x128xf32, #tpu.memory_space<hbm>> -> memref<1x10240x128xf32, #tpu.memory_space<hbm>>
    %dma_start3A_89 = tpu.memref_squeeze %dma_start3A_88 : memref<1x10240x128xf32, #tpu.memory_space<hbm>> -> memref<10240x128xf32, #tpu.memory_space<hbm>>
    %dma_start3A_90 = arith.constant 0 : i32
    %dma_start3A_91 = tpu.memref_slice %dma_start3A_89[%add3A_79, %dma_start3A_90] : memref<10240x128xf32, #tpu.memory_space<hbm>> -> memref<80x128xf32, #tpu.memory_space<hbm>>
    tpu.enqueue_dma source(%arg12 : memref<80x128xf32, #tpu.memory_space<vmem>>) target(%dma_start3A_91 : memref<80x128xf32, #tpu.memory_space<hbm>>) target_semaphore(%arg18 : memref<!tpu.dma_semaphore, #tpu.memory_space<semaphore_mem>>)
    %scan3A_92 = arith.constant 0 : i32
    %scan3A_93 = arith.constant 0 : i32
    %scan3A_94 = arith.constant 4 : i32
    %scan3A_95 = arith.addi %scan3A_93, %scan3A_94 : i32
    %scan3A_96 = arith.constant 1 : i32
    scf.for %scan3A_98 = %scan3A_93 to %scan3A_95 step %scan3A_96  : i32 {
      %mul3A_99 = arith.constant 2 : i32
      %mul3A_100 = arith.muli %mul3A_99, %scan3A_98 : i32
      %mul3A_101 = arith.constant 640 : i32
      %mul3A_102 = arith.muli %arg1, %mul3A_101 : i32
      %add3A_103 = arith.constant 1 : i32
      %add3A_104 = arith.addi %mul3A_100, %add3A_103 : i32
      %mul3A_105 = arith.constant 80 : i32
      %mul3A_106 = arith.muli %add3A_104, %mul3A_105 : i32
      %add3A_107 = arith.addi %mul3A_102, %mul3A_106 : i32
      "tpu.region"() ({
        %run_scoped3A_183 = tpu.sem_alloc : memref<!tpu.dma_semaphore, #tpu.memory_space<semaphore_mem>>
        %dma_start3A_184 = arith.constant 0 : i32
        %dma_start3A_185 = tpu.memref_slice %arg16[%add3A_107, %dma_start3A_184] : memref<10240x128xf32, #tpu.memory_space<vmem_shared>> -> memref<80x128xf32, #tpu.memory_space<vmem_shared>>
        %dma_start3A_186 = arith.constant 0 : i32
        %dma_start3A_187 = tpu.memref_slice %arg16[%add3A_107, %dma_start3A_186] : memref<10240x128xf32, #tpu.memory_space<vmem_shared>> -> memref<80x128xf32, #tpu.memory_space<vmem_shared>>
        tpu.enqueue_dma source(%dma_start3A_187 : memref<80x128xf32, #tpu.memory_space<vmem_shared>>) target(%arg13 : memref<80x128xf32, #tpu.memory_space<vmem>>) target_semaphore(%run_scoped3A_183 : memref<!tpu.dma_semaphore, #tpu.memory_space<semaphore_mem>>)
        %dma_wait3A_188 = arith.constant 0 : i32
        %dma_wait3A_189 = tpu.memref_slice %arg16[%add3A_107, %dma_wait3A_188] : memref<10240x128xf32, #tpu.memory_space<vmem_shared>> -> memref<80x128xf32, #tpu.memory_space<vmem_shared>>
        %dma_wait3A_190 = arith.constant 0 : i32
        %dma_wait3A_191 = tpu.memref_slice %arg16[%add3A_107, %dma_wait3A_190] : memref<10240x128xf32, #tpu.memory_space<vmem_shared>> -> memref<80x128xf32, #tpu.memory_space<vmem_shared>>
        tpu.wait_dma2 semaphore(%run_scoped3A_183 : memref<!tpu.dma_semaphore, #tpu.memory_space<semaphore_mem>>) src(%dma_wait3A_191 : memref<80x128xf32, #tpu.memory_space<vmem_shared>>) dst(%arg13 : memref<80x128xf32, #tpu.memory_space<vmem>>)
        tpu.yield
      }) : () -> ()
      %add3A_108 = arith.constant 1 : i32
      %add3A_109 = arith.addi %mul3A_100, %add3A_108 : i32
      %mul3A_110 = arith.constant 640 : i32
      %mul3A_111 = arith.muli %arg1, %mul3A_110 : i32
      %mul3A_112 = arith.constant 80 : i32
      %mul3A_113 = arith.muli %add3A_109, %mul3A_112 : i32
      %add3A_114 = arith.addi %mul3A_111, %mul3A_113 : i32
      %dma_start3A_115 = arith.constant 0 : i32
      %dma_start3A_116 = arith.constant 0 : i32
      %dma_start3A_117 = tpu.memref_slice %arg8[%arg0, %dma_start3A_115, %dma_start3A_116] : memref<2x10240x128xf32, #tpu.memory_space<hbm>> -> memref<1x10240x128xf32, #tpu.memory_space<hbm>>
      %dma_start3A_118 = tpu.memref_squeeze %dma_start3A_117 : memref<1x10240x128xf32, #tpu.memory_space<hbm>> -> memref<10240x128xf32, #tpu.memory_space<hbm>>
      %dma_start3A_119 = arith.constant 0 : i32
      %dma_start3A_120 = tpu.memref_slice %dma_start3A_118[%add3A_114, %dma_start3A_119] : memref<10240x128xf32, #tpu.memory_space<hbm>> -> memref<80x128xf32, #tpu.memory_space<hbm>>
      %dma_start3A_121 = arith.constant 0 : i32
      %dma_start3A_122 = arith.constant 0 : i32
      %dma_start3A_123 = tpu.memref_slice %arg8[%arg0, %dma_start3A_121, %dma_start3A_122] : memref<2x10240x128xf32, #tpu.memory_space<hbm>> -> memref<1x10240x128xf32, #tpu.memory_space<hbm>>
      %dma_start3A_124 = tpu.memref_squeeze %dma_start3A_123 : memref<1x10240x128xf32, #tpu.memory_space<hbm>> -> memref<10240x128xf32, #tpu.memory_space<hbm>>
      %dma_start3A_125 = arith.constant 0 : i32
      %dma_start3A_126 = tpu.memref_slice %dma_start3A_124[%add3A_114, %dma_start3A_125] : memref<10240x128xf32, #tpu.memory_space<hbm>> -> memref<80x128xf32, #tpu.memory_space<hbm>>
      tpu.enqueue_dma source(%arg13 : memref<80x128xf32, #tpu.memory_space<vmem>>) target(%dma_start3A_126 : memref<80x128xf32, #tpu.memory_space<hbm>>) target_semaphore(%arg18 : memref<!tpu.dma_semaphore, #tpu.memory_space<semaphore_mem>>)
      %mul3A_127 = arith.constant 640 : i32
      %mul3A_128 = arith.muli %arg1, %mul3A_127 : i32
      %mul3A_129 = arith.constant 80 : i32
      %mul3A_130 = arith.muli %mul3A_100, %mul3A_129 : i32
      %add3A_131 = arith.addi %mul3A_128, %mul3A_130 : i32
      "tpu.region"() ({
        %run_scoped3A_183 = tpu.sem_alloc : memref<!tpu.dma_semaphore, #tpu.memory_space<semaphore_mem>>
        %dma_start3A_184 = arith.constant 0 : i32
        %dma_start3A_185 = tpu.memref_slice %arg17[%add3A_131, %dma_start3A_184] : memref<10240x16xf32, #tpu.memory_space<vmem_shared>> -> memref<80x16xf32, #tpu.memory_space<vmem_shared>>
        %dma_start3A_186 = arith.constant 0 : i32
        %dma_start3A_187 = tpu.memref_slice %arg17[%add3A_131, %dma_start3A_186] : memref<10240x16xf32, #tpu.memory_space<vmem_shared>> -> memref<80x16xf32, #tpu.memory_space<vmem_shared>>
        tpu.enqueue_dma source(%dma_start3A_187 : memref<80x16xf32, #tpu.memory_space<vmem_shared>>) target(%arg14 : memref<80x16xf32, #tpu.memory_space<vmem>>) target_semaphore(%run_scoped3A_183 : memref<!tpu.dma_semaphore, #tpu.memory_space<semaphore_mem>>)
        %dma_wait3A_188 = arith.constant 0 : i32
        %dma_wait3A_189 = tpu.memref_slice %arg17[%add3A_131, %dma_wait3A_188] : memref<10240x16xf32, #tpu.memory_space<vmem_shared>> -> memref<80x16xf32, #tpu.memory_space<vmem_shared>>
        %dma_wait3A_190 = arith.constant 0 : i32
        %dma_wait3A_191 = tpu.memref_slice %arg17[%add3A_131, %dma_wait3A_190] : memref<10240x16xf32, #tpu.memory_space<vmem_shared>> -> memref<80x16xf32, #tpu.memory_space<vmem_shared>>
        tpu.wait_dma2 semaphore(%run_scoped3A_183 : memref<!tpu.dma_semaphore, #tpu.memory_space<semaphore_mem>>) src(%dma_wait3A_191 : memref<80x16xf32, #tpu.memory_space<vmem_shared>>) dst(%arg14 : memref<80x16xf32, #tpu.memory_space<vmem>>)
        tpu.yield
      }) : () -> ()
      %mul3A_132 = arith.constant 640 : i32
      %mul3A_133 = arith.muli %arg1, %mul3A_132 : i32
      %mul3A_134 = arith.constant 80 : i32
      %mul3A_135 = arith.muli %mul3A_100, %mul3A_134 : i32
      %add3A_136 = arith.addi %mul3A_133, %mul3A_135 : i32
      "tpu.region"() ({
        %run_scoped3A_183 = tpu.sem_alloc : memref<!tpu.dma_semaphore, #tpu.memory_space<semaphore_mem>>
        %dma_start3A_184 = arith.constant 0 : i32
        %dma_start3A_185 = arith.constant 0 : i32
        %dma_start3A_186 = tpu.memref_slice %arg9[%arg0, %dma_start3A_184, %dma_start3A_185] : memref<2x10240x16xf32, #tpu.memory_space<hbm>> -> memref<1x10240x16xf32, #tpu.memory_space<hbm>>
        %dma_start3A_187 = tpu.memref_squeeze %dma_start3A_186 : memref<1x10240x16xf32, #tpu.memory_space<hbm>> -> memref<10240x16xf32, #tpu.memory_space<hbm>>
        %dma_start3A_188 = arith.constant 0 : i32
        %dma_start3A_189 = tpu.memref_slice %dma_start3A_187[%add3A_136, %dma_start3A_188] : memref<10240x16xf32, #tpu.memory_space<hbm>> -> memref<80x16xf32, #tpu.memory_space<hbm>>
        %dma_start3A_190 = arith.constant 0 : i32
        %dma_start3A_191 = arith.constant 0 : i32
        %dma_start3A_192 = tpu.memref_slice %arg9[%arg0, %dma_start3A_190, %dma_start3A_191] : memref<2x10240x16xf32, #tpu.memory_space<hbm>> -> memref<1x10240x16xf32, #tpu.memory_space<hbm>>
        %dma_start3A_193 = tpu.memref_squeeze %dma_start3A_192 : memref<1x10240x16xf32, #tpu.memory_space<hbm>> -> memref<10240x16xf32, #tpu.memory_space<hbm>>
        %dma_start3A_194 = arith.constant 0 : i32
        %dma_start3A_195 = tpu.memref_slice %dma_start3A_193[%add3A_136, %dma_start3A_194] : memref<10240x16xf32, #tpu.memory_space<hbm>> -> memref<80x16xf32, #tpu.memory_space<hbm>>
        tpu.enqueue_dma source(%arg14 : memref<80x16xf32, #tpu.memory_space<vmem>>) target(%dma_start3A_195 : memref<80x16xf32, #tpu.memory_space<hbm>>) target_semaphore(%run_scoped3A_183 : memref<!tpu.dma_semaphore, #tpu.memory_space<semaphore_mem>>)
        %dma_wait3A_196 = arith.constant 0 : i32
        %dma_wait3A_197 = arith.constant 0 : i32
        %dma_wait3A_198 = tpu.memref_slice %arg9[%arg0, %dma_wait3A_196, %dma_wait3A_197] : memref<2x10240x16xf32, #tpu.memory_space<hbm>> -> memref<1x10240x16xf32, #tpu.memory_space<hbm>>
        %dma_wait3A_199 = tpu.memref_squeeze %dma_wait3A_198 : memref<1x10240x16xf32, #tpu.memory_space<hbm>> -> memref<10240x16xf32, #tpu.memory_space<hbm>>
        %dma_wait3A_200 = arith.constant 0 : i32
        %dma_wait3A_201 = tpu.memref_slice %dma_wait3A_199[%add3A_136, %dma_wait3A_200] : memref<10240x16xf32, #tpu.memory_space<hbm>> -> memref<80x16xf32, #tpu.memory_space<hbm>>
        %dma_wait3A_202 = arith.constant 0 : i32
        %dma_wait3A_203 = arith.constant 0 : i32
        %dma_wait3A_204 = tpu.memref_slice %arg9[%arg0, %dma_wait3A_202, %dma_wait3A_203] : memref<2x10240x16xf32, #tpu.memory_space<hbm>> -> memref<1x10240x16xf32, #tpu.memory_space<hbm>>
        %dma_wait3A_205 = tpu.memref_squeeze %dma_wait3A_204 : memref<1x10240x16xf32, #tpu.memory_space<hbm>> -> memref<10240x16xf32, #tpu.memory_space<hbm>>
        %dma_wait3A_206 = arith.constant 0 : i32
        %dma_wait3A_207 = tpu.memref_slice %dma_wait3A_205[%add3A_136, %dma_wait3A_206] : memref<10240x16xf32, #tpu.memory_space<hbm>> -> memref<80x16xf32, #tpu.memory_space<hbm>>
        tpu.wait_dma2 semaphore(%run_scoped3A_183 : memref<!tpu.dma_semaphore, #tpu.memory_space<semaphore_mem>>) src(%arg14 : memref<80x16xf32, #tpu.memory_space<vmem>>) dst(%dma_wait3A_207 : memref<80x16xf32, #tpu.memory_space<hbm>>)
        tpu.yield
      }) : () -> ()
      %mul3A_137 = arith.constant 640 : i32
      %mul3A_138 = arith.muli %arg1, %mul3A_137 : i32
      %dma_wait3A_139 = arith.constant 0 : i32
      %dma_wait3A_140 = arith.constant 0 : i32
      %dma_wait3A_141 = tpu.memref_slice %arg8[%arg0, %dma_wait3A_139, %dma_wait3A_140] : memref<2x10240x128xf32, #tpu.memory_space<hbm>> -> memref<1x10240x128xf32, #tpu.memory_space<hbm>>
      %dma_wait3A_142 = tpu.memref_squeeze %dma_wait3A_141 : memref<1x10240x128xf32, #tpu.memory_space<hbm>> -> memref<10240x128xf32, #tpu.memory_space<hbm>>
      %dma_wait3A_143 = arith.constant 0 : i32
      %dma_wait3A_144 = tpu.memref_slice %dma_wait3A_142[%mul3A_138, %dma_wait3A_143] : memref<10240x128xf32, #tpu.memory_space<hbm>> -> memref<80x128xf32, #tpu.memory_space<hbm>>
      %dma_wait3A_145 = arith.constant 0 : i32
      %dma_wait3A_146 = arith.constant 0 : i32
      %dma_wait3A_147 = tpu.memref_slice %arg8[%arg0, %dma_wait3A_145, %dma_wait3A_146] : memref<2x10240x128xf32, #tpu.memory_space<hbm>> -> memref<1x10240x128xf32, #tpu.memory_space<hbm>>
      %dma_wait3A_148 = tpu.memref_squeeze %dma_wait3A_147 : memref<1x10240x128xf32, #tpu.memory_space<hbm>> -> memref<10240x128xf32, #tpu.memory_space<hbm>>
      %dma_wait3A_149 = arith.constant 0 : i32
      %dma_wait3A_150 = tpu.memref_slice %dma_wait3A_148[%mul3A_138, %dma_wait3A_149] : memref<10240x128xf32, #tpu.memory_space<hbm>> -> memref<80x128xf32, #tpu.memory_space<hbm>>
      tpu.wait_dma2 semaphore(%arg18 : memref<!tpu.dma_semaphore, #tpu.memory_space<semaphore_mem>>) src(%arg12 : memref<80x128xf32, #tpu.memory_space<vmem>>) dst(%dma_wait3A_150 : memref<80x128xf32, #tpu.memory_space<hbm>>)
      %add3A_151 = arith.constant 2 : i32
      %add3A_152 = arith.addi %mul3A_100, %add3A_151 : i32
      %lt3A = arith.constant 8 : i32
      %lt3A_153 = arith.cmpi slt, %add3A_152, %lt3A : i32
      %convert_element_type3A = arith.extui %lt3A_153 : i1 to i32
      %cond3A = arith.constant 0 : i32
      %cond3A_154 = arith.cmpi ne, %convert_element_type3A, %cond3A : i32
      scf.if %cond3A_154 {
        %mul3A_183 = arith.constant 640 : i32
        %mul3A_184 = arith.muli %arg1, %mul3A_183 : i32
        %add3A_185 = arith.constant 2 : i32
        %add3A_186 = arith.addi %mul3A_100, %add3A_185 : i32
        %mul3A_187 = arith.constant 80 : i32
        %mul3A_188 = arith.muli %add3A_186, %mul3A_187 : i32
        %add3A_189 = arith.addi %mul3A_184, %mul3A_188 : i32
        "tpu.region"() ({
          %run_scoped3A_209 = tpu.sem_alloc : memref<!tpu.dma_semaphore, #tpu.memory_space<semaphore_mem>>
          %dma_start3A_210 = arith.constant 0 : i32
          %dma_start3A_211 = tpu.memref_slice %arg16[%add3A_189, %dma_start3A_210] : memref<10240x128xf32, #tpu.memory_space<vmem_shared>> -> memref<80x128xf32, #tpu.memory_space<vmem_shared>>
          %dma_start3A_212 = arith.constant 0 : i32
          %dma_start3A_213 = tpu.memref_slice %arg16[%add3A_189, %dma_start3A_212] : memref<10240x128xf32, #tpu.memory_space<vmem_shared>> -> memref<80x128xf32, #tpu.memory_space<vmem_shared>>
          tpu.enqueue_dma source(%dma_start3A_213 : memref<80x128xf32, #tpu.memory_space<vmem_shared>>) target(%arg12 : memref<80x128xf32, #tpu.memory_space<vmem>>) target_semaphore(%run_scoped3A_209 : memref<!tpu.dma_semaphore, #tpu.memory_space<semaphore_mem>>)
          %dma_wait3A_214 = arith.constant 0 : i32
          %dma_wait3A_215 = tpu.memref_slice %arg16[%add3A_189, %dma_wait3A_214] : memref<10240x128xf32, #tpu.memory_space<vmem_shared>> -> memref<80x128xf32, #tpu.memory_space<vmem_shared>>
          %dma_wait3A_216 = arith.constant 0 : i32
          %dma_wait3A_217 = tpu.memref_slice %arg16[%add3A_189, %dma_wait3A_216] : memref<10240x128xf32, #tpu.memory_space<vmem_shared>> -> memref<80x128xf32, #tpu.memory_space<vmem_shared>>
          tpu.wait_dma2 semaphore(%run_scoped3A_209 : memref<!tpu.dma_semaphore, #tpu.memory_space<semaphore_mem>>) src(%dma_wait3A_217 : memref<80x128xf32, #tpu.memory_space<vmem_shared>>) dst(%arg12 : memref<80x128xf32, #tpu.memory_space<vmem>>)
          tpu.yield
        }) : () -> ()
        %add3A_190 = arith.constant 2 : i32
        %add3A_191 = arith.addi %mul3A_100, %add3A_190 : i32
        %mul3A_192 = arith.constant 640 : i32
        %mul3A_193 = arith.muli %arg1, %mul3A_192 : i32
        %mul3A_194 = arith.constant 80 : i32
        %mul3A_195 = arith.muli %add3A_191, %mul3A_194 : i32
        %add3A_196 = arith.addi %mul3A_193, %mul3A_195 : i32
        %dma_start3A_197 = arith.constant 0 : i32
        %dma_start3A_198 = arith.constant 0 : i32
        %dma_start3A_199 = tpu.memref_slice %arg8[%arg0, %dma_start3A_197, %dma_start3A_198] : memref<2x10240x128xf32, #tpu.memory_space<hbm>> -> memref<1x10240x128xf32, #tpu.memory_space<hbm>>
        %dma_start3A_200 = tpu.memref_squeeze %dma_start3A_199 : memref<1x10240x128xf32, #tpu.memory_space<hbm>> -> memref<10240x128xf32, #tpu.memory_space<hbm>>
        %dma_start3A_201 = arith.constant 0 : i32
        %dma_start3A_202 = tpu.memref_slice %dma_start3A_200[%add3A_196, %dma_start3A_201] : memref<10240x128xf32, #tpu.memory_space<hbm>> -> memref<80x128xf32, #tpu.memory_space<hbm>>
        %dma_start3A_203 = arith.constant 0 : i32
        %dma_start3A_204 = arith.constant 0 : i32
        %dma_start3A_205 = tpu.memref_slice %arg8[%arg0, %dma_start3A_203, %dma_start3A_204] : memref<2x10240x128xf32, #tpu.memory_space<hbm>> -> memref<1x10240x128xf32, #tpu.memory_space<hbm>>
        %dma_start3A_206 = tpu.memref_squeeze %dma_start3A_205 : memref<1x10240x128xf32, #tpu.memory_space<hbm>> -> memref<10240x128xf32, #tpu.memory_space<hbm>>
        %dma_start3A_207 = arith.constant 0 : i32
        %dma_start3A_208 = tpu.memref_slice %dma_start3A_206[%add3A_196, %dma_start3A_207] : memref<10240x128xf32, #tpu.memory_space<hbm>> -> memref<80x128xf32, #tpu.memory_space<hbm>>
        tpu.enqueue_dma source(%arg12 : memref<80x128xf32, #tpu.memory_space<vmem>>) target(%dma_start3A_208 : memref<80x128xf32, #tpu.memory_space<hbm>>) target_semaphore(%arg18 : memref<!tpu.dma_semaphore, #tpu.memory_space<semaphore_mem>>)
      } else {
      }
      %mul3A_155 = arith.constant 640 : i32
      %mul3A_156 = arith.muli %arg1, %mul3A_155 : i32
      %add3A_157 = arith.constant 1 : i32
      %add3A_158 = arith.addi %mul3A_100, %add3A_157 : i32
      %mul3A_159 = arith.constant 80 : i32
      %mul3A_160 = arith.muli %add3A_158, %mul3A_159 : i32
      %add3A_161 = arith.addi %mul3A_156, %mul3A_160 : i32
      "tpu.region"() ({
        %run_scoped3A_183 = tpu.sem_alloc : memref<!tpu.dma_semaphore, #tpu.memory_space<semaphore_mem>>
        %dma_start3A_184 = arith.constant 0 : i32
        %dma_start3A_185 = tpu.memref_slice %arg17[%add3A_161, %dma_start3A_184] : memref<10240x16xf32, #tpu.memory_space<vmem_shared>> -> memref<80x16xf32, #tpu.memory_space<vmem_shared>>
        %dma_start3A_186 = arith.constant 0 : i32
        %dma_start3A_187 = tpu.memref_slice %arg17[%add3A_161, %dma_start3A_186] : memref<10240x16xf32, #tpu.memory_space<vmem_shared>> -> memref<80x16xf32, #tpu.memory_space<vmem_shared>>
        tpu.enqueue_dma source(%dma_start3A_187 : memref<80x16xf32, #tpu.memory_space<vmem_shared>>) target(%arg14 : memref<80x16xf32, #tpu.memory_space<vmem>>) target_semaphore(%run_scoped3A_183 : memref<!tpu.dma_semaphore, #tpu.memory_space<semaphore_mem>>)
        %dma_wait3A_188 = arith.constant 0 : i32
        %dma_wait3A_189 = tpu.memref_slice %arg17[%add3A_161, %dma_wait3A_188] : memref<10240x16xf32, #tpu.memory_space<vmem_shared>> -> memref<80x16xf32, #tpu.memory_space<vmem_shared>>
        %dma_wait3A_190 = arith.constant 0 : i32
        %dma_wait3A_191 = tpu.memref_slice %arg17[%add3A_161, %dma_wait3A_190] : memref<10240x16xf32, #tpu.memory_space<vmem_shared>> -> memref<80x16xf32, #tpu.memory_space<vmem_shared>>
        tpu.wait_dma2 semaphore(%run_scoped3A_183 : memref<!tpu.dma_semaphore, #tpu.memory_space<semaphore_mem>>) src(%dma_wait3A_191 : memref<80x16xf32, #tpu.memory_space<vmem_shared>>) dst(%arg14 : memref<80x16xf32, #tpu.memory_space<vmem>>)
        tpu.yield
      }) : () -> ()
      %mul3A_162 = arith.constant 640 : i32
      %mul3A_163 = arith.muli %arg1, %mul3A_162 : i32
      %add3A_164 = arith.constant 1 : i32
      %add3A_165 = arith.addi %mul3A_100, %add3A_164 : i32
      %mul3A_166 = arith.constant 80 : i32
      %mul3A_167 = arith.muli %add3A_165, %mul3A_166 : i32
      %add3A_168 = arith.addi %mul3A_163, %mul3A_167 : i32
      "tpu.region"() ({
        %run_scoped3A_183 = tpu.sem_alloc : memref<!tpu.dma_semaphore, #tpu.memory_space<semaphore_mem>>
        %dma_start3A_184 = arith.constant 0 : i32
        %dma_start3A_185 = arith.constant 0 : i32
        %dma_start3A_186 = tpu.memref_slice %arg9[%arg0, %dma_start3A_184, %dma_start3A_185] : memref<2x10240x16xf32, #tpu.memory_space<hbm>> -> memref<1x10240x16xf32, #tpu.memory_space<hbm>>
        %dma_start3A_187 = tpu.memref_squeeze %dma_start3A_186 : memref<1x10240x16xf32, #tpu.memory_space<hbm>> -> memref<10240x16xf32, #tpu.memory_space<hbm>>
        %dma_start3A_188 = arith.constant 0 : i32
        %dma_start3A_189 = tpu.memref_slice %dma_start3A_187[%add3A_168, %dma_start3A_188] : memref<10240x16xf32, #tpu.memory_space<hbm>> -> memref<80x16xf32, #tpu.memory_space<hbm>>
        %dma_start3A_190 = arith.constant 0 : i32
        %dma_start3A_191 = arith.constant 0 : i32
        %dma_start3A_192 = tpu.memref_slice %arg9[%arg0, %dma_start3A_190, %dma_start3A_191] : memref<2x10240x16xf32, #tpu.memory_space<hbm>> -> memref<1x10240x16xf32, #tpu.memory_space<hbm>>
        %dma_start3A_193 = tpu.memref_squeeze %dma_start3A_192 : memref<1x10240x16xf32, #tpu.memory_space<hbm>> -> memref<10240x16xf32, #tpu.memory_space<hbm>>
        %dma_start3A_194 = arith.constant 0 : i32
        %dma_start3A_195 = tpu.memref_slice %dma_start3A_193[%add3A_168, %dma_start3A_194] : memref<10240x16xf32, #tpu.memory_space<hbm>> -> memref<80x16xf32, #tpu.memory_space<hbm>>
        tpu.enqueue_dma source(%arg14 : memref<80x16xf32, #tpu.memory_space<vmem>>) target(%dma_start3A_195 : memref<80x16xf32, #tpu.memory_space<hbm>>) target_semaphore(%run_scoped3A_183 : memref<!tpu.dma_semaphore, #tpu.memory_space<semaphore_mem>>)
        %dma_wait3A_196 = arith.constant 0 : i32
        %dma_wait3A_197 = arith.constant 0 : i32
        %dma_wait3A_198 = tpu.memref_slice %arg9[%arg0, %dma_wait3A_196, %dma_wait3A_197] : memref<2x10240x16xf32, #tpu.memory_space<hbm>> -> memref<1x10240x16xf32, #tpu.memory_space<hbm>>
        %dma_wait3A_199 = tpu.memref_squeeze %dma_wait3A_198 : memref<1x10240x16xf32, #tpu.memory_space<hbm>> -> memref<10240x16xf32, #tpu.memory_space<hbm>>
        %dma_wait3A_200 = arith.constant 0 : i32
        %dma_wait3A_201 = tpu.memref_slice %dma_wait3A_199[%add3A_168, %dma_wait3A_200] : memref<10240x16xf32, #tpu.memory_space<hbm>> -> memref<80x16xf32, #tpu.memory_space<hbm>>
        %dma_wait3A_202 = arith.constant 0 : i32
        %dma_wait3A_203 = arith.constant 0 : i32
        %dma_wait3A_204 = tpu.memref_slice %arg9[%arg0, %dma_wait3A_202, %dma_wait3A_203] : memref<2x10240x16xf32, #tpu.memory_space<hbm>> -> memref<1x10240x16xf32, #tpu.memory_space<hbm>>
        %dma_wait3A_205 = tpu.memref_squeeze %dma_wait3A_204 : memref<1x10240x16xf32, #tpu.memory_space<hbm>> -> memref<10240x16xf32, #tpu.memory_space<hbm>>
        %dma_wait3A_206 = arith.constant 0 : i32
        %dma_wait3A_207 = tpu.memref_slice %dma_wait3A_205[%add3A_168, %dma_wait3A_206] : memref<10240x16xf32, #tpu.memory_space<hbm>> -> memref<80x16xf32, #tpu.memory_space<hbm>>
        tpu.wait_dma2 semaphore(%run_scoped3A_183 : memref<!tpu.dma_semaphore, #tpu.memory_space<semaphore_mem>>) src(%arg14 : memref<80x16xf32, #tpu.memory_space<vmem>>) dst(%dma_wait3A_207 : memref<80x16xf32, #tpu.memory_space<hbm>>)
        tpu.yield
      }) : () -> ()
      %mul3A_169 = arith.constant 640 : i32
      %mul3A_170 = arith.muli %arg1, %mul3A_169 : i32
      %dma_wait3A_171 = arith.constant 0 : i32
      %dma_wait3A_172 = arith.constant 0 : i32
      %dma_wait3A_173 = tpu.memref_slice %arg8[%arg0, %dma_wait3A_171, %dma_wait3A_172] : memref<2x10240x128xf32, #tpu.memory_space<hbm>> -> memref<1x10240x128xf32, #tpu.memory_space<hbm>>
      %dma_wait3A_174 = tpu.memref_squeeze %dma_wait3A_173 : memref<1x10240x128xf32, #tpu.memory_space<hbm>> -> memref<10240x128xf32, #tpu.memory_space<hbm>>
      %dma_wait3A_175 = arith.constant 0 : i32
      %dma_wait3A_176 = tpu.memref_slice %dma_wait3A_174[%mul3A_170, %dma_wait3A_175] : memref<10240x128xf32, #tpu.memory_space<hbm>> -> memref<80x128xf32, #tpu.memory_space<hbm>>
      %dma_wait3A_177 = arith.constant 0 : i32
      %dma_wait3A_178 = arith.constant 0 : i32
      %dma_wait3A_179 = tpu.memref_slice %arg8[%arg0, %dma_wait3A_177, %dma_wait3A_178] : memref<2x10240x128xf32, #tpu.memory_space<hbm>> -> memref<1x10240x128xf32, #tpu.memory_space<hbm>>
      %dma_wait3A_180 = tpu.memref_squeeze %dma_wait3A_179 : memref<1x10240x128xf32, #tpu.memory_space<hbm>> -> memref<10240x128xf32, #tpu.memory_space<hbm>>
      %dma_wait3A_181 = arith.constant 0 : i32
      %dma_wait3A_182 = tpu.memref_slice %dma_wait3A_180[%mul3A_170, %dma_wait3A_181] : memref<10240x128xf32, #tpu.memory_space<hbm>> -> memref<80x128xf32, #tpu.memory_space<hbm>>
      tpu.wait_dma2 semaphore(%arg18 : memref<!tpu.dma_semaphore, #tpu.memory_space<semaphore_mem>>) src(%arg13 : memref<80x128xf32, #tpu.memory_space<vmem>>) dst(%dma_wait3A_182 : memref<80x128xf32, #tpu.memory_space<hbm>>)
    }
    %scan3A_97 = arith.constant 4 : i32
    return
  }
}

module attributes {stable_mosaic.version = 14 : i64} {
  func.func @_tc_pre_body(%arg0: memref<10000x128xf32, #tpu.memory_space<vmem>>, %arg1: memref<128x128xf32, #tpu.memory_space<vmem>>, %arg2: memref<2x10240x16xf32, #tpu.memory_space<vmem>>, %arg3: memref<2x10240x16xf32, #tpu.memory_space<vmem>>, %arg4: memref<10000x128xf32, #tpu.memory_space<vmem>>, %arg5: memref<10240x16xf32, #tpu.memory_space<vmem>>, %arg6: memref<10240x1xf32, #tpu.memory_space<vmem>>) attributes {dimension_semantics = [], scalar_prefetch = 0 : i64, scratch_operands = 0 : i64, tpu.core_type = #tpu.core_type<tc>} {
    %get3A = arith.constant 0 : index
    %get3A_0 = arith.constant 0 : index
    %get3A_1 = arith.constant 0 : index
    %get3A_2 = vector.load %arg2[%get3A, %get3A_0, %get3A_1] : memref<2x10240x16xf32, #tpu.memory_space<vmem>>, vector<1x10240x16xf32>
    %get3A_3 = vector.shape_cast %get3A_2 : vector<1x10240x16xf32> to vector<10240x16xf32>
    %get3A_4 = arith.constant 1 : index
    %get3A_5 = arith.constant 0 : index
    %get3A_6 = arith.constant 0 : index
    %get3A_7 = vector.load %arg2[%get3A_4, %get3A_5, %get3A_6] : memref<2x10240x16xf32, #tpu.memory_space<vmem>>, vector<1x10240x16xf32>
    %get3A_8 = vector.shape_cast %get3A_7 : vector<1x10240x16xf32> to vector<10240x16xf32>
    %add3A = arith.addf %get3A_3, %get3A_8 : vector<10240x16xf32>
    %slice3A = vector.extract_strided_slice %add3A {offsets = [0, 0], sizes = [10240, 1], strides = [1, 1]} : vector<10240x16xf32> to vector<10240x1xf32>
    %get3A_9 = arith.constant 0 : index
    %get3A_10 = arith.constant 0 : index
    %get3A_11 = arith.constant 0 : index
    %get3A_12 = vector.load %arg3[%get3A_9, %get3A_10, %get3A_11] : memref<2x10240x16xf32, #tpu.memory_space<vmem>>, vector<1x10240x16xf32>
    %get3A_13 = vector.shape_cast %get3A_12 : vector<1x10240x16xf32> to vector<10240x16xf32>
    %get3A_14 = arith.constant 1 : index
    %get3A_15 = arith.constant 0 : index
    %get3A_16 = arith.constant 0 : index
    %get3A_17 = vector.load %arg3[%get3A_14, %get3A_15, %get3A_16] : memref<2x10240x16xf32, #tpu.memory_space<vmem>>, vector<1x10240x16xf32>
    %get3A_18 = vector.shape_cast %get3A_17 : vector<1x10240x16xf32> to vector<10240x16xf32>
    %add3A_19 = arith.addf %get3A_13, %get3A_18 : vector<10240x16xf32>
    %slice3A_20 = vector.extract_strided_slice %add3A_19 {offsets = [0, 0], sizes = [10240, 1], strides = [1, 1]} : vector<10240x16xf32> to vector<10240x1xf32>
    %max3A = arith.constant 1.000000e+00 : f32
    %max3A_21 = vector.broadcast %max3A : f32 to vector<10240x1xf32>
    %max3A_22 = arith.maximumf %slice3A, %max3A_21 : vector<10240x1xf32>
    %rsqrt3A = math.rsqrt %max3A_22 : vector<10240x1xf32>
    %max3A_23 = arith.constant 1.000000e+00 : f32
    %max3A_24 = vector.broadcast %max3A_23 : f32 to vector<10240x1xf32>
    %max3A_25 = arith.maximumf %slice3A_20, %max3A_24 : vector<10240x1xf32>
    %rsqrt3A_26 = math.rsqrt %max3A_25 : vector<10240x1xf32>
    %swap3A = arith.constant 0 : index
    %swap3A_27 = arith.constant 0 : index
    %swap3A_28 = vector.load %arg6[%swap3A, %swap3A_27] : memref<10240x1xf32, #tpu.memory_space<vmem>>, vector<10240x1xf32>
    tpu.vector_store %arg6[%swap3A, %swap3A_27], %rsqrt3A {strides = array<i32>} : memref<10240x1xf32, #tpu.memory_space<vmem>>, vector<10240x1xf32>,
    %broadcast_in_dim3A = vector.shape_cast %rsqrt3A_26 : vector<10240x1xf32> to vector<10240x1xf32>
    %broadcast_in_dim3A_29 = vector.broadcast %broadcast_in_dim3A : vector<10240x1xf32> to vector<10240x16xf32>
    %swap3A_30 = arith.constant 0 : index
    %swap3A_31 = arith.constant 0 : index
    %swap3A_32 = vector.load %arg5[%swap3A_30, %swap3A_31] : memref<10240x16xf32, #tpu.memory_space<vmem>>, vector<10240x16xf32>
    tpu.vector_store %arg5[%swap3A_30, %swap3A_31], %broadcast_in_dim3A_29 {strides = array<i32>} : memref<10240x16xf32, #tpu.memory_space<vmem>>, vector<10240x16xf32>,
    %get3A_33 = arith.constant 0 : index
    %get3A_34 = arith.constant 0 : index
    %get3A_35 = vector.load %arg0[%get3A_33, %get3A_34] : memref<10000x128xf32, #tpu.memory_space<vmem>>, vector<10000x128xf32>
    %get3A_36 = arith.constant 0 : index
    %get3A_37 = arith.constant 0 : index
    %get3A_38 = vector.load %arg1[%get3A_36, %get3A_37] : memref<128x128xf32, #tpu.memory_space<vmem>>, vector<128x128xf32>
    %dot_general3A = arith.constant dense<0.000000e+00> : vector<10000x128xf32>
    %dot_general3A_39 = tpu.matmul %get3A_35, %get3A_38, %dot_general3A {dimension_numbers = #tpu.dot_dimension_numbers<[1], [0], [0], [1], [0, 0, 1, 1], [], []>, transpose_lhs_hint = false} : vector<10000x128xf32>, vector<128x128xf32>, vector<10000x128xf32> -> vector<10000x128xf32>
    %slice3A_40 = vector.extract_strided_slice %rsqrt3A {offsets = [0, 0], sizes = [10000, 1], strides = [1, 1]} : vector<10240x1xf32> to vector<10000x1xf32>
    %mul3A = vector.broadcast %slice3A_40 : vector<10000x1xf32> to vector<10000x128xf32>
    %mul3A_41 = arith.mulf %dot_general3A_39, %mul3A : vector<10000x128xf32>
    %swap3A_42 = arith.constant 0 : index
    %swap3A_43 = arith.constant 0 : index
    %swap3A_44 = vector.load %arg4[%swap3A_42, %swap3A_43] : memref<10000x128xf32, #tpu.memory_space<vmem>>, vector<10000x128xf32>
    tpu.vector_store %arg4[%swap3A_42, %swap3A_43], %mul3A_41 {strides = array<i32>} : memref<10000x128xf32, #tpu.memory_space<vmem>>, vector<10000x128xf32>,
    return
  }
}

module attributes {stable_mosaic.version = 14 : i64} {
  func.func @_tc_post_body(%arg0: memref<2x10240x128xf32, #tpu.memory_space<vmem>>, %arg1: memref<2x10240x16xf32, #tpu.memory_space<vmem>>, %arg2: memref<10240x16xf32, #tpu.memory_space<vmem>>, %arg3: memref<10240x1xf32, #tpu.memory_space<vmem>>, %arg4: memref<128xf32, #tpu.memory_space<vmem>>, %arg5: memref<128x64xf32, #tpu.memory_space<vmem>>, %arg6: memref<64xf32, #tpu.memory_space<vmem>>, %arg7: memref<1x64xf32, #tpu.memory_space<vmem>>) attributes {dimension_semantics = [], scalar_prefetch = 0 : i64, scratch_operands = 0 : i64, tpu.core_type = #tpu.core_type<tc>} {
    %get3A = arith.constant 0 : index
    %get3A_0 = arith.constant 0 : index
    %get3A_1 = arith.constant 0 : index
    %get3A_2 = vector.load %arg0[%get3A, %get3A_0, %get3A_1] : memref<2x10240x128xf32, #tpu.memory_space<vmem>>, vector<1x10240x128xf32>
    %get3A_3 = vector.shape_cast %get3A_2 : vector<1x10240x128xf32> to vector<10240x128xf32>
    %get3A_4 = arith.constant 1 : index
    %get3A_5 = arith.constant 0 : index
    %get3A_6 = arith.constant 0 : index
    %get3A_7 = vector.load %arg0[%get3A_4, %get3A_5, %get3A_6] : memref<2x10240x128xf32, #tpu.memory_space<vmem>>, vector<1x10240x128xf32>
    %get3A_8 = vector.shape_cast %get3A_7 : vector<1x10240x128xf32> to vector<10240x128xf32>
    %add3A = arith.addf %get3A_3, %get3A_8 : vector<10240x128xf32>
    %get3A_9 = arith.constant 0 : index
    %get3A_10 = arith.constant 0 : index
    %get3A_11 = vector.load %arg2[%get3A_9, %get3A_10] : memref<10240x16xf32, #tpu.memory_space<vmem>>, vector<10240x16xf32>
    %slice3A = vector.extract_strided_slice %get3A_11 {offsets = [0, 0], sizes = [10240, 1], strides = [1, 1]} : vector<10240x16xf32> to vector<10240x1xf32>
    %mul3A = vector.broadcast %slice3A : vector<10240x1xf32> to vector<10240x128xf32>
    %mul3A_12 = arith.mulf %add3A, %mul3A : vector<10240x128xf32>
    %get3A_13 = arith.constant 0 : index
    %get3A_14 = vector.load %arg4[%get3A_13] : memref<128xf32, #tpu.memory_space<vmem>>, vector<128xf32>
    %broadcast_in_dim3A = vector.shape_cast %get3A_14 : vector<128xf32> to vector<1x128xf32>
    %add3A_15 = vector.broadcast %broadcast_in_dim3A : vector<1x128xf32> to vector<10240x128xf32>
    %add3A_16 = arith.addf %mul3A_12, %add3A_15 : vector<10240x128xf32>
    %max3A = arith.constant 0.000000e+00 : f32
    %max3A_17 = vector.broadcast %max3A : f32 to vector<10240x128xf32>
    %max3A_18 = arith.maximumf %add3A_16, %max3A_17 : vector<10240x128xf32>
    %get3A_19 = arith.constant 0 : index
    %get3A_20 = arith.constant 0 : index
    %get3A_21 = vector.load %arg3[%get3A_19, %get3A_20] : memref<10240x1xf32, #tpu.memory_space<vmem>>, vector<10240x1xf32>
    %mul3A_22 = vector.broadcast %get3A_21 : vector<10240x1xf32> to vector<10240x128xf32>
    %mul3A_23 = arith.mulf %max3A_18, %mul3A_22 : vector<10240x128xf32>
    %get3A_24 = arith.constant 0 : index
    %get3A_25 = arith.constant 0 : index
    %get3A_26 = arith.constant 0 : index
    %get3A_27 = vector.load %arg1[%get3A_24, %get3A_25, %get3A_26] : memref<2x10240x16xf32, #tpu.memory_space<vmem>>, vector<1x10240x16xf32>
    %get3A_28 = vector.shape_cast %get3A_27 : vector<1x10240x16xf32> to vector<10240x16xf32>
    %get3A_29 = arith.constant 1 : index
    %get3A_30 = arith.constant 0 : index
    %get3A_31 = arith.constant 0 : index
    %get3A_32 = vector.load %arg1[%get3A_29, %get3A_30, %get3A_31] : memref<2x10240x16xf32, #tpu.memory_space<vmem>>, vector<1x10240x16xf32>
    %get3A_33 = vector.shape_cast %get3A_32 : vector<1x10240x16xf32> to vector<10240x16xf32>
    %add3A_34 = arith.addf %get3A_28, %get3A_33 : vector<10240x16xf32>
    %slice3A_35 = vector.extract_strided_slice %add3A_34 {offsets = [0, 0], sizes = [10240, 1], strides = [1, 1]} : vector<10240x16xf32> to vector<10240x1xf32>
    %mul3A_36 = vector.broadcast %slice3A_35 : vector<10240x1xf32> to vector<10240x128xf32>
    %mul3A_37 = arith.mulf %mul3A_23, %mul3A_36 : vector<10240x128xf32>
    %reduce_sum3A = arith.constant dense<0.000000e+00> : vector<128xf32>
    %reduce_sum3A_38 = vector.multi_reduction <add>, %mul3A_37, %reduce_sum3A [0] : vector<10240x128xf32> to vector<128xf32>
    %broadcast_in_dim3A_39 = vector.shape_cast %reduce_sum3A_38 : vector<128xf32> to vector<1x128xf32>
    %mul3A_40 = arith.constant 9.99999974E-5 : f32
    %mul3A_41 = vector.broadcast %mul3A_40 : f32 to vector<1x128xf32>
    %mul3A_42 = arith.mulf %broadcast_in_dim3A_39, %mul3A_41 : vector<1x128xf32>
    %get3A_43 = arith.constant 0 : index
    %get3A_44 = arith.constant 0 : index
    %get3A_45 = vector.load %arg5[%get3A_43, %get3A_44] : memref<128x64xf32, #tpu.memory_space<vmem>>, vector<128x64xf32>
    %dot_general3A = arith.constant dense<0.000000e+00> : vector<1x64xf32>
    %dot_general3A_46 = tpu.matmul %mul3A_42, %get3A_45, %dot_general3A {dimension_numbers = #tpu.dot_dimension_numbers<[1], [0], [0], [1], [0, 0, 1, 1], [], []>, transpose_lhs_hint = false} : vector<1x128xf32>, vector<128x64xf32>, vector<1x64xf32> -> vector<1x64xf32>
    %get3A_47 = arith.constant 0 : index
    %get3A_48 = vector.load %arg6[%get3A_47] : memref<64xf32, #tpu.memory_space<vmem>>, vector<64xf32>
    %broadcast_in_dim3A_49 = vector.shape_cast %get3A_48 : vector<64xf32> to vector<1x64xf32>
    %add3A_50 = arith.addf %dot_general3A_46, %broadcast_in_dim3A_49 : vector<1x64xf32>
    %swap3A = arith.constant 0 : index
    %swap3A_51 = arith.constant 0 : index
    %swap3A_52 = vector.load %arg7[%swap3A, %swap3A_51] : memref<1x64xf32, #tpu.memory_space<vmem>>, vector<1x64xf32>
    tpu.vector_store %arg7[%swap3A, %swap3A_51], %add3A_50 {strides = array<i32>} : memref<1x64xf32, #tpu.memory_space<vmem>>, vector<1x64xf32>,
    return
  }
}

</mosaic_0001>

<sc_bundles>
// kernel: kernel.6.cloned.1.call-start
scs
__scs_entry_jumppad:
0x0: {  	(pc) =	sbr.rel $0x88, $3  }
0x1: {  	(tag) =	ssettag $0x0;
	lr =	simm.s32 $0x1  }
0x2: {  	[smem:$0x3F9B] =	sst lr;
	_ =	strace $0xD0000000  }
0x3: {  	_ = 	snop  }
0x4: {  	_ = 	snop  }
0x5: {  	_ = 	snop  }
0x6: {  	_ = 	snop  }
0x7: {  	_ = 	snop  }
__scs_overlays_trampoline_lowered:
0x8: {  	[smem:$0x3FAA] =	sst s0  }
0x9: {  	[smem:$0x3FAB] =	sst s1  }
0xa: {  	[smem:$0x3FAC] =	sst s2  }
0xb: {  	[smem:$0x3FAD] =	sst s3  }
0xc: {  	[smem:$0x3FAE] =	sst s4  }
0xd: {  	[smem:$0x3FAF] =	sst s5  }
0xe: {  	[smem:$0x3FB0] =	sst s6  }
0xf: {  	[smem:$0x3FB1] =	sst s7  }
0x10: {  	[smem:$0x3FB2] =	sst s8  }
0x11: {  	[smem:$0x3FB3] =	sst s9;
	s0 =	simm.s32 @!p0 $0x0  }
0x12: {  	s1 =	sld [smem:$0x3F99];
	s0 =	simm.s32 @p0 $0x1  }
0x13: {  	[smem:$0x3FB4] =	sst s0;
	s0 =	simm.s32 @!p1 $0x0  }
0x14: {  	s2 =	sld [smem:$0x3F98];
	s0 =	simm.s32 @p1 $0x1  }
0x15: {  	[smem:$0x3FB5] =	sst s0;
	s0 =	simm.s32 @!p2 $0x0  }
0x16: {  	s3 =	sld [smem:$0x3FDB];
	s0 =	simm.s32 @p2 $0x1  }
0x17: {  	s4 =	simm.s32 $0x1BF5;
	[smem:$0x3FB7] =	sst s0  }
0x18: {  	s0 =	sld [smem:$0x3F9A];
	_ =	swait.ge [sflag:s4], $0x0  }
0x19: {  	s7 =	sld [smem:$0x3F9B]  }
0x1a: {  	s8 =	sadd.s32 $0xFFFFE003, lr  }
0x1b: {  	s9 =	sadd.s32 $0xFFFFFEF7, lr;
	s5 =	simm.s32 $0xFFFFFFFF;
	p2 =	slt.u32 s8, $0xFFFFF086  }
0x1c: {  	p1 =	slt.u32 s9, $0xF7A;
	s5 =	simm.s32 @!p2 $0x0  }
0x1d: {  	s5 =	simm.s32 @p1 $0x1;
	p0 =	seq.s32 s7, s2  }
0x1e: {  	s7 =	smul.u32 @!p0 $0xF7A, s2;
	p2 =	seq.s32 @!p0 s5, $0x0  }
0x1f: {  	s9 =	smul.u32 $0xF7A, s1;
	s8 =	simm.s32 @!p0 $0x1BF5;
	p2 =	por !p2, p0  }
0x20: {  	[sflag:s8] =	ssyncset.s32 @!p0 $0xFFFFF086;
	s6 =	sadd.s32 @!p0 s3, s7;
	s7 =	simm.s32 @!p0 $0x108  }
0x21: {  	s3 =	sadd.s32 s3, s9;
	s6 =	sadd.s32 @!p0 $0x88, s6;
	s7 =	simm.s32 @p2 $0x1082  }
0x22: {  	[simem:s7], [sflag:s8] =	dma.local @!p0 [hbm:s6], $0xF7A  }
0x23: {  	s9 =	sor.u32 $0xD0000000, s2;
	s6 =	simm.s32 $0x108;
	_ =	swait.ge @!p0 [sflag:s8], $0x0  }
0x24: {  	s3 =	sadd.s32 $0x88, s3;
	s6 =	simm.s32 @!p1 $0x1082;
	[sflag:s4] =	ssyncset.s32 $0xFFFFF086  }
0x25: {  	[simem:s6], [sflag:s4] =	dma.local [hbm:s3], $0xF7A  }
0x26: {  	[smem:$0x3F9B] =	sst s1;
	(tag) =	ssettag s2;
	_ =	strace s9  }
0x27: {  	s1 =	sld [smem:$0x3FAB]  }
0x28: {  	s2 =	sld [smem:$0x3FAC]  }
0x29: {  	s4 =	sld [smem:$0x3FAE]  }
0x2a: {  	p0 =	seq.s32 s5, $0x0;
	s5 =	sld [smem:$0x3FAF]  }
0x2b: {  	s6 =	sld [smem:$0x3FB0]  }
0x2c: {  	s7 =	sld [smem:$0x3FB1]  }
0x2d: {  	s3 =	simm.s32 $0x108;
	s8 =	sld [smem:$0x3FB2]  }
0x2e: {  	s3 =	simm.s32 @!p0 $0x1082;
	s9 =	sld [smem:$0x3FB3]  }
0x2f: {  	lr =	sadd.s32 s0, s3;
	s0 =	sld [smem:$0x3FAA]  }
0x30: {  	s3 =	sld [smem:$0x3FAD]  }
0x31: {  	[smem:$0x3FB6] =	sst s10  }
0x32: {  	s10 =	sld [smem:$0x3FB4];
	_ =	sdelay $0x3  }
0x33: {  	p0 =	seq.s32 s10, $0x1;
	s10 =	sld [smem:$0x3FB6];
	_ =	sdelay $0x3  }
0x34: {  	[smem:$0x3FB6] =	sst s10  }
0x35: {  	s10 =	sld [smem:$0x3FB5];
	_ =	sdelay $0x3  }
0x36: {  	p1 =	seq.s32 s10, $0x1;
	s10 =	sld [smem:$0x3FB6];
	_ =	sdelay $0x3  }
0x37: {  	[smem:$0x3FB6] =	sst s10  }
0x38: {  	s10 =	sld [smem:$0x3FB7]  }
0x39: {  	_ = 	snop;
	(pc) =	sbr.ind lr, $3  }
0x3a: {  	_ = 	snop  }
0x3b: {  	_ = 	snop  }
0x3c: {  	p2 =	seq.s32 s10, $0x1;
	s10 =	sld [smem:$0x3FB6]  }
0x3d: {  	_ =	shalt  }
0x3e: {  	_ =	shalt  }
0x3f: {  	_ =	shalt  }
0x40: {  	_ =	shalt  }
0x41: {  	_ =	shalt  }
0x42: {  	_ =	shalt  }
0x43: {  	_ =	shalt  }
0x44: {  	_ =	shalt  }
0x45: {  	_ =	shalt  }
0x46: {  	_ =	shalt  }
0x47: {  	_ =	shalt  }
0x48: {  	_ =	shalt  }
0x49: {  	_ =	shalt  }
0x4a: {  	_ =	shalt  }
0x4b: {  	_ =	shalt  }
0x4c: {  	_ =	shalt  }
0x4d: {  	_ =	shalt  }
0x4e: {  	_ =	shalt  }
0x4f: {  	_ =	shalt  }
0x50: {  	_ =	shalt  }
0x51: {  	_ =	shalt  }
0x52: {  	_ =	shalt  }
0x53: {  	_ =	shalt  }
0x54: {  	_ =	shalt  }
0x55: {  	_ =	shalt  }
0x56: {  	_ =	shalt  }
0x57: {  	_ =	shalt  }
0x58: {  	_ =	shalt  }
0x59: {  	_ =	shalt  }
0x5a: {  	_ =	shalt  }
0x5b: {  	_ =	shalt  }
0x5c: {  	_ =	shalt  }
0x5d: {  	_ =	shalt  }
0x5e: {  	_ =	shalt  }
0x5f: {  	_ =	shalt  }
0x60: {  	_ =	shalt  }
0x61: {  	_ =	shalt  }
0x62: {  	_ =	shalt  }
0x63: {  	_ =	shalt  }
0x64: {  	_ =	shalt  }
0x65: {  	_ =	shalt  }
0x66: {  	_ =	shalt  }
0x67: {  	_ =	shalt  }
0x68: {  	_ =	shalt  }
0x69: {  	_ =	shalt  }
0x6a: {  	_ =	shalt  }
0x6b: {  	_ =	shalt  }
0x6c: {  	_ =	shalt  }
0x6d: {  	_ =	shalt  }
0x6e: {  	_ =	shalt  }
0x6f: {  	_ =	shalt  }
0x70: {  	_ =	shalt  }
0x71: {  	_ =	shalt  }
0x72: {  	_ =	shalt  }
0x73: {  	_ =	shalt  }
0x74: {  	_ =	shalt  }
0x75: {  	_ =	shalt  }
0x76: {  	_ =	shalt  }
0x77: {  	_ =	shalt  }
0x78: {  	_ =	shalt  }
0x79: {  	_ =	shalt  }
0x7a: {  	_ =	shalt  }
0x7b: {  	_ =	shalt  }
0x7c: {  	_ =	shalt  }
0x7d: {  	_ =	shalt  }
0x7e: {  	_ =	shalt  }
0x7f: {  	_ =	shalt  }
0x80: {  	_ =	shalt  }
0x81: {  	_ =	shalt  }
0x82: {  	_ =	shalt  }
0x83: {  	_ =	shalt  }
0x84: {  	_ =	shalt  }
0x85: {  	_ =	shalt  }
0x86: {  	_ =	shalt  }
0x87: {  	_ =	shalt  }
.Lfunc_end0:
.L_simem_size_0:
called_computation_lowered:
.L_overlay_start_0:
0x88: {  	s2 =	sld [smem:$0x3FD9]  }
0x89: {  	s3 =	sld [smem:$0x3FFE];
	_ =	sdelay $0x1  }
0x8a: {  	s1 =	srdreg.scid  }
0x8b: {  	s0 =	sand.u32 $0x1, s1  }
0x8c: {  	s16 =	sshll.u32 s0, $0xA;
	s2 =	sadd.s32 s3, s2  }
0x8d: {  	s2 =	sadd.s32 s2, s16  }
0x8e: {  	[smem:$0x3FC2] =	sst s2  }
0x8f: {  	_ = 	snop  }
0x90: {  	(tm) =	ssettm $0x1  }
0x91: {  	s17 =	sld [smem:$0x3FFB];
	_ =	sdelay $0x3  }
0x92: {  	_ =	strace s17  }
0x93: {  	s2 =	sld [smem:$0x3FFC];
	_ =	sdelay $0x3  }
0x94: {  	_ =	strace s2  }
0x95: {  	s2 =	sld [smem:$0x3FFD];
	_ =	sdelay $0x3  }
0x96: {  	_ =	strace s2  }
0x97: {  	_ =	strace $0x8FFFFFFF  }
0x98: {  	s18 =	sld [smem:$0x3FDB];
	_ =	sdelay $0x1  }
0x99: {  	s19 =	simm.s32 $_scs_section_size  }
0x9a: {  	s4 =	simm.s32 $_size__tile_overlayer_lowered;
	s5 =	simm.s32 $_tile_overlayer_lowered  }
0x9b: {  	s22 =	simm.s32 $0x1BFF;
	s21 =	sshll.u32 s5, $0x1;
	s2 =	sadd.s32 s19, s18  }
0x9c: {  	s6 =	simm.s32 $0x0;
	s20 =	sshll.u32 s4, $0x1;
	s4 =	sadd.s32 s21, s2  }
0x9d: {  	[timem:s6], [sflag:s22] =	dma.local [hbm:s4], s20  }
0x9e: {  	_ =	swait.ge [sflag:s22], s20  }
0x9f: {  	s3 =	ssub.s32 $0x0, s20;
	[sflag:s22] =	ssyncset.done $0x0  }
0xa0: {  	[sflag:s22] =	ssyncadd.s32 s3;
	_ =	sdelay $0x1  }
0xa1: {  	s23 =	simm.s32 $0x1B8B  }
0xa2: {  	_ =	swait.ge [sflag:s23], $0x1  }
0xa3: {  	[sflag:s23] =	ssyncset.done $0x0  }
0xa4: {  	s25 =	simm.s32 $0x1B8E;
	s24 =	sld [smem:$0x3FFE];
	[sflag:s23] =	ssyncadd.s32 $0xFFFFFFFF  }
0xa5: {  	s26 =	simm.s32 $execute0_lowered;
	[smem:$0x3FD2] =	sst s25  }
0xa6: {  	s4 =	sshll.u32 s26, $0x1;
	_ =	strace $0x80000046;
	[dreg:$0x1] =	wrdreg $0xFFFFFFFF  }
0xa7: {  	s28 =	simm.s32 $_size_execute0_lowered;
	s2 =	sadd.s32 s2, s4;
	[dreg:$0x0] =	wrdreg $0x0  }
0xa8: {  	s4 =	sshll.u32 s28, $0x1;
	[dreg:$0x2] =	wrdreg s2  }
0xa9: {  	[dreg:$0x3] =	wrdreg s4  }
0xaa: {  	[dreg:$0x4] =	wrdreg $0xC0  }
0xab: {  	_ =	task [dreg:s6], $0x5FFFF  }
0xac: {  	[dreg:$0x1] =	wrdreg $0xFFFFFFFF  }
0xad: {  	[dreg:$0x0] =	wrdreg $0x60  }
0xae: {  	[dreg:$0x2] =	wrdreg s24  }
0xaf: {  	[dreg:$0x3] =	wrdreg $0x58200  }
0xb0: {  	[dreg:$0x4] =	wrdreg $0x80200  }
0xb1: {  	[dreg:$0x5] =	wrdreg $0x9  }
0xb2: {  	_ =	task.clear_ibuf [dreg:s6], $0x6FFFF;
	_ =	strace $0x90000046  }
0xb3: {  	s29 =	simm.s32 $0x9;
	_ =	strace $0x80000048  }
0xb4: {  	_ =	swait.ge [sflag:s29], $0x1  }
0xb5: {  	[sflag:s29] =	ssyncadd.s32 $0xFFFFFFFF  }
0xb6: {  	_ =	strace $0x90000048  }
0xb7: {  	_ =	sfence  }
0xb8: {  	s30 =	sld [smem:$0x0];
	_ =	sdelay $0x2  }
0xb9: {  	s31 =	sshll.u32 s1, $0xD;
	s1 =	sshrl.u32 s1, $0x2  }
0xba: {  	s3 =	sand.u32 $0x4000, s31;
	s1 =	sadd.s32 s1, s30  }
0xbb: {  	s0 =	sor.u32 s3, s0;
	s1 =	sshll.u32 s1, $0x11  }
0xbc: {  	s0 =	sor.u32 s1, s0  }
0xbd: {  	s0 =	sadd.s32 $0x8F2B, s0  }
0xbe: {  	[sflag:s0] =	ssyncadd.remote.s32 $0x1  }
0xbf: {  	_ =	sfence.sel $0xFFFF  }
0xc0: {  	[dreg:$0x0] =	wrdreg $0xFFFFFFFF;
	(pc) =	sbr.abs _section_cstart, $3  }
0xc1: {  	[dreg:$0x1] =	wrdreg $0xFFFFFFFF  }
0xc2: {  	_ =	task.clear_ibuf [dreg:s6], $0x2FFFF;
	_ =	strace $0x9FFFFFFF  }
0xc3: {  	(tm) =	ssettm $0x7FFFFFFF  }
tec
execute0_lowered:
.L_overlay_start_1:
0x0: {  	(tag) =	ssettag $0x1  }
0x1: {  	s7 =	rddreg [dreg:$0x0]  }
0x2: {  	s1 =	srdreg.scid;
	s2 =	rddreg [dreg:$0x1]  }
0x3: {  	s0 =	stileid.u32;
	s3 =	rddreg [dreg:$0x2];
	s4 =	simm.s32 $0x0  }
0x4: {  	s15 =	simm.s32 $0x2;
	s16 =	simm.s32 $0x2710;
	s17 =	simm.s32 $0x4E20  }
0x5: {  	s21 =	simm.s32 $0x50;
	s22 =	simm.s32 $0x1;
	s23 =	simm.s32 $0x5320  }
0x6: {  	s24 =	simm.s32 $0x0;
	s8 =	sand.u32 $0x1, s1;
	s1 =	rddreg [dreg:$0x3]  }
0x7: {  	s30 =	sshll.u32 s0, $0x1;
	[smem:$0x7FF] =	sst s4;
	s11 =	smul.u32 $0x2800, s0  }
0x8: {  	s6 =	sadd.s32 $0x15C00, s7;
	s13 =	smul.u32 $0xA000, s0;
	s18 =	sshll.u32 s0, $0x6  }
0x9: {  	s5 =	sor.u32 s8, s30;
	_ =	strace $0x80000047;
	s10 =	smul.u32 $0x5000, s8  }
0xa: {  	s8 =	ssub.s32 $0x2, s8;
	s18 =	sor.u32 $0x1C02, s18;
	s5 =	smul.u32 $0x4E2, s5  }
0xb: {  	s31 =	sshrl.u32 s8, $0x1;
	s19 =	sadd.s32 s11, s2;
	s20 =	sadd.s32 s11, s3  }
0xc: {  	s14 =	sshrl.u32 s13, $0x2;
	s10 =	sadd.s32 s10, s7;
	s12 =	ssub.s32 s8, s31  }
0xd: {  	s13 =	sadd.s32 s14, s2;
	s14 =	sadd.s32 s14, s3;
	s19 =	sshrl.u32 s19, $0x3  }
0xe: {  	s20 =	sshrl.u32 s20, $0x3;
	s9 =	sadd.s32 s5, s7;
	s5 =	sadd.s32 $0x16200, s7  }
0xf: {  	s11 =	smax.u32 s12, $0x1;
	s12 =	smul.u32 $0x500, s0;
	s7 =	sadd.s32 $0xBE00, s9  }
0x10: {  	s8 =	sadd.s32 $0x2000, s9;
	s9 =	sadd.s32 $0x20400, s10;
	s10 =	sadd.s32 $0x16400, s10  }
.LBB2_1:
0x11: {  	[tilespmem:s4], [sflag:$0x2] =	stream.linear.gather [hbm4b:s7+s4], $0x2710, $0x38;
	[tilespmem:$0xA820] =	vst v63  }
0x12: {  	_ =	swait.ge [sflag:s15], $0x2710  }
0x13: {  	[sflag:s15] =	ssyncset.done $0x0  }
0x14: {  	[sflag:s15] =	ssyncadd.s32 $0xFFFFD8F0  }
0x15: {  	[tilespmem:s16], [sflag:$0x2] =	stream.linear.gather [hbm4b:s8+s4], $0x2710, $0x38;
	[tilespmem:$0xA820] =	vst v63  }
0x16: {  	_ =	swait.ge [sflag:s15], $0x2710  }
0x17: {  	[sflag:s15] =	ssyncset.done $0x0  }
0x18: {  	[sflag:s15] =	ssyncadd.s32 $0xFFFFD8F0  }
0x19: {  	[tilespmem:s17], [sflag:$0x2] =	stream.linear.gather [hbm4b:s5+s4], $0x500, $0x38;
	[tilespmem:$0xA820] =	vst v63  }
0x1a: {  	_ =	swait.ge [sflag:s15], $0x500  }
0x1b: {  	[sflag:s15] =	ssyncset.done $0x0  }
0x1c: {  	[sflag:s15] =	ssyncadd.s32 $0xFFFFFB00  }
0x1d: {  	[spmem:s19], [sflag:s18] =	dma.local [hbm:s6], $0x500  }
0x1e: {  	_ =	swait.ge [sflag:s15], $0x500  }
0x1f: {  	[sflag:s15] =	ssyncset.done $0x0  }
0x20: {  	[sflag:s15] =	ssyncadd.s32 $0xFFFFFB00  }
0x21: {  	[spmem:s20], [sflag:s18] =	dma.local [hbm:s6], $0x500  }
0x22: {  	_ =	swait.ge [sflag:s15], $0x500  }
0x23: {  	[sflag:s15] =	ssyncset.done $0x0  }
0x24: {  	[sflag:s15] =	ssyncadd.s32 $0xFFFFFB00  }
0x25: {  	s25 =	simm.s32 $0x0;
	[bflag:$0x0] =	sbarrier.arrive $0xFFFF  }
0x26: {  	[spmem:s2] =	stream.indirect.scatter.add.f32 [tilespmem:s17], [sflag:$0x1], $0x10, s25, s21, $0xb8;
	[tilespmem:$0xA820] =	vst v63  }
0x27: {  	s31 =	simm.s32 $0x2710  }
0x28: {  	[spmem:s3] =	stream.indirect.scatter.add.f32 [tilespmem:s17], [sflag:$0x1], $0x10, s31, s21, $0xb8;
	[tilespmem:$0xA820] =	vst v63  }
0x29: {  	s26 =	simm.s32 $0x50  }
0x2a: {  	[spmem:s2] =	stream.indirect.scatter.add.f32 [tilespmem:s17], [sflag:$0x1], $0x10, s26, s21, $0xb8;
	[tilespmem:$0xA820] =	vst v63  }
0x2b: {  	s29 =	simm.s32 $0x2760  }
0x2c: {  	[spmem:s3] =	stream.indirect.scatter.add.f32 [tilespmem:s17], [sflag:$0x1], $0x10, s29, s21, $0xb8;
	[tilespmem:$0xA820] =	vst v63  }
0x2d: {  	s30 =	simm.s32 $0xA0  }
0x2e: {  	[spmem:s2] =	stream.indirect.scatter.add.f32 [tilespmem:s17], [sflag:$0x1], $0x10, s30, s21, $0xb8;
	[tilespmem:$0xA820] =	vst v63  }
0x2f: {  	s31 =	simm.s32 $0x27B0  }
0x30: {  	[spmem:s3] =	stream.indirect.scatter.add.f32 [tilespmem:s17], [sflag:$0x1], $0x10, s31, s21, $0xb8;
	[tilespmem:$0xA820] =	vst v63  }
0x31: {  	s26 =	simm.s32 $0xF0  }
0x32: {  	[spmem:s2] =	stream.indirect.scatter.add.f32 [tilespmem:s17], [sflag:$0x1], $0x10, s26, s21, $0xb8;
	[tilespmem:$0xA820] =	vst v63  }
0x33: {  	s29 =	simm.s32 $0x2800  }
0x34: {  	[spmem:s3] =	stream.indirect.scatter.add.f32 [tilespmem:s17], [sflag:$0x1], $0x10, s29, s21, $0xb8;
	[tilespmem:$0xA820] =	vst v63  }
0x35: {  	s30 =	simm.s32 $0x140  }
0x36: {  	[spmem:s2] =	stream.indirect.scatter.add.f32 [tilespmem:s17], [sflag:$0x1], $0x10, s30, s21, $0xb8;
	[tilespmem:$0xA820] =	vst v63  }
0x37: {  	s31 =	simm.s32 $0x2850  }
0x38: {  	[spmem:s3] =	stream.indirect.scatter.add.f32 [tilespmem:s17], [sflag:$0x1], $0x10, s31, s21, $0xb8;
	[tilespmem:$0xA820] =	vst v63  }
0x39: {  	_ =	swait.ge [sflag:s22], $0x500  }
0x3a: {  	[sflag:s22] =	ssyncset.done $0x0  }
0x3b: {  	[sflag:s22] =	ssyncadd.s32 $0xFFFFFB00  }
0x3c: {  	_ =	swait.ge [sflag:s22], $0x500  }
0x3d: {  	[sflag:s22] =	ssyncset.done $0x0  }
0x3e: {  	[sflag:s22] =	ssyncadd.s32 $0xFFFFFB00  }
0x3f: {  	_ =	swait.ge [sflag:s22], $0x500  }
0x40: {  	[sflag:s22] =	ssyncset.done $0x0  }
0x41: {  	[sflag:s22] =	ssyncadd.s32 $0xFFFFFB00  }
0x42: {  	_ =	swait.ge [sflag:s22], $0x500  }
0x43: {  	[sflag:s22] =	ssyncset.done $0x0  }
0x44: {  	[sflag:s22] =	ssyncadd.s32 $0xFFFFFB00  }
0x45: {  	_ =	swait.ge [sflag:s22], $0x500  }
0x46: {  	[sflag:s22] =	ssyncset.done $0x0  }
0x47: {  	[sflag:s22] =	ssyncadd.s32 $0xFFFFFB00  }
0x48: {  	_ =	swait.ge [sflag:s22], $0x500  }
0x49: {  	[sflag:s22] =	ssyncset.done $0x0  }
0x4a: {  	[sflag:s22] =	ssyncadd.s32 $0xFFFFFB00  }
0x4b: {  	_ =	swait.ge [sflag:s22], $0x500  }
0x4c: {  	[sflag:s22] =	ssyncset.done $0x0  }
0x4d: {  	[sflag:s22] =	ssyncadd.s32 $0xFFFFFB00  }
0x4e: {  	_ =	swait.ge [sflag:s22], $0x500  }
0x4f: {  	[sflag:s22] =	ssyncset.done $0x0  }
0x50: {  	[sflag:s22] =	ssyncadd.s32 $0xFFFFFB00  }
0x51: {  	_ =	swait.ge [sflag:s22], $0x500  }
0x52: {  	[sflag:s22] =	ssyncset.done $0x0  }
0x53: {  	[sflag:s22] =	ssyncadd.s32 $0xFFFFFB00  }
0x54: {  	_ =	swait.ge [sflag:s22], $0x500  }
0x55: {  	s28 =	simm.s32 $0xC80;
	s25 =	simm.s32 $0x640;
	[sflag:s22] =	ssyncset.done $0x0  }
.LBB2_2:
0x56: {  	s29 =	sshra.s32 s25, $0x2  }
0x57: {  	[sflag:s22] =	ssyncadd.s32 $0xFFFFFB00;
	s25 =	smov.u32 s28;
	s26 =	sadd.s32 $0x640, s28  }
0x58: {  	[spmem:s2] =	stream.indirect.scatter.add.f32 [tilespmem:s17], [sflag:$0x1], $0x10, s29, s21, $0xb8;
	[tilespmem:$0xA820] =	vst v63  }
0x59: {  	p0 =	sne.s32 s28, $0x9600;
	s28 =	sadd.s32 $0x2710, s29  }
0x5a: {  	[spmem:s3] =	stream.indirect.scatter.add.f32 [tilespmem:s17], [sflag:$0x1], $0x10, s28, s21, $0xb8;
	[tilespmem:$0xA820] =	vst v63  }
0x5b: {  	s28 =	sadd.s32 $0x50, s29  }
0x5c: {  	[spmem:s2] =	stream.indirect.scatter.add.f32 [tilespmem:s17], [sflag:$0x1], $0x10, s28, s21, $0xb8;
	[tilespmem:$0xA820] =	vst v63  }
0x5d: {  	s28 =	sadd.s32 $0x2760, s29  }
0x5e: {  	[spmem:s3] =	stream.indirect.scatter.add.f32 [tilespmem:s17], [sflag:$0x1], $0x10, s28, s21, $0xb8;
	[tilespmem:$0xA820] =	vst v63  }
0x5f: {  	s28 =	sadd.s32 $0xA0, s29  }
0x60: {  	[spmem:s2] =	stream.indirect.scatter.add.f32 [tilespmem:s17], [sflag:$0x1], $0x10, s28, s21, $0xb8;
	[tilespmem:$0xA820] =	vst v63  }
0x61: {  	s28 =	sadd.s32 $0x27B0, s29  }
0x62: {  	[spmem:s3] =	stream.indirect.scatter.add.f32 [tilespmem:s17], [sflag:$0x1], $0x10, s28, s21, $0xb8;
	[tilespmem:$0xA820] =	vst v63  }
0x63: {  	s28 =	sadd.s32 $0xF0, s29  }
0x64: {  	[spmem:s2] =	stream.indirect.scatter.add.f32 [tilespmem:s17], [sflag:$0x1], $0x10, s28, s21, $0xb8;
	[tilespmem:$0xA820] =	vst v63  }
0x65: {  	s28 =	sadd.s32 $0x2800, s29  }
0x66: {  	[spmem:s3] =	stream.indirect.scatter.add.f32 [tilespmem:s17], [sflag:$0x1], $0x10, s28, s21, $0xb8;
	[tilespmem:$0xA820] =	vst v63  }
0x67: {  	s28 =	sadd.s32 $0x140, s29  }
0x68: {  	[spmem:s2] =	stream.indirect.scatter.add.f32 [tilespmem:s17], [sflag:$0x1], $0x10, s28, s21, $0xb8;
	[tilespmem:$0xA820] =	vst v63  }
0x69: {  	s28 =	sadd.s32 $0x2850, s29  }
0x6a: {  	[spmem:s3] =	stream.indirect.scatter.add.f32 [tilespmem:s17], [sflag:$0x1], $0x10, s28, s21, $0xb8;
	[tilespmem:$0xA820] =	vst v63  }
0x6b: {  	_ =	swait.ge [sflag:s22], $0x500  }
0x6c: {  	[sflag:s22] =	ssyncset.done $0x0  }
0x6d: {  	[sflag:s22] =	ssyncadd.s32 $0xFFFFFB00  }
0x6e: {  	_ =	swait.ge [sflag:s22], $0x500  }
0x6f: {  	[sflag:s22] =	ssyncset.done $0x0  }
0x70: {  	[sflag:s22] =	ssyncadd.s32 $0xFFFFFB00  }
0x71: {  	_ =	swait.ge [sflag:s22], $0x500  }
0x72: {  	[sflag:s22] =	ssyncset.done $0x0  }
0x73: {  	[sflag:s22] =	ssyncadd.s32 $0xFFFFFB00  }
0x74: {  	_ =	swait.ge [sflag:s22], $0x500  }
0x75: {  	[sflag:s22] =	ssyncset.done $0x0  }
0x76: {  	[sflag:s22] =	ssyncadd.s32 $0xFFFFFB00  }
0x77: {  	_ =	swait.ge [sflag:s22], $0x500  }
0x78: {  	[sflag:s22] =	ssyncset.done $0x0  }
0x79: {  	[sflag:s22] =	ssyncadd.s32 $0xFFFFFB00  }
0x7a: {  	_ =	swait.ge [sflag:s22], $0x500  }
0x7b: {  	[sflag:s22] =	ssyncset.done $0x0  }
0x7c: {  	[sflag:s22] =	ssyncadd.s32 $0xFFFFFB00  }
0x7d: {  	_ =	swait.ge [sflag:s22], $0x500  }
0x7e: {  	[sflag:s22] =	ssyncset.done $0x0  }
0x7f: {  	[sflag:s22] =	ssyncadd.s32 $0xFFFFFB00  }
0x80: {  	_ =	swait.ge [sflag:s22], $0x500  }
0x81: {  	[sflag:s22] =	ssyncset.done $0x0  }
0x82: {  	[sflag:s22] =	ssyncadd.s32 $0xFFFFFB00  }
.Ltmp0:
0x83: {  	_ =	swait.ge [sflag:s22], $0x500;
	(pc) =	sbr.rel @p0 .LBB2_2-.Ltmp0, $4  }
0x84: {  	[sflag:s22] =	ssyncset.done $0x0  }
0x85: {  	[sflag:s22] =	ssyncadd.s32 $0xFFFFFB00  }
0x86: {  	_ =	swait.ge [sflag:s22], $0x500  }
0x87: {  	s28 =	smov.u32 s26;
	[sflag:s22] =	ssyncset.done $0x0  }
0x88: {  	s25 =	sshra.s32 s25, $0x2;
	[sflag:s22] =	ssyncadd.s32 $0xFFFFFB00  }
0x89: {  	[spmem:s2] =	stream.indirect.scatter.add.f32 [tilespmem:s17], [sflag:$0x1], $0x10, s25, s21, $0xb8;
	[tilespmem:$0xA820] =	vst v63  }
0x8a: {  	s26 =	sadd.s32 $0x2710, s25  }
0x8b: {  	[spmem:s3] =	stream.indirect.scatter.add.f32 [tilespmem:s17], [sflag:$0x1], $0x10, s26, s21, $0xb8;
	[tilespmem:$0xA820] =	vst v63  }
0x8c: {  	s31 =	sadd.s32 $0x50, s25  }
0x8d: {  	[spmem:s2] =	stream.indirect.scatter.add.f32 [tilespmem:s17], [sflag:$0x1], $0x10, s31, s21, $0xb8;
	[tilespmem:$0xA820] =	vst v63  }
0x8e: {  	s29 =	sadd.s32 $0x2760, s25  }
0x8f: {  	[spmem:s3] =	stream.indirect.scatter.add.f32 [tilespmem:s17], [sflag:$0x1], $0x10, s29, s21, $0xb8;
	[tilespmem:$0xA820] =	vst v63  }
0x90: {  	s30 =	sadd.s32 $0xA0, s25  }
0x91: {  	[spmem:s2] =	stream.indirect.scatter.add.f32 [tilespmem:s17], [sflag:$0x1], $0x10, s30, s21, $0xb8;
	[tilespmem:$0xA820] =	vst v63  }
0x92: {  	s31 =	sadd.s32 $0x27B0, s25  }
0x93: {  	[spmem:s3] =	stream.indirect.scatter.add.f32 [tilespmem:s17], [sflag:$0x1], $0x10, s31, s21, $0xb8;
	[tilespmem:$0xA820] =	vst v63  }
0x94: {  	s29 =	sadd.s32 $0xF0, s25  }
0x95: {  	[spmem:s2] =	stream.indirect.scatter.add.f32 [tilespmem:s17], [sflag:$0x1], $0x10, s29, s21, $0xb8;
	[tilespmem:$0xA820] =	vst v63  }
0x96: {  	s30 =	sadd.s32 $0x2800, s25  }
0x97: {  	[spmem:s3] =	stream.indirect.scatter.add.f32 [tilespmem:s17], [sflag:$0x1], $0x10, s30, s21, $0xb8;
	[tilespmem:$0xA820] =	vst v63  }
0x98: {  	s31 =	sadd.s32 $0x140, s25  }
0x99: {  	[spmem:s2] =	stream.indirect.scatter.add.f32 [tilespmem:s17], [sflag:$0x1], $0x10, s31, s21, $0xb8;
	[tilespmem:$0xA820] =	vst v63  }
0x9a: {  	s25 =	sadd.s32 $0x2850, s25  }
0x9b: {  	[spmem:s3] =	stream.indirect.scatter.add.f32 [tilespmem:s17], [sflag:$0x1], $0x10, s25, s21, $0xb8;
	[tilespmem:$0xA820] =	vst v63  }
0x9c: {  	_ =	swait.ge [sflag:s22], $0x500  }
0x9d: {  	[sflag:s22] =	ssyncset.done $0x0  }
0x9e: {  	[sflag:s22] =	ssyncadd.s32 $0xFFFFFB00  }
0x9f: {  	_ =	swait.ge [sflag:s22], $0x500  }
0xa0: {  	[sflag:s22] =	ssyncset.done $0x0  }
0xa1: {  	[sflag:s22] =	ssyncadd.s32 $0xFFFFFB00  }
0xa2: {  	_ =	swait.ge [sflag:s22], $0x500  }
0xa3: {  	[sflag:s22] =	ssyncset.done $0x0  }
0xa4: {  	[sflag:s22] =	ssyncadd.s32 $0xFFFFFB00  }
0xa5: {  	_ =	swait.ge [sflag:s22], $0x500  }
0xa6: {  	[sflag:s22] =	ssyncset.done $0x0  }
0xa7: {  	[sflag:s22] =	ssyncadd.s32 $0xFFFFFB00  }
0xa8: {  	_ =	swait.ge [sflag:s22], $0x500  }
0xa9: {  	[sflag:s22] =	ssyncset.done $0x0  }
0xaa: {  	[sflag:s22] =	ssyncadd.s32 $0xFFFFFB00  }
0xab: {  	_ =	swait.ge [sflag:s22], $0x500  }
0xac: {  	[sflag:s22] =	ssyncset.done $0x0  }
0xad: {  	[sflag:s22] =	ssyncadd.s32 $0xFFFFFB00  }
0xae: {  	_ =	swait.ge [sflag:s22], $0x500  }
0xaf: {  	[sflag:s22] =	ssyncset.done $0x0  }
0xb0: {  	[sflag:s22] =	ssyncadd.s32 $0xFFFFFB00  }
0xb1: {  	_ =	swait.ge [sflag:s22], $0x500  }
0xb2: {  	[sflag:s22] =	ssyncset.done $0x0  }
0xb3: {  	[sflag:s22] =	ssyncadd.s32 $0xFFFFFB00  }
0xb4: {  	_ =	swait.ge [sflag:s22], $0x500  }
0xb5: {  	[sflag:s22] =	ssyncset.done $0x0  }
0xb6: {  	[sflag:s22] =	ssyncadd.s32 $0xFFFFFB00  }
0xb7: {  	_ =	swait.ge [sflag:s22], $0x500  }
0xb8: {  	[sflag:s22] =	ssyncset.done $0x0  }
0xb9: {  	[sflag:s22] =	ssyncadd.s32 $0xFFFFFB00  }
0xba: {  	s26 =	sadd.s32 $0x0, s13;
	[bflag:$0x0] =	sbarrier.arrive $0xFFFF  }
0xbb: {  	[tilespmem:s23], [sflag:$0x2] =	stream.linear.gather [spmem:s26], $0x500, $0x38;
	[tilespmem:$0xA820] =	vst v63  }
0xbc: {  	_ =	swait.ge [sflag:s15], $0x500  }
0xbd: {  	[sflag:s15] =	ssyncset.done $0x0  }
0xbe: {  	s29 =	sadd.s32 s12, s9;
	[sflag:s15] =	ssyncadd.s32 $0xFFFFFB00  }
0xbf: {  	[hbm4b:s29+s4] =	stream.linear.scatter [tilespmem:s23], [sflag:$0x2], $0x500, $0x38;
	[tilespmem:$0xA820] =	vst v63  }
0xc0: {  	_ =	swait.ge [sflag:s15], $0x500  }
0xc1: {  	[sflag:s15] =	ssyncset.done $0x0  }
0xc2: {  	s30 =	sadd.s32 $0x0, s14;
	[sflag:s15] =	ssyncadd.s32 $0xFFFFFB00  }
0xc3: {  	[tilespmem:s23], [sflag:$0x2] =	stream.linear.gather [spmem:s30], $0x500, $0x38;
	[tilespmem:$0xA820] =	vst v63  }
0xc4: {  	_ =	swait.ge [sflag:s15], $0x500  }
0xc5: {  	[sflag:s15] =	ssyncset.done $0x0  }
0xc6: {  	s31 =	sadd.s32 s12, s10;
	[sflag:s15] =	ssyncadd.s32 $0xFFFFFB00  }
0xc7: {  	[hbm4b:s31+s4] =	stream.linear.scatter [tilespmem:s23], [sflag:$0x2], $0x500, $0x38;
	[tilespmem:$0xA820] =	vst v63  }
0xc8: {  	s28 =	simm.s32 $0x2800;
	_ =	swait.ge [sflag:s15], $0x500  }
0xc9: {  	s25 =	sadd.s32 $0xA0, s12;
	s26 =	simm.s32 $0x500;
	[sflag:s15] =	ssyncset.done $0x0  }
.LBB2_4:
0xca: {  	s29 =	sadd.s32 s26, s13  }
0xcb: {  	[sflag:s15] =	ssyncadd.s32 $0xFFFFFB00;
	s30 =	smov.u32 s28;
	s31 =	sadd.s32 $0x1400, s28  }
0xcc: {  	[tilespmem:s23], [sflag:$0x2] =	stream.linear.gather [spmem:s29], $0x500, $0x38;
	[tilespmem:$0xA820] =	vst v63  }
0xcd: {  	p0 =	sne.s32 s28, $0x8C00;
	_ =	swait.ge [sflag:s15], $0x500  }
0xce: {  	[sflag:s15] =	ssyncset.done $0x0  }
0xcf: {  	s28 =	sadd.s32 s25, s9;
	[sflag:s15] =	ssyncadd.s32 $0xFFFFFB00  }
0xd0: {  	[hbm4b:s28+s4] =	stream.linear.scatter [tilespmem:s23], [sflag:$0x2], $0x500, $0x38;
	[tilespmem:$0xA820] =	vst v63  }
0xd1: {  	_ =	swait.ge [sflag:s15], $0x500  }
0xd2: {  	[sflag:s15] =	ssyncset.done $0x0  }
0xd3: {  	s26 =	sadd.s32 s26, s14;
	[sflag:s15] =	ssyncadd.s32 $0xFFFFFB00  }
0xd4: {  	[tilespmem:s23], [sflag:$0x2] =	stream.linear.gather [spmem:s26], $0x500, $0x38;
	[tilespmem:$0xA820] =	vst v63  }
0xd5: {  	_ =	swait.ge [sflag:s15], $0x500  }
.Ltmp1:
0xd6: {  	[sflag:s15] =	ssyncset.done $0x0;
	(pc) =	sbr.rel @p0 .LBB2_4-.Ltmp1, $4  }
0xd7: {  	s26 =	sadd.s32 s25, s10;
	[sflag:s15] =	ssyncadd.s32 $0xFFFFFB00  }
0xd8: {  	[hbm4b:s26+s4] =	stream.linear.scatter [tilespmem:s23], [sflag:$0x2], $0x500, $0x38;
	[tilespmem:$0xA820] =	vst v63  }
0xd9: {  	s28 =	smov.u32 s31;
	_ =	swait.ge [sflag:s15], $0x500  }
0xda: {  	s25 =	sadd.s32 $0xA0, s25;
	s26 =	sshra.s32 s30, $0x2;
	[sflag:s15] =	ssyncset.done $0x0  }
0xdb: {  	s28 =	sadd.s32 s26, s13;
	[sflag:s15] =	ssyncadd.s32 $0xFFFFFB00  }
0xdc: {  	[tilespmem:s23], [sflag:$0x2] =	stream.linear.gather [spmem:s28], $0x500, $0x38;
	[tilespmem:$0xA820] =	vst v63  }
0xdd: {  	_ =	swait.ge [sflag:s15], $0x500  }
0xde: {  	[sflag:s15] =	ssyncset.done $0x0  }
0xdf: {  	s29 =	sadd.s32 s25, s9;
	[sflag:s15] =	ssyncadd.s32 $0xFFFFFB00  }
0xe0: {  	[hbm4b:s29+s4] =	stream.linear.scatter [tilespmem:s23], [sflag:$0x2], $0x500, $0x38;
	[tilespmem:$0xA820] =	vst v63  }
0xe1: {  	_ =	swait.ge [sflag:s15], $0x500  }
0xe2: {  	[sflag:s15] =	ssyncset.done $0x0  }
0xe3: {  	s30 =	sadd.s32 s26, s14;
	[sflag:s15] =	ssyncadd.s32 $0xFFFFFB00  }
0xe4: {  	[tilespmem:s23], [sflag:$0x2] =	stream.linear.gather [spmem:s30], $0x500, $0x38;
	[tilespmem:$0xA820] =	vst v63  }
0xe5: {  	s24 =	sadd.s32 $0x1, s24;
	_ =	swait.ge [sflag:s15], $0x500  }
0xe6: {  	p0 =	sne.s32 s24, s11;
	[sflag:s15] =	ssyncset.done $0x0  }
.Ltmp2:
0xe7: {  	s31 =	sadd.s32 s25, s10;
	[sflag:s15] =	ssyncadd.s32 $0xFFFFFB00;
	(pc) =	sbr.rel @p0 .LBB2_1-.Ltmp2, $4  }
0xe8: {  	[hbm4b:s31+s4] =	stream.linear.scatter [tilespmem:s23], [sflag:$0x2], $0x500, $0x38;
	[tilespmem:$0xA820] =	vst v63  }
0xe9: {  	_ =	swait.ge [sflag:s15], $0x500  }
0xea: {  	[sflag:s15] =	ssyncset.done $0x0  }
0xeb: {  	[sflag:s15] =	ssyncadd.s32 $0xFFFFFB00  }
0xec: {  	_ =	sfence.sel $0x180000  }
0xed: {  	[bflag:$0x0] =	sbarrier.arrive $0xFFFF  }
0xee: {  	p0 =	sne.s32 s0, $0x0;
	_ =	strace $0x90000047  }
0xef: {  	s0 =	sadd.s32 @!p0 $0x100000, s1;
	[bflag:$0x2] =	sbarrier.arrive $0xFFFF  }
0xf0: {  	[sflag:s0] =	ssyncadd.tile.s32 @!p0 $0x1;
	_ =	shalt  }
.Lfunc_end2:
_tile_overlayer_lowered:
.L_overlay_start_2:
0xf1: {  	(tag) =	ssettag $0x2  }
0xf2: {  	s0 =	rddreg [dreg:$0x0];
	s2 =	stileid.u32  }
0xf3: {  	s1 =	rddreg [dreg:$0x1];
	p0 =	sne.s32 s2, $0x0  }
0xf4: {  	s3 =	rddreg [dreg:$0x2];
	[bflag:$0x3] =	sbarrier.arrive $0xFFFF;
	s2 =	simm.s32 @!p0 $0x1C02  }
0xf5: {  	[timem:s3], [sflag:s2] =	dma.local @!p0 [hbm:s0], s1  }
0xf6: {  	s0 =	simm.s32 @!p0 $0x2  }
0xf7: {  	_ =	swait.ge @!p0 [sflag:s0], s1  }
0xf8: {  	s1 =	ssub.s32 @!p0 $0x0, s1;
	[sflag:s0] =	ssyncset.done @!p0 $0x0  }
0xf9: {  	[sflag:s0] =	ssyncadd.s32 @!p0 s1  }
0xfa: {  	[bflag:$0x3] =	sbarrier.arrive $0xFFFF  }
0xfb: {  	_ =	shalt  }

// kernel: kernel.9.cloned.1.call-start
scs
__scs_entry_jumppad:
0x0: {  	(pc) =	sbr.rel $0x88, $3  }
0x1: {  	(tag) =	ssettag $0x0;
	lr =	simm.s32 $0x1  }
0x2: {  	[smem:$0x3F9B] =	sst lr;
	_ =	strace $0xD0000000  }
0x3: {  	_ = 	snop  }
0x4: {  	_ = 	snop  }
0x5: {  	_ = 	snop  }
0x6: {  	_ = 	snop  }
0x7: {  	_ = 	snop  }
__scs_overlays_trampoline_lowered:
0x8: {  	[smem:$0x3FAA] =	sst s0  }
0x9: {  	[smem:$0x3FAB] =	sst s1  }
0xa: {  	[smem:$0x3FAC] =	sst s2  }
0xb: {  	[smem:$0x3FAD] =	sst s3  }
0xc: {  	[smem:$0x3FAE] =	sst s4  }
0xd: {  	[smem:$0x3FAF] =	sst s5  }
0xe: {  	[smem:$0x3FB0] =	sst s6  }
0xf: {  	[smem:$0x3FB1] =	sst s7  }
0x10: {  	[smem:$0x3FB2] =	sst s8  }
0x11: {  	[smem:$0x3FB3] =	sst s9;
	s0 =	simm.s32 @!p0 $0x0  }
0x12: {  	s1 =	sld [smem:$0x3F99];
	s0 =	simm.s32 @p0 $0x1  }
0x13: {  	[smem:$0x3FB4] =	sst s0;
	s0 =	simm.s32 @!p1 $0x0  }
0x14: {  	s2 =	sld [smem:$0x3F98];
	s0 =	simm.s32 @p1 $0x1  }
0x15: {  	[smem:$0x3FB5] =	sst s0;
	s0 =	simm.s32 @!p2 $0x0  }
0x16: {  	s3 =	sld [smem:$0x3FDB];
	s0 =	simm.s32 @p2 $0x1  }
0x17: {  	s4 =	simm.s32 $0x1BF5;
	[smem:$0x3FB7] =	sst s0  }
0x18: {  	s0 =	sld [smem:$0x3F9A];
	_ =	swait.ge [sflag:s4], $0x0  }
0x19: {  	s7 =	sld [smem:$0x3F9B]  }
0x1a: {  	s8 =	sadd.s32 $0xFFFFE003, lr  }
0x1b: {  	s9 =	sadd.s32 $0xFFFFFEF7, lr;
	s5 =	simm.s32 $0xFFFFFFFF;
	p2 =	slt.u32 s8, $0xFFFFF086  }
0x1c: {  	p1 =	slt.u32 s9, $0xF7A;
	s5 =	simm.s32 @!p2 $0x0  }
0x1d: {  	s5 =	simm.s32 @p1 $0x1;
	p0 =	seq.s32 s7, s2  }
0x1e: {  	s7 =	smul.u32 @!p0 $0xF7A, s2;
	p2 =	seq.s32 @!p0 s5, $0x0  }
0x1f: {  	s9 =	smul.u32 $0xF7A, s1;
	s8 =	simm.s32 @!p0 $0x1BF5;
	p2 =	por !p2, p0  }
0x20: {  	[sflag:s8] =	ssyncset.s32 @!p0 $0xFFFFF086;
	s6 =	sadd.s32 @!p0 s3, s7;
	s7 =	simm.s32 @!p0 $0x108  }
0x21: {  	s3 =	sadd.s32 s3, s9;
	s6 =	sadd.s32 @!p0 $0x88, s6;
	s7 =	simm.s32 @p2 $0x1082  }
0x22: {  	[simem:s7], [sflag:s8] =	dma.local @!p0 [hbm:s6], $0xF7A  }
0x23: {  	s9 =	sor.u32 $0xD0000000, s2;
	s6 =	simm.s32 $0x108;
	_ =	swait.ge @!p0 [sflag:s8], $0x0  }
0x24: {  	s3 =	sadd.s32 $0x88, s3;
	s6 =	simm.s32 @!p1 $0x1082;
	[sflag:s4] =	ssyncset.s32 $0xFFFFF086  }
0x25: {  	[simem:s6], [sflag:s4] =	dma.local [hbm:s3], $0xF7A  }
0x26: {  	[smem:$0x3F9B] =	sst s1;
	(tag) =	ssettag s2;
	_ =	strace s9  }
0x27: {  	s1 =	sld [smem:$0x3FAB]  }
0x28: {  	s2 =	sld [smem:$0x3FAC]  }
0x29: {  	s4 =	sld [smem:$0x3FAE]  }
0x2a: {  	p0 =	seq.s32 s5, $0x0;
	s5 =	sld [smem:$0x3FAF]  }
0x2b: {  	s6 =	sld [smem:$0x3FB0]  }
0x2c: {  	s7 =	sld [smem:$0x3FB1]  }
0x2d: {  	s3 =	simm.s32 $0x108;
	s8 =	sld [smem:$0x3FB2]  }
0x2e: {  	s3 =	simm.s32 @!p0 $0x1082;
	s9 =	sld [smem:$0x3FB3]  }
0x2f: {  	lr =	sadd.s32 s0, s3;
	s0 =	sld [smem:$0x3FAA]  }
0x30: {  	s3 =	sld [smem:$0x3FAD]  }
0x31: {  	[smem:$0x3FB6] =	sst s10  }
0x32: {  	s10 =	sld [smem:$0x3FB4];
	_ =	sdelay $0x3  }
0x33: {  	p0 =	seq.s32 s10, $0x1;
	s10 =	sld [smem:$0x3FB6];
	_ =	sdelay $0x3  }
0x34: {  	[smem:$0x3FB6] =	sst s10  }
0x35: {  	s10 =	sld [smem:$0x3FB5];
	_ =	sdelay $0x3  }
0x36: {  	p1 =	seq.s32 s10, $0x1;
	s10 =	sld [smem:$0x3FB6];
	_ =	sdelay $0x3  }
0x37: {  	[smem:$0x3FB6] =	sst s10  }
0x38: {  	s10 =	sld [smem:$0x3FB7]  }
0x39: {  	_ = 	snop;
	(pc) =	sbr.ind lr, $3  }
0x3a: {  	_ = 	snop  }
0x3b: {  	_ = 	snop  }
0x3c: {  	p2 =	seq.s32 s10, $0x1;
	s10 =	sld [smem:$0x3FB6]  }
0x3d: {  	_ =	shalt  }
0x3e: {  	_ =	shalt  }
0x3f: {  	_ =	shalt  }
0x40: {  	_ =	shalt  }
0x41: {  	_ =	shalt  }
0x42: {  	_ =	shalt  }
0x43: {  	_ =	shalt  }
0x44: {  	_ =	shalt  }
0x45: {  	_ =	shalt  }
0x46: {  	_ =	shalt  }
0x47: {  	_ =	shalt  }
0x48: {  	_ =	shalt  }
0x49: {  	_ =	shalt  }
0x4a: {  	_ =	shalt  }
0x4b: {  	_ =	shalt  }
0x4c: {  	_ =	shalt  }
0x4d: {  	_ =	shalt  }
0x4e: {  	_ =	shalt  }
0x4f: {  	_ =	shalt  }
0x50: {  	_ =	shalt  }
0x51: {  	_ =	shalt  }
0x52: {  	_ =	shalt  }
0x53: {  	_ =	shalt  }
0x54: {  	_ =	shalt  }
0x55: {  	_ =	shalt  }
0x56: {  	_ =	shalt  }
0x57: {  	_ =	shalt  }
0x58: {  	_ =	shalt  }
0x59: {  	_ =	shalt  }
0x5a: {  	_ =	shalt  }
0x5b: {  	_ =	shalt  }
0x5c: {  	_ =	shalt  }
0x5d: {  	_ =	shalt  }
0x5e: {  	_ =	shalt  }
0x5f: {  	_ =	shalt  }
0x60: {  	_ =	shalt  }
0x61: {  	_ =	shalt  }
0x62: {  	_ =	shalt  }
0x63: {  	_ =	shalt  }
0x64: {  	_ =	shalt  }
0x65: {  	_ =	shalt  }
0x66: {  	_ =	shalt  }
0x67: {  	_ =	shalt  }
0x68: {  	_ =	shalt  }
0x69: {  	_ =	shalt  }
0x6a: {  	_ =	shalt  }
0x6b: {  	_ =	shalt  }
0x6c: {  	_ =	shalt  }
0x6d: {  	_ =	shalt  }
0x6e: {  	_ =	shalt  }
0x6f: {  	_ =	shalt  }
0x70: {  	_ =	shalt  }
0x71: {  	_ =	shalt  }
0x72: {  	_ =	shalt  }
0x73: {  	_ =	shalt  }
0x74: {  	_ =	shalt  }
0x75: {  	_ =	shalt  }
0x76: {  	_ =	shalt  }
0x77: {  	_ =	shalt  }
0x78: {  	_ =	shalt  }
0x79: {  	_ =	shalt  }
0x7a: {  	_ =	shalt  }
0x7b: {  	_ =	shalt  }
0x7c: {  	_ =	shalt  }
0x7d: {  	_ =	shalt  }
0x7e: {  	_ =	shalt  }
0x7f: {  	_ =	shalt  }
0x80: {  	_ =	shalt  }
0x81: {  	_ =	shalt  }
0x82: {  	_ =	shalt  }
0x83: {  	_ =	shalt  }
0x84: {  	_ =	shalt  }
0x85: {  	_ =	shalt  }
0x86: {  	_ =	shalt  }
0x87: {  	_ =	shalt  }
.Lfunc_end0:
.L_simem_size_0:
called_computation.1_lowered:
.L_overlay_start_0:
0x88: {  	s2 =	sld [smem:$0x3FD9]  }
0x89: {  	s3 =	sld [smem:$0x3FFE];
	_ =	sdelay $0x1  }
0x8a: {  	s1 =	srdreg.scid  }
0x8b: {  	s0 =	sand.u32 $0x1, s1  }
0x8c: {  	s16 =	sshll.u32 s0, $0xA;
	s2 =	sadd.s32 s3, s2  }
0x8d: {  	s2 =	sadd.s32 s2, s16  }
0x8e: {  	[smem:$0x3FC2] =	sst s2  }
0x8f: {  	_ = 	snop  }
0x90: {  	(tm) =	ssettm $0x1  }
0x91: {  	s17 =	sld [smem:$0x3FFB];
	_ =	sdelay $0x3  }
0x92: {  	_ =	strace s17  }
0x93: {  	s2 =	sld [smem:$0x3FFC];
	_ =	sdelay $0x3  }
0x94: {  	_ =	strace s2  }
0x95: {  	s2 =	sld [smem:$0x3FFD];
	_ =	sdelay $0x3  }
0x96: {  	_ =	strace s2  }
0x97: {  	_ =	strace $0x8FFFFFFF  }
0x98: {  	s18 =	sld [smem:$0x3FDB];
	_ =	sdelay $0x1  }
0x99: {  	s19 =	simm.s32 $_scs_section_size  }
0x9a: {  	s4 =	simm.s32 $_size__tile_overlayer_lowered;
	s5 =	simm.s32 $_tile_overlayer_lowered  }
0x9b: {  	s22 =	simm.s32 $0x1BFF;
	s21 =	sshll.u32 s5, $0x1;
	s2 =	sadd.s32 s19, s18  }
0x9c: {  	s6 =	simm.s32 $0x0;
	s20 =	sshll.u32 s4, $0x1;
	s4 =	sadd.s32 s21, s2  }
0x9d: {  	[timem:s6], [sflag:s22] =	dma.local [hbm:s4], s20  }
0x9e: {  	_ =	swait.ge [sflag:s22], s20  }
0x9f: {  	s3 =	ssub.s32 $0x0, s20;
	[sflag:s22] =	ssyncset.done $0x0  }
0xa0: {  	[sflag:s22] =	ssyncadd.s32 s3;
	_ =	sdelay $0x1  }
0xa1: {  	s23 =	simm.s32 $0x1B8B  }
0xa2: {  	_ =	swait.ge [sflag:s23], $0x1  }
0xa3: {  	[sflag:s23] =	ssyncset.done $0x0  }
0xa4: {  	s25 =	simm.s32 $0x1B8E;
	s24 =	sld [smem:$0x3FFE];
	[sflag:s23] =	ssyncadd.s32 $0xFFFFFFFF  }
0xa5: {  	s26 =	simm.s32 $execute0_lowered;
	[smem:$0x3FD2] =	sst s25  }
0xa6: {  	s4 =	sshll.u32 s26, $0x1;
	_ =	strace $0x80000049;
	[dreg:$0x1] =	wrdreg $0xFFFFFFFF  }
0xa7: {  	s28 =	simm.s32 $_size_execute0_lowered;
	s2 =	sadd.s32 s2, s4;
	[dreg:$0x0] =	wrdreg $0x0  }
0xa8: {  	s4 =	sshll.u32 s28, $0x1;
	[dreg:$0x2] =	wrdreg s2  }
0xa9: {  	[dreg:$0x3] =	wrdreg s4  }
0xaa: {  	[dreg:$0x4] =	wrdreg $0xC0  }
0xab: {  	_ =	task [dreg:s6], $0x5FFFF  }
0xac: {  	[dreg:$0x1] =	wrdreg $0xFFFFFFFF  }
0xad: {  	[dreg:$0x0] =	wrdreg $0x60  }
0xae: {  	[dreg:$0x2] =	wrdreg s24  }
0xaf: {  	[dreg:$0x3] =	wrdreg $0x81600  }
0xb0: {  	[dreg:$0x4] =	wrdreg $0x1C1600  }
0xb1: {  	[dreg:$0x5] =	wrdreg $0x9  }
0xb2: {  	_ =	task.clear_ibuf [dreg:s6], $0x6FFFF;
	_ =	strace $0x90000049  }
0xb3: {  	s29 =	simm.s32 $0x9;
	_ =	strace $0x8000004B  }
0xb4: {  	_ =	swait.ge [sflag:s29], $0x1  }
0xb5: {  	[sflag:s29] =	ssyncadd.s32 $0xFFFFFFFF  }
0xb6: {  	_ =	strace $0x9000004B  }
0xb7: {  	_ =	sfence  }
0xb8: {  	s30 =	sld [smem:$0x0];
	_ =	sdelay $0x2  }
0xb9: {  	s31 =	sshll.u32 s1, $0xD;
	s1 =	sshrl.u32 s1, $0x2  }
0xba: {  	s3 =	sand.u32 $0x4000, s31;
	s1 =	sadd.s32 s1, s30  }
0xbb: {  	s0 =	sor.u32 s3, s0;
	s1 =	sshll.u32 s1, $0x11  }
0xbc: {  	s0 =	sor.u32 s1, s0  }
0xbd: {  	s0 =	sadd.s32 $0x8F2B, s0  }
0xbe: {  	[sflag:s0] =	ssyncadd.remote.s32 $0x1  }
0xbf: {  	_ =	sfence.sel $0xFFFF  }
0xc0: {  	[dreg:$0x0] =	wrdreg $0xFFFFFFFF;
	(pc) =	sbr.abs _section_cstart, $3  }
0xc1: {  	[dreg:$0x1] =	wrdreg $0xFFFFFFFF  }
0xc2: {  	_ =	task.clear_ibuf [dreg:s6], $0x2FFFF;
	_ =	strace $0x9FFFFFFF  }
0xc3: {  	(tm) =	ssettm $0x7FFFFFFF  }
tec
execute0_lowered:
.L_overlay_start_1:
0x0: {  	(tag) =	ssettag $0x1  }
0x1: {  	s0 =	rddreg [dreg:$0x0]  }
0x2: {  	s2 =	rddreg [dreg:$0x1];
	s1 =	srdreg.scid  }
0x3: {  	s16 =	stileid.u32;
	s3 =	rddreg [dreg:$0x2]  }
0x4: {  	s4 =	simm.s32 $0x0;
	s29 =	simm.s32 $0x5;
	s30 =	simm.s32 $0x13B0  }
0x5: {  	s31 =	simm.s32 $0x50;
	s1 =	sand.u32 $0x1, s1;
	s11 =	smul.u32 $0x14000, s16  }
0x6: {  	s5 =	sshll.u32 s16, $0x1;
	[smem:$0x7FF] =	sst s4;
	s12 =	smul.u32 $0xA000, s16  }
0x7: {  	s6 =	sadd.s32 $0x3D400, s0;
	s9 =	sadd.s32 $0x42400, s0;
	s14 =	smul.u32 $0x280, s16  }
0x8: {  	s10 =	sadd.s32 $0x15C00, s0;
	s21 =	sshll.u32 s16, $0x6;
	s8 =	smul.u32 $0x28000, s1  }
0x9: {  	s5 =	sor.u32 s1, s5;
	_ =	strace $0x8000004A;
	s18 =	smul.u32 $0x5000, s1  }
0xa: {  	[dreg:$0x4] =	wrdreg s9;
	s22 =	sor.u32 $0x1C05, s21;
	s21 =	smul.u32 $0x2800, s16  }
0xb: {  	[dreg:$0x5] =	wrdreg s10;
	s1 =	ssub.s32 $0x2, s1;
	s5 =	smul.u32 $0x4E2, s5  }
0xc: {  	s19 =	sshrl.u32 s1, $0x1;
	s20 =	sadd.s32 s11, s2;
	s12 =	sshrl.u32 s12, $0x2  }
0xd: {  	[dreg:$0x7] =	wrdreg s22;
	s24 =	sadd.s32 $0x230, s14;
	s26 =	sadd.s32 $0x1E0, s14  }
0xe: {  	s14 =	smul.u32 $0x50000, s16;
	s8 =	sadd.s32 s8, s0;
	s1 =	ssub.s32 s1, s19  }
0xf: {  	[dreg:$0x6] =	wrdreg s20;
	s9 =	sadd.s32 s12, s3;
	s25 =	sshll.u32 s24, $0x7  }
0x10: {  	s17 =	sshll.u32 s24, $0x4;
	s20 =	smul.u32 $0x500, s16;
	s16 =	simm.s32 $0x1  }
0x11: {  	s7 =	sadd.s32 s5, s0;
	s5 =	sadd.s32 $0x16200, s0;
	s0 =	sadd.s32 s18, s0  }
0x12: {  	s10 =	sadd.s32 $0x4EC00, s8;
	s23 =	smax.u32 s1, $0x1;
	s1 =	sadd.s32 s25, s2  }
0x13: {  	s18 =	sshll.u32 s26, $0x4;
	s19 =	sshrl.u32 s14, $0x2;
	[dreg:$0xc] =	wrdreg s17  }
0x14: {  	s8 =	sshll.u32 s26, $0x1;
	s26 =	sadd.s32 s17, s3;
	[dreg:$0x8] =	wrdreg s9  }
0x15: {  	s28 =	sadd.s32 $0x500, s9;
	s17 =	simm.s32 $0x3;
	[dreg:$0xa] =	wrdreg s23  }
0x16: {  	s12 =	sadd.s32 $0xBE00, s7;
	s13 =	sadd.s32 $0x2000, s7;
	[dreg:$0xb] =	wrdreg s1  }
0x17: {  	s7 =	sshrl.u32 s11, $0x3;
	s15 =	sadd.s32 $0x44C00, s0;
	[dreg:$0x9] =	wrdreg s10  }
0x18: {  	s1 =	sadd.s32 s18, s3;
	s0 =	sshll.u32 s24, $0x1;
	[dreg:$0x11] =	wrdreg s26  }
0x19: {  	s24 =	sor.u32 $0xA0, s20;
	s11 =	simm.s32 $0x4;
	[dreg:$0xd] =	wrdreg s1  }
0x1a: {  	s1 =	sadd.s32 s2, s19;
	s23 =	sadd.s32 s7, s10;
	s25 =	sadd.s32 s8, s15  }
0x1b: {  	s0 =	sadd.s32 s0, s15;
	s7 =	simm.s32 $0x4F60;
	[dreg:$0xe] =	wrdreg s23  }
0x1c: {  	s8 =	simm.s32 $0x7C60;
	s19 =	simm.s32 $0x2;
	[dreg:$0xf] =	wrdreg s25  }
0x1d: {  	s22 =	sadd.s32 $0x5000, s1;
	s23 =	sadd.s32 s10, s21;
	[dreg:$0x10] =	wrdreg s0  }
0x1e: {  	s1 =	simm.s32 $0x2760;
	s0 =	simm.s32 $0x7760;
	s25 =	simm.s32 $0x0  }
.LBB2_1:
0x1f: {  	s9 =	rddreg [dreg:$0x6]  }
0x20: {  	s18 =	rddreg [dreg:$0x4]  }
0x21: {  	s10 =	rddreg [dreg:$0x7];
	s14 =	sshrl.u32 s9, $0x3  }
0x22: {  	[spmem:s14], [sflag:s10] =	dma.local [hbm:s18], $0x2800  }
0x23: {  	_ =	swait.ge [sflag:s29], $0x2800  }
0x24: {  	[sflag:s29] =	ssyncset.done $0x0;
	s20 =	rddreg [dreg:$0x8]  }
0x25: {  	s26 =	rddreg [dreg:$0x5];
	[sflag:s29] =	ssyncadd.s32 $0xFFFFD800;
	s21 =	sshrl.u32 s20, $0x3  }
0x26: {  	[spmem:s21], [sflag:s10] =	dma.local [hbm:s26], $0x500  }
0x27: {  	_ =	swait.ge [sflag:s29], $0x500  }
0x28: {  	[sflag:s29] =	ssyncset.done $0x0  }
0x29: {  	[sflag:s29] =	ssyncadd.s32 $0xFFFFFB00  }
0x2a: {  	[bflag:$0x0] =	sbarrier.arrive $0xFFFF  }
0x2b: {  	[tilespmem:s4], [sflag:$0x5] =	stream.linear.gather [hbm4b:s12+s4], $0x13B0, $0x38;
	[tilespmem:$0x1E960] =	vst v63  }
0x2c: {  	_ =	swait.ge [sflag:s29], $0x13B0  }
0x2d: {  	[sflag:s29] =	ssyncset.done $0x0  }
0x2e: {  	[sflag:s29] =	ssyncadd.s32 $0xFFFFEC50  }
0x2f: {  	[tilespmem:s30], [sflag:$0x5] =	stream.linear.gather [hbm4b:s13+s4], $0x13B0, $0x38;
	[tilespmem:$0x1E960] =	vst v63  }
0x30: {  	_ =	swait.ge [sflag:s29], $0x13B0  }
0x31: {  	[sflag:s29] =	ssyncset.done $0x0  }
0x32: {  	[sflag:s29] =	ssyncadd.s32 $0xFFFFEC50  }
0x33: {  	[tilespmem:s1], [sflag:$0x1] =	stream.indirect.gather [hbm4b:s5+s31], $0x80, s4, s31, $0xb8;
	[tilespmem:$0x1E960] =	vst v63  }
0x34: {  	_ = 	snop  }
0x35: {  	[tilespmem:s0], [sflag:$0x3] =	stream.indirect.gather [hbm4b:s6+s31], $0x10, s30, s31, $0xb8;
	[tilespmem:$0x1E960] =	vst v63  }
0x36: {  	s9 =	simm.s32 $0x50  }
0x37: {  	[tilespmem:s7], [sflag:$0x2] =	stream.indirect.gather [hbm4b:s5+s31], $0x80, s9, s31, $0xb8;
	[tilespmem:$0x1E960] =	vst v63  }
0x38: {  	s18 =	simm.s32 $0x1400  }
0x39: {  	[tilespmem:s8], [sflag:$0x4] =	stream.indirect.gather [hbm4b:s6+s31], $0x10, s18, s31, $0xb8;
	[tilespmem:$0x1E960] =	vst v63  }
0x3a: {  	_ =	swait.ge [sflag:s16], $0x2800  }
0x3b: {  	[sflag:s16] =	ssyncset.done $0x0  }
0x3c: {  	[sflag:s16] =	ssyncadd.s32 $0xFFFFD800  }
0x3d: {  	_ =	swait.ge [sflag:s17], $0x500  }
0x3e: {  	[sflag:s17] =	ssyncset.done $0x0  }
0x3f: {  	s20 =	simm.s32 $0x13B0;
	[sflag:s17] =	ssyncadd.s32 $0xFFFFFB00  }
0x40: {  	[spmem:s2] =	stream.indirect.scatter.add.f32 [tilespmem:s1], [sflag:$0x5], $0x80, s20, s31, $0xb8;
	[tilespmem:$0x1E960] =	vst v63  }
0x41: {  	_ =	swait.ge [sflag:s29], $0x2800  }
0x42: {  	[sflag:s29] =	ssyncset.done $0x0  }
0x43: {  	s10 =	simm.s32 $0x0;
	[sflag:s29] =	ssyncadd.s32 $0xFFFFD800  }
0x44: {  	[spmem:s3] =	stream.indirect.scatter.add.f32 [tilespmem:s0], [sflag:$0x5], $0x10, s10, s31, $0xb8;
	[tilespmem:$0x1E960] =	vst v63  }
0x45: {  	_ =	swait.ge [sflag:s29], $0x500  }
0x46: {  	[sflag:s29] =	ssyncset.done $0x0  }
0x47: {  	s21 =	simm.s32 $0xA0;
	[sflag:s29] =	ssyncadd.s32 $0xFFFFFB00  }
0x48: {  	[tilespmem:s1], [sflag:$0x1] =	stream.indirect.gather [hbm4b:s5+s31], $0x80, s21, s31, $0xb8;
	[tilespmem:$0x1E960] =	vst v63  }
0x49: {  	s26 =	simm.s32 $0x1450  }
0x4a: {  	[tilespmem:s0], [sflag:$0x3] =	stream.indirect.gather [hbm4b:s6+s31], $0x10, s26, s31, $0xb8;
	[tilespmem:$0x1E960] =	vst v63  }
0x4b: {  	_ =	swait.ge [sflag:s19], $0x2800  }
0x4c: {  	[sflag:s19] =	ssyncset.done $0x0  }
0x4d: {  	[sflag:s19] =	ssyncadd.s32 $0xFFFFD800  }
0x4e: {  	_ =	swait.ge [sflag:s11], $0x500  }
0x4f: {  	[sflag:s11] =	ssyncset.done $0x0  }
0x50: {  	[sflag:s11] =	ssyncadd.s32 $0xFFFFFB00  }
0x51: {  	[spmem:s2] =	stream.indirect.scatter.add.f32 [tilespmem:s7], [sflag:$0x5], $0x80, s18, s31, $0xb8;
	[tilespmem:$0x1E960] =	vst v63  }
0x52: {  	_ =	swait.ge [sflag:s29], $0x2800  }
0x53: {  	[sflag:s29] =	ssyncset.done $0x0  }
0x54: {  	[sflag:s29] =	ssyncadd.s32 $0xFFFFD800  }
0x55: {  	[spmem:s3] =	stream.indirect.scatter.add.f32 [tilespmem:s8], [sflag:$0x5], $0x10, s9, s31, $0xb8;
	[tilespmem:$0x1E960] =	vst v63  }
0x56: {  	_ =	swait.ge [sflag:s29], $0x500  }
0x57: {  	s20 =	simm.s32 $0x500;
	s18 =	simm.s32 $0xA0;
	[sflag:s29] =	ssyncset.done $0x0  }
.LBB2_2:
0x58: {  	s26 =	sadd.s32 $0x50, s18  }
0x59: {  	[sflag:s29] =	ssyncadd.s32 $0xFFFFFB00;
	s21 =	smov.u32 s20;
	s14 =	sadd.s32 $0x280, s20  }
0x5a: {  	[tilespmem:s7], [sflag:$0x2] =	stream.indirect.gather [hbm4b:s5+s31], $0x80, s26, s31, $0xb8;
	[tilespmem:$0x1E960] =	vst v63  }
0x5b: {  	p0 =	sne.s32 s20, $0x4B00;
	s20 =	sadd.s32 $0x1400, s18  }
0x5c: {  	[tilespmem:s8], [sflag:$0x4] =	stream.indirect.gather [hbm4b:s6+s31], $0x10, s20, s31, $0xb8;
	[tilespmem:$0x1E960] =	vst v63  }
0x5d: {  	_ =	swait.ge [sflag:s16], $0x2800  }
0x5e: {  	[sflag:s16] =	ssyncset.done $0x0  }
0x5f: {  	[sflag:s16] =	ssyncadd.s32 $0xFFFFD800  }
0x60: {  	_ =	swait.ge [sflag:s17], $0x500  }
0x61: {  	[sflag:s17] =	ssyncset.done $0x0  }
0x62: {  	s9 =	sadd.s32 $0x13B0, s18;
	[sflag:s17] =	ssyncadd.s32 $0xFFFFFB00  }
0x63: {  	[spmem:s2] =	stream.indirect.scatter.add.f32 [tilespmem:s1], [sflag:$0x5], $0x80, s9, s31, $0xb8;
	[tilespmem:$0x1E960] =	vst v63  }
0x64: {  	_ =	swait.ge [sflag:s29], $0x2800  }
0x65: {  	[sflag:s29] =	ssyncset.done $0x0  }
0x66: {  	[sflag:s29] =	ssyncadd.s32 $0xFFFFD800  }
0x67: {  	[spmem:s3] =	stream.indirect.scatter.add.f32 [tilespmem:s0], [sflag:$0x5], $0x10, s18, s31, $0xb8;
	[tilespmem:$0x1E960] =	vst v63  }
0x68: {  	_ =	swait.ge [sflag:s29], $0x500  }
0x69: {  	[sflag:s29] =	ssyncset.done $0x0  }
0x6a: {  	s9 =	sadd.s32 $0xA0, s18;
	[sflag:s29] =	ssyncadd.s32 $0xFFFFFB00  }
0x6b: {  	[tilespmem:s1], [sflag:$0x1] =	stream.indirect.gather [hbm4b:s5+s31], $0x80, s9, s31, $0xb8;
	[tilespmem:$0x1E960] =	vst v63  }
0x6c: {  	s9 =	sadd.s32 $0x1450, s18  }
0x6d: {  	[tilespmem:s0], [sflag:$0x3] =	stream.indirect.gather [hbm4b:s6+s31], $0x10, s9, s31, $0xb8;
	[tilespmem:$0x1E960] =	vst v63  }
0x6e: {  	_ =	swait.ge [sflag:s19], $0x2800  }
0x6f: {  	[sflag:s19] =	ssyncset.done $0x0  }
0x70: {  	[sflag:s19] =	ssyncadd.s32 $0xFFFFD800  }
0x71: {  	_ =	swait.ge [sflag:s11], $0x500  }
0x72: {  	[sflag:s11] =	ssyncset.done $0x0  }
0x73: {  	[sflag:s11] =	ssyncadd.s32 $0xFFFFFB00  }
0x74: {  	[spmem:s2] =	stream.indirect.scatter.add.f32 [tilespmem:s7], [sflag:$0x5], $0x80, s20, s31, $0xb8;
	[tilespmem:$0x1E960] =	vst v63  }
0x75: {  	_ =	swait.ge [sflag:s29], $0x2800  }
.Ltmp0:
0x76: {  	[sflag:s29] =	ssyncset.done $0x0;
	(pc) =	sbr.rel @p0 .LBB2_2-.Ltmp0, $4  }
0x77: {  	[sflag:s29] =	ssyncadd.s32 $0xFFFFD800  }
0x78: {  	[spmem:s3] =	stream.indirect.scatter.add.f32 [tilespmem:s8], [sflag:$0x5], $0x10, s26, s31, $0xb8;
	[tilespmem:$0x1E960] =	vst v63  }
0x79: {  	_ =	swait.ge [sflag:s29], $0x500  }
0x7a: {  	s18 =	sshra.s32 s21, $0x2;
	s20 =	smov.u32 s14;
	[sflag:s29] =	ssyncset.done $0x0  }
0x7b: {  	s9 =	sadd.s32 $0x50, s18;
	[sflag:s29] =	ssyncadd.s32 $0xFFFFFB00  }
0x7c: {  	[tilespmem:s7], [sflag:$0x2] =	stream.indirect.gather [hbm4b:s5+s31], $0x80, s9, s31, $0xb8;
	[tilespmem:$0x1E960] =	vst v63  }
0x7d: {  	s14 =	sadd.s32 $0x1400, s18  }
0x7e: {  	[tilespmem:s8], [sflag:$0x4] =	stream.indirect.gather [hbm4b:s6+s31], $0x10, s14, s31, $0xb8;
	[tilespmem:$0x1E960] =	vst v63  }
0x7f: {  	_ =	swait.ge [sflag:s16], $0x2800  }
0x80: {  	[sflag:s16] =	ssyncset.done $0x0  }
0x81: {  	[sflag:s16] =	ssyncadd.s32 $0xFFFFD800  }
0x82: {  	_ =	swait.ge [sflag:s17], $0x500  }
0x83: {  	[sflag:s17] =	ssyncset.done $0x0  }
0x84: {  	s20 =	sadd.s32 $0x13B0, s18;
	[sflag:s17] =	ssyncadd.s32 $0xFFFFFB00  }
0x85: {  	[spmem:s2] =	stream.indirect.scatter.add.f32 [tilespmem:s1], [sflag:$0x5], $0x80, s20, s31, $0xb8;
	[tilespmem:$0x1E960] =	vst v63  }
0x86: {  	_ =	swait.ge [sflag:s29], $0x2800  }
0x87: {  	[sflag:s29] =	ssyncset.done $0x0  }
0x88: {  	[sflag:s29] =	ssyncadd.s32 $0xFFFFD800  }
0x89: {  	[spmem:s3] =	stream.indirect.scatter.add.f32 [tilespmem:s0], [sflag:$0x5], $0x10, s18, s31, $0xb8;
	[tilespmem:$0x1E960] =	vst v63  }
0x8a: {  	_ =	swait.ge [sflag:s29], $0x500  }
0x8b: {  	[sflag:s29] =	ssyncset.done $0x0  }
0x8c: {  	s26 =	sadd.s32 $0xA0, s18;
	[sflag:s29] =	ssyncadd.s32 $0xFFFFFB00  }
0x8d: {  	[tilespmem:s1], [sflag:$0x1] =	stream.indirect.gather [hbm4b:s5+s31], $0x80, s26, s31, $0xb8;
	[tilespmem:$0x1E960] =	vst v63  }
0x8e: {  	s10 =	sadd.s32 $0x1450, s18  }
0x8f: {  	[tilespmem:s0], [sflag:$0x3] =	stream.indirect.gather [hbm4b:s6+s31], $0x10, s10, s31, $0xb8;
	[tilespmem:$0x1E960] =	vst v63  }
0x90: {  	_ =	swait.ge [sflag:s19], $0x2800  }
0x91: {  	[sflag:s19] =	ssyncset.done $0x0  }
0x92: {  	[sflag:s19] =	ssyncadd.s32 $0xFFFFD800  }
0x93: {  	_ =	swait.ge [sflag:s11], $0x500  }
0x94: {  	[sflag:s11] =	ssyncset.done $0x0  }
0x95: {  	[sflag:s11] =	ssyncadd.s32 $0xFFFFFB00  }
0x96: {  	[spmem:s2] =	stream.indirect.scatter.add.f32 [tilespmem:s7], [sflag:$0x5], $0x80, s14, s31, $0xb8;
	[tilespmem:$0x1E960] =	vst v63  }
0x97: {  	_ =	swait.ge [sflag:s29], $0x2800  }
0x98: {  	[sflag:s29] =	ssyncset.done $0x0  }
0x99: {  	[sflag:s29] =	ssyncadd.s32 $0xFFFFD800  }
0x9a: {  	[spmem:s3] =	stream.indirect.scatter.add.f32 [tilespmem:s8], [sflag:$0x5], $0x10, s9, s31, $0xb8;
	[tilespmem:$0x1E960] =	vst v63  }
0x9b: {  	_ =	swait.ge [sflag:s29], $0x500  }
0x9c: {  	[sflag:s29] =	ssyncset.done $0x0  }
0x9d: {  	[sflag:s29] =	ssyncadd.s32 $0xFFFFFB00  }
0x9e: {  	_ =	swait.ge [sflag:s16], $0x2800  }
0x9f: {  	[sflag:s16] =	ssyncset.done $0x0  }
0xa0: {  	[sflag:s16] =	ssyncadd.s32 $0xFFFFD800  }
0xa1: {  	_ =	swait.ge [sflag:s17], $0x500  }
0xa2: {  	[sflag:s17] =	ssyncset.done $0x0  }
0xa3: {  	s14 =	simm.s32 $0x2710;
	[sflag:s17] =	ssyncadd.s32 $0xFFFFFB00  }
0xa4: {  	[spmem:s2] =	stream.indirect.scatter.add.f32 [tilespmem:s1], [sflag:$0x5], $0x80, s14, s31, $0xb8;
	[tilespmem:$0x1E960] =	vst v63  }
0xa5: {  	_ =	swait.ge [sflag:s29], $0x2800  }
0xa6: {  	[sflag:s29] =	ssyncset.done $0x0  }
0xa7: {  	s18 =	simm.s32 $0x1360;
	[sflag:s29] =	ssyncadd.s32 $0xFFFFD800  }
0xa8: {  	[spmem:s3] =	stream.indirect.scatter.add.f32 [tilespmem:s0], [sflag:$0x5], $0x10, s18, s31, $0xb8;
	[tilespmem:$0x1E960] =	vst v63  }
0xa9: {  	_ =	swait.ge [sflag:s29], $0x500  }
0xaa: {  	[sflag:s29] =	ssyncset.done $0x0  }
0xab: {  	s21 =	simm.s32 $0x0;
	s20 =	sadd.s32 $0x276, s12;
	[sflag:s29] =	ssyncadd.s32 $0xFFFFFB00  }
0xac: {  	[tilespmem:s21], [sflag:$0x5] =	stream.linear.gather [hbm4b:s20+s21], $0x1360, $0x38;
	[tilespmem:$0x1E960] =	vst v63  }
0xad: {  	_ =	swait.ge [sflag:s29], $0x1360  }
0xae: {  	[sflag:s29] =	ssyncset.done $0x0  }
0xaf: {  	s26 =	sadd.s32 $0x276, s13;
	[sflag:s29] =	ssyncadd.s32 $0xFFFFECA0  }
0xb0: {  	[tilespmem:s30], [sflag:$0x5] =	stream.linear.gather [hbm4b:s26+s21], $0x1360, $0x38;
	[tilespmem:$0x1E960] =	vst v63  }
0xb1: {  	_ =	swait.ge [sflag:s29], $0x1360  }
0xb2: {  	[sflag:s29] =	ssyncset.done $0x0  }
0xb3: {  	[sflag:s29] =	ssyncadd.s32 $0xFFFFECA0  }
0xb4: {  	[tilespmem:s1], [sflag:$0x1] =	stream.indirect.gather [hbm4b:s5+s31], $0x80, s21, s31, $0xb8;
	[tilespmem:$0x1E960] =	vst v63  }
0xb5: {  	_ = 	snop  }
0xb6: {  	[tilespmem:s0], [sflag:$0x3] =	stream.indirect.gather [hbm4b:s6+s31], $0x10, s30, s31, $0xb8;
	[tilespmem:$0x1E960] =	vst v63  }
0xb7: {  	s9 =	simm.s32 $0x50  }
0xb8: {  	[tilespmem:s7], [sflag:$0x2] =	stream.indirect.gather [hbm4b:s5+s31], $0x80, s9, s31, $0xb8;
	[tilespmem:$0x1E960] =	vst v63  }
0xb9: {  	s14 =	simm.s32 $0x1400  }
0xba: {  	[tilespmem:s8], [sflag:$0x4] =	stream.indirect.gather [hbm4b:s6+s31], $0x10, s14, s31, $0xb8;
	[tilespmem:$0x1E960] =	vst v63  }
0xbb: {  	_ =	swait.ge [sflag:s16], $0x2800  }
0xbc: {  	[sflag:s16] =	ssyncset.done $0x0  }
0xbd: {  	[sflag:s16] =	ssyncadd.s32 $0xFFFFD800  }
0xbe: {  	_ =	swait.ge [sflag:s17], $0x500  }
0xbf: {  	[sflag:s17] =	ssyncset.done $0x0  }
0xc0: {  	s10 =	simm.s32 $0x13B0;
	[sflag:s17] =	ssyncadd.s32 $0xFFFFFB00  }
0xc1: {  	[spmem:s2] =	stream.indirect.scatter.add.f32 [tilespmem:s1], [sflag:$0x5], $0x80, s10, s31, $0xb8;
	[tilespmem:$0x1E960] =	vst v63  }
0xc2: {  	_ =	swait.ge [sflag:s29], $0x2800  }
0xc3: {  	[sflag:s29] =	ssyncset.done $0x0  }
0xc4: {  	s20 =	simm.s32 $0x0;
	[sflag:s29] =	ssyncadd.s32 $0xFFFFD800  }
0xc5: {  	[spmem:s3] =	stream.indirect.scatter.add.f32 [tilespmem:s0], [sflag:$0x5], $0x10, s20, s31, $0xb8;
	[tilespmem:$0x1E960] =	vst v63  }
0xc6: {  	_ =	swait.ge [sflag:s29], $0x500  }
0xc7: {  	[sflag:s29] =	ssyncset.done $0x0  }
0xc8: {  	s21 =	simm.s32 $0xA0;
	[sflag:s29] =	ssyncadd.s32 $0xFFFFFB00  }
0xc9: {  	[tilespmem:s1], [sflag:$0x1] =	stream.indirect.gather [hbm4b:s5+s31], $0x80, s21, s31, $0xb8;
	[tilespmem:$0x1E960] =	vst v63  }
0xca: {  	s26 =	simm.s32 $0x1450  }
0xcb: {  	[tilespmem:s0], [sflag:$0x3] =	stream.indirect.gather [hbm4b:s6+s31], $0x10, s26, s31, $0xb8;
	[tilespmem:$0x1E960] =	vst v63  }
0xcc: {  	_ =	swait.ge [sflag:s19], $0x2800  }
0xcd: {  	[sflag:s19] =	ssyncset.done $0x0  }
0xce: {  	[sflag:s19] =	ssyncadd.s32 $0xFFFFD800  }
0xcf: {  	_ =	swait.ge [sflag:s11], $0x500  }
0xd0: {  	[sflag:s11] =	ssyncset.done $0x0  }
0xd1: {  	[sflag:s11] =	ssyncadd.s32 $0xFFFFFB00  }
0xd2: {  	[spmem:s2] =	stream.indirect.scatter.add.f32 [tilespmem:s7], [sflag:$0x5], $0x80, s14, s31, $0xb8;
	[tilespmem:$0x1E960] =	vst v63  }
0xd3: {  	_ =	swait.ge [sflag:s29], $0x2800  }
0xd4: {  	[sflag:s29] =	ssyncset.done $0x0  }
0xd5: {  	[sflag:s29] =	ssyncadd.s32 $0xFFFFD800  }
0xd6: {  	[spmem:s3] =	stream.indirect.scatter.add.f32 [tilespmem:s8], [sflag:$0x5], $0x10, s9, s31, $0xb8;
	[tilespmem:$0x1E960] =	vst v63  }
0xd7: {  	_ =	swait.ge [sflag:s29], $0x500  }
0xd8: {  	s18 =	simm.s32 $0xA0;
	s14 =	simm.s32 $0x500;
	[sflag:s29] =	ssyncset.done $0x0  }
.LBB2_4:
0xd9: {  	s26 =	sadd.s32 $0x50, s18  }
0xda: {  	[sflag:s29] =	ssyncadd.s32 $0xFFFFFB00;
	s21 =	smov.u32 s14;
	s20 =	sadd.s32 $0x280, s14  }
0xdb: {  	[tilespmem:s7], [sflag:$0x2] =	stream.indirect.gather [hbm4b:s5+s31], $0x80, s26, s31, $0xb8;
	[tilespmem:$0x1E960] =	vst v63  }
0xdc: {  	p0 =	sne.s32 s14, $0x4880;
	s9 =	sadd.s32 $0x1400, s18  }
0xdd: {  	[tilespmem:s8], [sflag:$0x4] =	stream.indirect.gather [hbm4b:s6+s31], $0x10, s9, s31, $0xb8;
	[tilespmem:$0x1E960] =	vst v63  }
0xde: {  	_ =	swait.ge [sflag:s16], $0x2800  }
0xdf: {  	[sflag:s16] =	ssyncset.done $0x0  }
0xe0: {  	[sflag:s16] =	ssyncadd.s32 $0xFFFFD800  }
0xe1: {  	_ =	swait.ge [sflag:s17], $0x500  }
0xe2: {  	[sflag:s17] =	ssyncset.done $0x0  }
0xe3: {  	s14 =	sadd.s32 $0x13B0, s18;
	[sflag:s17] =	ssyncadd.s32 $0xFFFFFB00  }
0xe4: {  	[spmem:s2] =	stream.indirect.scatter.add.f32 [tilespmem:s1], [sflag:$0x5], $0x80, s14, s31, $0xb8;
	[tilespmem:$0x1E960] =	vst v63  }
0xe5: {  	_ =	swait.ge [sflag:s29], $0x2800  }
0xe6: {  	[sflag:s29] =	ssyncset.done $0x0  }
0xe7: {  	[sflag:s29] =	ssyncadd.s32 $0xFFFFD800  }
0xe8: {  	[spmem:s3] =	stream.indirect.scatter.add.f32 [tilespmem:s0], [sflag:$0x5], $0x10, s18, s31, $0xb8;
	[tilespmem:$0x1E960] =	vst v63  }
0xe9: {  	_ =	swait.ge [sflag:s29], $0x500  }
0xea: {  	[sflag:s29] =	ssyncset.done $0x0  }
0xeb: {  	s14 =	sadd.s32 $0xA0, s18;
	[sflag:s29] =	ssyncadd.s32 $0xFFFFFB00  }
0xec: {  	[tilespmem:s1], [sflag:$0x1] =	stream.indirect.gather [hbm4b:s5+s31], $0x80, s14, s31, $0xb8;
	[tilespmem:$0x1E960] =	vst v63  }
0xed: {  	s14 =	sadd.s32 $0x1450, s18  }
0xee: {  	[tilespmem:s0], [sflag:$0x3] =	stream.indirect.gather [hbm4b:s6+s31], $0x10, s14, s31, $0xb8;
	[tilespmem:$0x1E960] =	vst v63  }
0xef: {  	_ =	swait.ge [sflag:s19], $0x2800  }
0xf0: {  	[sflag:s19] =	ssyncset.done $0x0  }
0xf1: {  	[sflag:s19] =	ssyncadd.s32 $0xFFFFD800  }
0xf2: {  	_ =	swait.ge [sflag:s11], $0x500  }
0xf3: {  	[sflag:s11] =	ssyncset.done $0x0  }
0xf4: {  	[sflag:s11] =	ssyncadd.s32 $0xFFFFFB00  }
0xf5: {  	[spmem:s2] =	stream.indirect.scatter.add.f32 [tilespmem:s7], [sflag:$0x5], $0x80, s9, s31, $0xb8;
	[tilespmem:$0x1E960] =	vst v63  }
0xf6: {  	_ =	swait.ge [sflag:s29], $0x2800  }
.Ltmp1:
0xf7: {  	[sflag:s29] =	ssyncset.done $0x0;
	(pc) =	sbr.rel @p0 .LBB2_4-.Ltmp1, $4  }
0xf8: {  	[sflag:s29] =	ssyncadd.s32 $0xFFFFD800  }
0xf9: {  	[spmem:s3] =	stream.indirect.scatter.add.f32 [tilespmem:s8], [sflag:$0x5], $0x10, s26, s31, $0xb8;
	[tilespmem:$0x1E960] =	vst v63  }
0xfa: {  	_ =	swait.ge [sflag:s29], $0x500  }
0xfb: {  	s18 =	sshra.s32 s21, $0x2;
	s14 =	smov.u32 s20;
	[sflag:s29] =	ssyncset.done $0x0  }
0xfc: {  	s9 =	sadd.s32 $0x50, s18;
	[sflag:s29] =	ssyncadd.s32 $0xFFFFFB00  }
0xfd: {  	[tilespmem:s7], [sflag:$0x2] =	stream.indirect.gather [hbm4b:s5+s31], $0x80, s9, s31, $0xb8;
	[tilespmem:$0x1E960] =	vst v63  }
0xfe: {  	s14 =	sadd.s32 $0x1400, s18  }
0xff: {  	[tilespmem:s8], [sflag:$0x4] =	stream.indirect.gather [hbm4b:s6+s31], $0x10, s14, s31, $0xb8;
	[tilespmem:$0x1E960] =	vst v63  }
0x100: {  	_ =	swait.ge [sflag:s16], $0x2800  }
0x101: {  	[sflag:s16] =	ssyncset.done $0x0  }
0x102: {  	[sflag:s16] =	ssyncadd.s32 $0xFFFFD800  }
0x103: {  	_ =	swait.ge [sflag:s17], $0x500  }
0x104: {  	[sflag:s17] =	ssyncset.done $0x0  }
0x105: {  	s20 =	sadd.s32 $0x13B0, s18;
	[sflag:s17] =	ssyncadd.s32 $0xFFFFFB00  }
0x106: {  	[spmem:s2] =	stream.indirect.scatter.add.f32 [tilespmem:s1], [sflag:$0x5], $0x80, s20, s31, $0xb8;
	[tilespmem:$0x1E960] =	vst v63  }
0x107: {  	_ =	swait.ge [sflag:s29], $0x2800  }
0x108: {  	[sflag:s29] =	ssyncset.done $0x0  }
0x109: {  	[sflag:s29] =	ssyncadd.s32 $0xFFFFD800  }
0x10a: {  	[spmem:s3] =	stream.indirect.scatter.add.f32 [tilespmem:s0], [sflag:$0x5], $0x10, s18, s31, $0xb8;
	[tilespmem:$0x1E960] =	vst v63  }
0x10b: {  	_ =	swait.ge [sflag:s29], $0x500  }
0x10c: {  	[sflag:s29] =	ssyncset.done $0x0  }
0x10d: {  	s10 =	sadd.s32 $0xA0, s18;
	[sflag:s29] =	ssyncadd.s32 $0xFFFFFB00  }
0x10e: {  	[tilespmem:s1], [sflag:$0x1] =	stream.indirect.gather [hbm4b:s5+s31], $0x80, s10, s31, $0xb8;
	[tilespmem:$0x1E960] =	vst v63  }
0x10f: {  	s21 =	sadd.s32 $0x1450, s18  }
0x110: {  	[tilespmem:s0], [sflag:$0x3] =	stream.indirect.gather [hbm4b:s6+s31], $0x10, s21, s31, $0xb8;
	[tilespmem:$0x1E960] =	vst v63  }
0x111: {  	_ =	swait.ge [sflag:s19], $0x2800  }
0x112: {  	[sflag:s19] =	ssyncset.done $0x0  }
0x113: {  	[sflag:s19] =	ssyncadd.s32 $0xFFFFD800  }
0x114: {  	_ =	swait.ge [sflag:s11], $0x500  }
0x115: {  	[sflag:s11] =	ssyncset.done $0x0  }
0x116: {  	[sflag:s11] =	ssyncadd.s32 $0xFFFFFB00  }
0x117: {  	[spmem:s2] =	stream.indirect.scatter.add.f32 [tilespmem:s7], [sflag:$0x5], $0x80, s14, s31, $0xb8;
	[tilespmem:$0x1E960] =	vst v63  }
0x118: {  	_ =	swait.ge [sflag:s29], $0x2800  }
0x119: {  	[sflag:s29] =	ssyncset.done $0x0  }
0x11a: {  	[sflag:s29] =	ssyncadd.s32 $0xFFFFD800  }
0x11b: {  	[spmem:s3] =	stream.indirect.scatter.add.f32 [tilespmem:s8], [sflag:$0x5], $0x10, s9, s31, $0xb8;
	[tilespmem:$0x1E960] =	vst v63  }
0x11c: {  	_ =	swait.ge [sflag:s29], $0x500  }
0x11d: {  	[sflag:s29] =	ssyncset.done $0x0  }
0x11e: {  	[sflag:s29] =	ssyncadd.s32 $0xFFFFFB00  }
0x11f: {  	_ =	swait.ge [sflag:s16], $0x2800  }
0x120: {  	[sflag:s16] =	ssyncset.done $0x0  }
0x121: {  	[sflag:s16] =	ssyncadd.s32 $0xFFFFD800  }
0x122: {  	_ =	swait.ge [sflag:s17], $0x500  }
0x123: {  	[sflag:s17] =	ssyncset.done $0x0  }
0x124: {  	s26 =	simm.s32 $0x2670;
	[sflag:s17] =	ssyncadd.s32 $0xFFFFFB00  }
0x125: {  	[spmem:s2] =	stream.indirect.scatter.add.f32 [tilespmem:s1], [sflag:$0x5], $0x80, s26, s31, $0xb8;
	[tilespmem:$0x1E960] =	vst v63  }
0x126: {  	_ =	swait.ge [sflag:s29], $0x2800  }
0x127: {  	[sflag:s29] =	ssyncset.done $0x0  }
0x128: {  	s10 =	simm.s32 $0x12C0;
	[sflag:s29] =	ssyncadd.s32 $0xFFFFD800  }
0x129: {  	[spmem:s3] =	stream.indirect.scatter.add.f32 [tilespmem:s0], [sflag:$0x5], $0x10, s10, s31, $0xb8;
	[tilespmem:$0x1E960] =	vst v63  }
0x12a: {  	_ =	swait.ge [sflag:s29], $0x500  }
0x12b: {  	[sflag:s29] =	ssyncset.done $0x0  }
0x12c: {  	s14 =	simm.s32 $0x1310;
	[sflag:s29] =	ssyncadd.s32 $0xFFFFFB00  }
0x12d: {  	[tilespmem:s7], [sflag:$0x5] =	stream.indirect.gather [hbm4b:s5+s31], $0x80, s14, s31, $0xb8;
	[tilespmem:$0x1E960] =	vst v63  }
0x12e: {  	_ =	swait.ge [sflag:s29], $0x2800  }
0x12f: {  	[sflag:s29] =	ssyncset.done $0x0  }
0x130: {  	s10 =	simm.s32 $0x26C0;
	[sflag:s29] =	ssyncadd.s32 $0xFFFFD800  }
0x131: {  	[tilespmem:s8], [sflag:$0x5] =	stream.indirect.gather [hbm4b:s6+s31], $0x10, s10, s31, $0xb8;
	[tilespmem:$0x1E960] =	vst v63  }
0x132: {  	_ =	swait.ge [sflag:s29], $0x500  }
0x133: {  	[sflag:s29] =	ssyncset.done $0x0  }
0x134: {  	[sflag:s29] =	ssyncadd.s32 $0xFFFFFB00  }
0x135: {  	[spmem:s2] =	stream.indirect.scatter.add.f32 [tilespmem:s7], [sflag:$0x5], $0x80, s10, s31, $0xb8;
	[tilespmem:$0x1E960] =	vst v63  }
0x136: {  	_ =	swait.ge [sflag:s29], $0x2800  }
0x137: {  	[sflag:s29] =	ssyncset.done $0x0  }
0x138: {  	[sflag:s29] =	ssyncadd.s32 $0xFFFFD800  }
0x139: {  	[spmem:s3] =	stream.indirect.scatter.add.f32 [tilespmem:s8], [sflag:$0x5], $0x10, s14, s31, $0xb8;
	[tilespmem:$0x1E960] =	vst v63  }
0x13a: {  	_ =	swait.ge [sflag:s29], $0x500  }
0x13b: {  	[sflag:s29] =	ssyncset.done $0x0  }
0x13c: {  	[sflag:s29] =	ssyncadd.s32 $0xFFFFFB00  }
0x13d: {  	[bflag:$0x0] =	sbarrier.arrive $0xFFFF  }
0x13e: {  	s18 =	rddreg [dreg:$0x6]  }
0x13f: {  	[tilespmem:s1], [sflag:$0x5] =	stream.linear.gather [spmem:s18], $0x2800, $0x38;
	[tilespmem:$0x1E960] =	vst v63  }
0x140: {  	_ =	swait.ge [sflag:s29], $0x2800  }
0x141: {  	[sflag:s29] =	ssyncset.done $0x0  }
0x142: {  	s20 =	simm.s32 $0x0;
	s21 =	rddreg [dreg:$0xe];
	[sflag:s29] =	ssyncadd.s32 $0xFFFFD800  }
0x143: {  	[hbm4b:s21+s20] =	stream.linear.scatter [tilespmem:s1], [sflag:$0x1], $0x2800, $0x38;
	[tilespmem:$0x1E960] =	vst v63  }
0x144: {  	s26 =	sadd.s32 $0xFFFFD800, s22  }
0x145: {  	[tilespmem:s7], [sflag:$0x5] =	stream.linear.gather [spmem:s26], $0x2800, $0x38;
	[tilespmem:$0x1E960] =	vst v63  }
0x146: {  	_ =	swait.ge [sflag:s29], $0x2800  }
0x147: {  	s10 =	sadd.s32 $0x0, s23;
	[sflag:s29] =	ssyncset.done $0x0  }
0x148: {  	s18 =	sadd.s32 $0x500, s10;
	[sflag:s29] =	ssyncadd.s32 $0xFFFFD800  }
0x149: {  	[hbm4b:s18+s4] =	stream.linear.scatter [tilespmem:s7], [sflag:$0x1], $0x2800, $0x38;
	[tilespmem:$0x1E960] =	vst v63  }
0x14a: {  	s20 =	sadd.s32 $0xFFFFFB00, s28  }
0x14b: {  	[tilespmem:s0], [sflag:$0x5] =	stream.linear.gather [spmem:s20], $0x500, $0x38;
	[tilespmem:$0x1E960] =	vst v63  }
0x14c: {  	_ =	swait.ge [sflag:s29], $0x500  }
0x14d: {  	s21 =	sadd.s32 s24, s15;
	[sflag:s29] =	ssyncset.done $0x0  }
0x14e: {  	s26 =	sadd.s32 $0xFFFFFF60, s21;
	[sflag:s29] =	ssyncadd.s32 $0xFFFFFB00  }
0x14f: {  	[hbm4b:s26+s4] =	stream.linear.scatter [tilespmem:s0], [sflag:$0x5], $0x500, $0x38;
	[tilespmem:$0x1E960] =	vst v63  }
0x150: {  	_ =	swait.ge [sflag:s29], $0x500  }
0x151: {  	[sflag:s29] =	ssyncset.done $0x0  }
0x152: {  	[sflag:s29] =	ssyncadd.s32 $0xFFFFFB00  }
0x153: {  	_ =	swait.ge [sflag:s16], $0x2800  }
0x154: {  	[sflag:s16] =	ssyncset.done $0x0  }
0x155: {  	[sflag:s16] =	ssyncadd.s32 $0xFFFFD800  }
0x156: {  	[tilespmem:s1], [sflag:$0x5] =	stream.linear.gather [spmem:s22], $0x2800, $0x38;
	[tilespmem:$0x1E960] =	vst v63  }
0x157: {  	_ =	swait.ge [sflag:s29], $0x2800  }
0x158: {  	[sflag:s29] =	ssyncset.done $0x0  }
0x159: {  	s9 =	sadd.s32 $0xA00, s10;
	[sflag:s29] =	ssyncadd.s32 $0xFFFFD800  }
0x15a: {  	[hbm4b:s9+s4] =	stream.linear.scatter [tilespmem:s1], [sflag:$0x1], $0x2800, $0x38;
	[tilespmem:$0x1E960] =	vst v63  }
0x15b: {  	_ = 	snop  }
0x15c: {  	[tilespmem:s0], [sflag:$0x5] =	stream.linear.gather [spmem:s28], $0x500, $0x38;
	[tilespmem:$0x1E960] =	vst v63  }
0x15d: {  	_ =	swait.ge [sflag:s29], $0x500  }
0x15e: {  	[sflag:s29] =	ssyncset.done $0x0  }
0x15f: {  	[sflag:s29] =	ssyncadd.s32 $0xFFFFFB00  }
0x160: {  	[hbm4b:s21+s4] =	stream.linear.scatter [tilespmem:s0], [sflag:$0x5], $0x500, $0x38;
	[tilespmem:$0x1E960] =	vst v63  }
0x161: {  	_ =	swait.ge [sflag:s29], $0x500  }
0x162: {  	[sflag:s29] =	ssyncset.done $0x0  }
0x163: {  	[sflag:s29] =	ssyncadd.s32 $0xFFFFFB00  }
0x164: {  	s18 =	sadd.s32 $0xA00, s28;
	s20 =	smov.u32 s22;
	_ =	swait.ge [sflag:s16], $0x2800  }
0x165: {  	s26 =	simm.s32 $0xA00;
	s21 =	smov.u32 s24;
	[sflag:s16] =	ssyncset.done $0x0  }
.LBB2_6:
0x166: {  	[sflag:s16] =	ssyncadd.s32 $0xFFFFD800  }
0x167: {  	s20 =	sadd.s32 $0x5000, s20;
	s21 =	sadd.s32 $0x140, s21;
	s9 =	smov.u32 s26  }
0x168: {  	p0 =	sne.s32 s26, $0x1400;
	s26 =	sadd.s32 $0xA00, s26;
	s14 =	sadd.s32 $0xFFFFD800, s20  }
0x169: {  	[tilespmem:s7], [sflag:$0x5] =	stream.linear.gather [spmem:s14], $0x2800, $0x38;
	[tilespmem:$0x1E960] =	vst v63  }
0x16a: {  	_ =	swait.ge [sflag:s29], $0x2800  }
0x16b: {  	s9 =	sadd.s32 s9, s23;
	[sflag:s29] =	ssyncset.done $0x0  }
0x16c: {  	s14 =	sadd.s32 $0x500, s9;
	[sflag:s29] =	ssyncadd.s32 $0xFFFFD800  }
0x16d: {  	[hbm4b:s14+s4] =	stream.linear.scatter [tilespmem:s7], [sflag:$0x1], $0x2800, $0x38;
	[tilespmem:$0x1E960] =	vst v63  }
0x16e: {  	s14 =	sadd.s32 $0xFFFFFB00, s18  }
0x16f: {  	[tilespmem:s0], [sflag:$0x5] =	stream.linear.gather [spmem:s14], $0x500, $0x38;
	[tilespmem:$0x1E960] =	vst v63  }
0x170: {  	_ =	swait.ge [sflag:s29], $0x500  }
0x171: {  	s14 =	sadd.s32 s21, s15;
	[sflag:s29] =	ssyncset.done $0x0  }
0x172: {  	s10 =	sadd.s32 $0xFFFFFF60, s14;
	[sflag:s29] =	ssyncadd.s32 $0xFFFFFB00  }
0x173: {  	[hbm4b:s10+s4] =	stream.linear.scatter [tilespmem:s0], [sflag:$0x5], $0x500, $0x38;
	[tilespmem:$0x1E960] =	vst v63  }
0x174: {  	_ =	swait.ge [sflag:s29], $0x500  }
0x175: {  	[sflag:s29] =	ssyncset.done $0x0  }
0x176: {  	[sflag:s29] =	ssyncadd.s32 $0xFFFFFB00  }
0x177: {  	_ =	swait.ge [sflag:s16], $0x2800  }
0x178: {  	[sflag:s16] =	ssyncset.done $0x0  }
0x179: {  	[sflag:s16] =	ssyncadd.s32 $0xFFFFD800  }
0x17a: {  	[tilespmem:s1], [sflag:$0x5] =	stream.linear.gather [spmem:s20], $0x2800, $0x38;
	[tilespmem:$0x1E960] =	vst v63  }
0x17b: {  	_ =	swait.ge [sflag:s29], $0x2800  }
0x17c: {  	[sflag:s29] =	ssyncset.done $0x0  }
0x17d: {  	s9 =	sadd.s32 $0xA00, s9;
	[sflag:s29] =	ssyncadd.s32 $0xFFFFD800  }
0x17e: {  	[hbm4b:s9+s4] =	stream.linear.scatter [tilespmem:s1], [sflag:$0x1], $0x2800, $0x38;
	[tilespmem:$0x1E960] =	vst v63  }
0x17f: {  	_ = 	snop  }
0x180: {  	[tilespmem:s0], [sflag:$0x5] =	stream.linear.gather [spmem:s18], $0x500, $0x38;
	[tilespmem:$0x1E960] =	vst v63  }
0x181: {  	_ =	swait.ge [sflag:s29], $0x500  }
0x182: {  	[sflag:s29] =	ssyncset.done $0x0  }
0x183: {  	[sflag:s29] =	ssyncadd.s32 $0xFFFFFB00  }
0x184: {  	[hbm4b:s14+s4] =	stream.linear.scatter [tilespmem:s0], [sflag:$0x5], $0x500, $0x38;
	[tilespmem:$0x1E960] =	vst v63  }
.Ltmp2:
0x185: {  	_ =	swait.ge [sflag:s29], $0x500;
	(pc) =	sbr.rel @p0 .LBB2_6-.Ltmp2, $4  }
0x186: {  	[sflag:s29] =	ssyncset.done $0x0  }
0x187: {  	[sflag:s29] =	ssyncadd.s32 $0xFFFFFB00  }
0x188: {  	_ =	swait.ge [sflag:s16], $0x2800  }
0x189: {  	s18 =	sadd.s32 $0xA00, s18;
	[sflag:s16] =	ssyncset.done $0x0  }
0x18a: {  	[sflag:s16] =	ssyncadd.s32 $0xFFFFD800;
	s9 =	rddreg [dreg:$0xb]  }
0x18b: {  	[tilespmem:s7], [sflag:$0x5] =	stream.linear.gather [spmem:s9], $0x2800, $0x38;
	[tilespmem:$0x1E960] =	vst v63  }
0x18c: {  	_ =	swait.ge [sflag:s29], $0x2800  }
0x18d: {  	s26 =	rddreg [dreg:$0x9]  }
0x18e: {  	[sflag:s29] =	ssyncset.done $0x0;
	s10 =	rddreg [dreg:$0xc]  }
0x18f: {  	[sflag:s29] =	ssyncadd.s32 $0xFFFFD800;
	s9 =	sadd.s32 s26, s10  }
0x190: {  	[hbm4b:s9+s4] =	stream.linear.scatter [tilespmem:s7], [sflag:$0x1], $0x2800, $0x38;
	[tilespmem:$0x1E960] =	vst v63  }
0x191: {  	s14 =	rddreg [dreg:$0xd]  }
0x192: {  	[tilespmem:s0], [sflag:$0x5] =	stream.linear.gather [spmem:s14], $0x500, $0x38;
	[tilespmem:$0x1E960] =	vst v63  }
0x193: {  	_ =	swait.ge [sflag:s29], $0x500  }
0x194: {  	[sflag:s29] =	ssyncset.done $0x0  }
0x195: {  	s18 =	rddreg [dreg:$0xf];
	[sflag:s29] =	ssyncadd.s32 $0xFFFFFB00  }
0x196: {  	[hbm4b:s18+s4] =	stream.linear.scatter [tilespmem:s0], [sflag:$0x5], $0x500, $0x38;
	[tilespmem:$0x1E960] =	vst v63  }
0x197: {  	_ =	swait.ge [sflag:s29], $0x500  }
0x198: {  	[sflag:s29] =	ssyncset.done $0x0  }
0x199: {  	[sflag:s29] =	ssyncadd.s32 $0xFFFFFB00  }
0x19a: {  	_ =	swait.ge [sflag:s16], $0x2800  }
0x19b: {  	[sflag:s16] =	ssyncset.done $0x0  }
0x19c: {  	s20 =	rddreg [dreg:$0x11];
	[sflag:s16] =	ssyncadd.s32 $0xFFFFD800  }
0x19d: {  	[tilespmem:s0], [sflag:$0x5] =	stream.linear.gather [spmem:s20], $0x500, $0x38;
	[tilespmem:$0x1E960] =	vst v63  }
0x19e: {  	_ =	swait.ge [sflag:s29], $0x500  }
0x19f: {  	[sflag:s29] =	ssyncset.done $0x0  }
0x1a0: {  	s21 =	rddreg [dreg:$0x10];
	[sflag:s29] =	ssyncadd.s32 $0xFFFFFB00  }
0x1a1: {  	[hbm4b:s21+s4] =	stream.linear.scatter [tilespmem:s0], [sflag:$0x5], $0x500, $0x38;
	[tilespmem:$0x1E960] =	vst v63  }
0x1a2: {  	_ =	swait.ge [sflag:s29], $0x500  }
0x1a3: {  	[sflag:s29] =	ssyncset.done $0x0  }
0x1a4: {  	[sflag:s29] =	ssyncadd.s32 $0xFFFFFB00  }
0x1a5: {  	_ =	swait.ge [sflag:s16], $0x2800  }
0x1a6: {  	s25 =	sadd.s32 $0x1, s25;
	s26 =	rddreg [dreg:$0xa]  }
0x1a7: {  	p0 =	sne.s32 s25, s26  }
.Ltmp3:
0x1a8: {  	_ = 	snop;
	(pc) =	sbr.rel @p0 .LBB2_1-.Ltmp3, $3  }
0x1a9: {  	_ =	sdelay $0x1  }
0x1aa: {  	[sflag:s16] =	ssyncset.done $0x0  }
0x1ab: {  	[sflag:s16] =	ssyncadd.s32 $0xFFFFD800  }
0x1ac: {  	_ =	sfence.sel $0x180000  }
0x1ad: {  	[bflag:$0x0] =	sbarrier.arrive $0xFFFF  }
0x1ae: {  	_ =	strace $0x9000004A  }
0x1af: {  	s0 =	stileid.u32;
	[bflag:$0x2] =	sbarrier.arrive $0xFFFF  }
0x1b0: {  	p0 =	sne.s32 s0, $0x0;
	s0 =	rddreg [dreg:$0x3]  }
0x1b1: {  	s0 =	sadd.s32 @!p0 $0x100000, s0  }
0x1b2: {  	[sflag:s0] =	ssyncadd.tile.s32 @!p0 $0x1;
	_ =	shalt  }
.Lfunc_end2:
_tile_overlayer_lowered:
.L_overlay_start_2:
0x1b3: {  	(tag) =	ssettag $0x2  }
0x1b4: {  	s0 =	rddreg [dreg:$0x0];
	s2 =	stileid.u32  }
0x1b5: {  	s1 =	rddreg [dreg:$0x1];
	p0 =	sne.s32 s2, $0x0  }
0x1b6: {  	s3 =	rddreg [dreg:$0x2];
	[bflag:$0x3] =	sbarrier.arrive $0xFFFF;
	s2 =	simm.s32 @!p0 $0x1C05  }
0x1b7: {  	[timem:s3], [sflag:s2] =	dma.local @!p0 [hbm:s0], s1  }
0x1b8: {  	s0 =	simm.s32 @!p0 $0x5  }
0x1b9: {  	_ =	swait.ge @!p0 [sflag:s0], s1  }
0x1ba: {  	s1 =	ssub.s32 @!p0 $0x0, s1;
	[sflag:s0] =	ssyncset.done @!p0 $0x0  }
0x1bb: {  	[sflag:s0] =	ssyncadd.s32 @!p0 s1  }
0x1bc: {  	[bflag:$0x3] =	sbarrier.arrive $0xFFFF  }
0x1bd: {  	_ =	shalt  }

</sc_bundles>
